<compile_context>
chip_gen: v7x
topology: tpu7x:2x2x1
jax: 0.10.2.dev20260603
libtpu: 0.0.44.dev20260713+nightly
codegen_flags: <defaults>
</compile_context>

<pallas_src>
import functools

import jax
import jax.numpy as jnp
from jax import lax
from jax.experimental import pallas as pl
from jax.experimental.pallas import tpu as pltpu
from jax.experimental.pallas import tpu_sc as plsc

DIM = 1024
NUM_EXPERTS = 16
N_FRQ = 3000
TOPK = 8
BATCH = 64
NN = DIM * DIM

NSC = 2
NTILE = 16
ROWS_PER_SC = BATCH // NSC
HALF = NN // 2
CHUNK = 1504
NVEC = CHUNK // 16
CROWS = 12
TSLICE = HALF // NTILE


def _route_body(cls_ref, rw_ref, rb_ref, li_ref, idx_ref):
    logits = lax.dot_general(
        cls_ref[...], rw_ref[...], (((1,), (1,)), ((), ())),
        preferred_element_type=jnp.float32,
    ) + rb_ref[...][None, :]
    m = jnp.max(logits, axis=1, keepdims=True)
    e = jnp.exp(logits - m)
    probs = e / jnp.sum(e, axis=1, keepdims=True)

    iota_e = lax.broadcasted_iota(jnp.int32, (BATCH, NUM_EXPERTS), 1)
    work = probs
    experts = []
    for _ in range(TOPK):
        mx = jnp.max(work, axis=1, keepdims=True)
        cand = jnp.where(work == mx, iota_e, NUM_EXPERTS)
        ek = jnp.min(cand, axis=1, keepdims=True)
        experts.append(ek)
        work = jnp.where(iota_e == ek, -jnp.inf, work)
    exp_idx = jnp.concatenate(experts, axis=1)

    idx_ref[...] = jnp.full((BATCH, NTILE * CHUNK), NN, jnp.int32)

    li_f = li_ref[...].astype(jnp.float32)
    onehot_iota = lax.broadcasted_iota(jnp.int32, (BATCH, NUM_EXPERTS), 1)
    for k in range(TOPK):
        onehot = (onehot_iota == exp_idx[:, k:k + 1]).astype(jnp.float32)
        sel = lax.dot_general(
            onehot, li_f, (((1,), (0,)), ((), ())),
            preferred_element_type=jnp.float32,
            precision=lax.Precision.HIGHEST,
        )
        sel_i = sel.astype(jnp.int32)
        idx_ref[:, pl.ds((2 * k) * CHUNK, 1500)] = sel_i[:, :1500]
        idx_ref[:, pl.ds((2 * k + 1) * CHUNK, 1500)] = sel_i[:, 1500:]


def _route(cls_token, router_w, router_b, li):
    return pl.pallas_call(
        _route_body,
        out_shape=jax.ShapeDtypeStruct((BATCH, NTILE * CHUNK), jnp.int32),
    )(cls_token, router_w, router_b, li)


def _sc_body(idx_hbm, zrow_hbm, out_hbm, idx_v, comp2d, ones_v,
             buf0, buf1, ssem, dsem, rsem):
    cid = lax.axis_index("c")
    sid = lax.axis_index("s")

    for i in range(CROWS):
        for j in range(8):
            ones_v[i, pl.ds(j * 16, 16)] = jnp.ones((16,), jnp.float32)
    pad16 = jnp.full((16,), HALF, jnp.int32) + lax.iota(jnp.int32, 16)
    comp2d[CROWS - 1, pl.ds(96, 16)] = pad16
    comp2d[CROWS - 1, pl.ds(112, 16)] = pad16

    def zslice():
        return zrow_hbm.at[pl.ds(sid * TSLICE, TSLICE)]

    def bslice(buf):
        return buf.at[pl.ds(sid * TSLICE, TSLICE)]

    for buf in (buf0, buf1):
        pltpu.async_copy(zslice(), bslice(buf), rsem)
    for buf in (buf0, buf1):
        pltpu.make_async_copy(zslice(), bslice(buf), rsem).wait()

    plsc.subcore_barrier()

    def row_step(i, _):
        r = cid * ROWS_PER_SC + i
        pltpu.sync_copy(idx_hbm.at[r * NTILE + sid], idx_v)

        for h, buf in ((0, buf0), (1, buf1)):
            @pl.when(i >= 1)
            def _(h=h, buf=buf):
                base = (r - 1) * NN + h * HALF
                pltpu.make_async_copy(
                    bslice(buf),
                    out_hbm.at[pl.ds(base + sid * TSLICE, TSLICE)],
                    dsem).wait()
                pltpu.async_copy(zslice(), bslice(buf), rsem)

            lo = h * HALF

            def comp_body(i2, _, lo=lo):
                v = idx_v[pl.ds(i2 * 16, 16)]
                inh = (v >= lo) & (v < lo + HALF)
                w = jnp.where(inh, v - lo, pad16)
                comp2d[i2 // 8, pl.ds((i2 % 8) * 16, 16)] = w
                return ()
            lax.fori_loop(0, NVEC, comp_body, ())

            @pl.when(i >= 1)
            def _(buf=buf):
                pltpu.make_async_copy(zslice(), bslice(buf), rsem).wait()
            plsc.subcore_barrier()

            for q in range(CROWS):
                pltpu.async_copy(ones_v.at[q], buf.at[comp2d.at[q]], ssem)
            for q in range(CROWS):
                pltpu.make_async_copy(ones_v.at[q], buf.at[comp2d.at[q]],
                                      ssem).wait()
            plsc.subcore_barrier()

            base = r * NN + h * HALF
            pltpu.async_copy(
                bslice(buf),
                out_hbm.at[pl.ds(base + sid * TSLICE, TSLICE)], dsem)
        return ()

    lax.fori_loop(0, ROWS_PER_SC, row_step, ())

    rlast = cid * ROWS_PER_SC + ROWS_PER_SC - 1
    for h, buf in ((0, buf0), (1, buf1)):
        base = rlast * NN + h * HALF
        pltpu.make_async_copy(
            bslice(buf),
            out_hbm.at[pl.ds(base + sid * TSLICE, TSLICE)], dsem).wait()


@functools.partial(
    pl.kernel,
    out_type=jax.ShapeDtypeStruct((BATCH * NN,), jnp.float32),
    mesh=plsc.VectorSubcoreMesh(core_axis_name="c", subcore_axis_name="s",
                                num_cores=2, num_subcores=16),
    scratch_types=[
        pltpu.VMEM((CHUNK,), jnp.int32),
        pltpu.VMEM((CROWS, 128), jnp.int32),
        pltpu.VMEM((CROWS, 128), jnp.float32),
        pltpu.VMEM_SHARED((HALF + 16,), jnp.float32),
        pltpu.VMEM_SHARED((HALF + 16,), jnp.float32),
        pltpu.SemaphoreType.DMA,
        pltpu.SemaphoreType.DMA,
        pltpu.SemaphoreType.DMA,
    ],
)
def _sc_scatter(idx_hbm, zrow_hbm, out_hbm, idx_v, comp2d, ones_v,
                buf0, buf1, ssem, dsem, rsem):
    _sc_body(idx_hbm, zrow_hbm, out_hbm, idx_v, comp2d, ones_v,
             buf0, buf1, ssem, dsem, rsem)


def kernel(cls_token, router_w, router_b, list_indices):
    li = list_indices.astype(jnp.int32)
    idx = _route(cls_token, router_w, router_b, li)
    idx3 = idx.reshape(BATCH * NTILE, CHUNK)
    zrow = jnp.zeros((HALF,), jnp.float32)
    out_flat = _sc_scatter(idx3, zrow)
    return out_flat.reshape(BATCH, DIM, DIM)

# --- scband reference (transcript-rebuilt; emitter-appended) ---
"""Pipeline reference for scband-inverse-mo-e-30691836297576 (READ-ONLY COPY).

The authoritative reference and input builder live on the scoring server;
editing this copy changes nothing except your own understanding.
"""

import jax, jax.numpy as jnp
import numpy as np

DIM = 1024
NUM_EXPERTS = 16
N_FRQ = 3000
TOPK = 8
BATCH = 64


def setup_inputs(seed: int = 0) -> dict:
    key = jax.random.key(seed)
    k1, k2, k3 = jax.random.split(key, 3)
    cls_token = jax.random.normal(k1, (BATCH, DIM), dtype=jnp.float32)
    # router = nn.Linear(dim, num_experts)
    bound = 1.0 / np.sqrt(DIM)
    router_w = jax.random.uniform(k2, (NUM_EXPERTS, DIM), dtype=jnp.float32, minval=-bound, maxval=bound)
    router_b = jax.random.uniform(k3, (NUM_EXPERTS,), dtype=jnp.float32, minval=-bound, maxval=bound)
    # full_permutation = torch.randperm(dim*dim, seed=42); list_indices = stacked slices
    perm = np.random.default_rng(42).permutation(DIM * DIM)
    list_indices = jnp.asarray(perm[: NUM_EXPERTS * N_FRQ].reshape(NUM_EXPERTS, N_FRQ), dtype=jnp.int64)
    return {"cls_token": cls_token, "router_w": router_w, "router_b": router_b, "list_indices": list_indices}


def reference(cls_token, router_w, router_b, list_indices):
    B = cls_token.shape[0]
    N = DIM
    router_logits = cls_token @ router_w.T + router_b  # [B, E]
    probs = jax.nn.softmax(router_logits, axis=-1)
    _, batch_expert_indices = jax.lax.top_k(probs, TOPK)  # [B, topk]
    all_selected_indices = jnp.take(list_indices, batch_expert_indices, axis=0)  # [B, topk, n_frq]
    indices_flat = all_selected_indices.reshape(B, -1).astype(jnp.int32)  # [B, topk*n_frq]
    binary_matrix_flat = jnp.zeros((B, N * N), dtype=jnp.float32)
    row_idx = jnp.arange(B, dtype=jnp.int32)[:, None]
    binary_matrix_flat = binary_matrix_flat.at[row_idx, indices_flat].set(1.0)
    return binary_matrix_flat.reshape(B, N, N)

if __name__ == "__main__":
    import jax
    _d = setup_inputs()
    print(jax.jit(kernel)(*tuple(_d.values())))

</pallas_src>

<mosaic_0001>
#map = affine_map<(d0, d1) -> (0, 0)>
#map1 = affine_map<(d0, d1) -> (0)>
module attributes {stable_mosaic.version = 14 : i64} {
  func.func @_sc_scatter(%arg0: i32, %arg1: i32, %arg2: memref<1024x1504xi32, #tpu.memory_space<hbm>>, %arg3: memref<524288xf32, #tpu.memory_space<hbm>>, %arg4: memref<67108864xf32, #tpu.memory_space<hbm>>, %arg5: memref<1504xi32, #tpu.memory_space<vmem>>, %arg6: memref<12x128xi32, #tpu.memory_space<vmem>>, %arg7: memref<12x128xf32, #tpu.memory_space<vmem>>, %arg8: memref<524304xf32, #tpu.memory_space<vmem_shared>>, %arg9: memref<524304xf32, #tpu.memory_space<vmem_shared>>, %arg10: memref<!tpu.dma_semaphore, #tpu.memory_space<semaphore_mem>>, %arg11: memref<!tpu.dma_semaphore, #tpu.memory_space<semaphore_mem>>, %arg12: memref<!tpu.dma_semaphore, #tpu.memory_space<semaphore_mem>>) attributes {dimension_semantics = [#tpu.dimension_semantics<core_parallel>, #tpu.dimension_semantics<subcore_parallel>], iteration_bounds = array<i64: 2, 16>, scalar_prefetch = 0 : i64, scratch_operands = 8 : i64, tpu.core_type = #tpu.core_type<sc_vector_subcore>, window_params = [{transform_indices = #map}, {transform_indices = #map1}, {transform_indices = #map1}]} {
    %broadcast_in_dim3A = arith.constant 1.000000e+00 : f32
    %broadcast_in_dim3A_0 = vector.broadcast %broadcast_in_dim3A : f32 to vector<16xf32>
    %swap3A = arith.constant 0 : i32
    %swap3A_1 = arith.index_cast %swap3A : i32 to index
    %swap3A_2 = arith.constant 0 : index
    %swap3A_3 = tpu.vector_load %arg7[%swap3A_1, %swap3A_2] {strides = array<i32>} : memref<12x128xf32, #tpu.memory_space<vmem>>, vector<1x16xf32>,
    %swap3A_4 = vector.shape_cast %swap3A_3 : vector<1x16xf32> to vector<16xf32>
    %swap3A_5 = vector.shape_cast %broadcast_in_dim3A_0 : vector<16xf32> to vector<1x16xf32>
    tpu.vector_store %arg7[%swap3A_1, %swap3A_2], %swap3A_5 {strides = array<i32>} : memref<12x128xf32, #tpu.memory_space<vmem>>, vector<1x16xf32>,
    %broadcast_in_dim3A_6 = arith.constant 1.000000e+00 : f32
    %broadcast_in_dim3A_7 = vector.broadcast %broadcast_in_dim3A_6 : f32 to vector<16xf32>
    %swap3A_8 = arith.constant 0 : i32
    %swap3A_9 = arith.index_cast %swap3A_8 : i32 to index
    %swap3A_10 = arith.constant 16 : index
    %swap3A_11 = tpu.vector_load %arg7[%swap3A_9, %swap3A_10] {strides = array<i32>} : memref<12x128xf32, #tpu.memory_space<vmem>>, vector<1x16xf32>,
    %swap3A_12 = vector.shape_cast %swap3A_11 : vector<1x16xf32> to vector<16xf32>
    %swap3A_13 = vector.shape_cast %broadcast_in_dim3A_7 : vector<16xf32> to vector<1x16xf32>
    tpu.vector_store %arg7[%swap3A_9, %swap3A_10], %swap3A_13 {strides = array<i32>} : memref<12x128xf32, #tpu.memory_space<vmem>>, vector<1x16xf32>,
    %broadcast_in_dim3A_14 = arith.constant 1.000000e+00 : f32
    %broadcast_in_dim3A_15 = vector.broadcast %broadcast_in_dim3A_14 : f32 to vector<16xf32>
    %swap3A_16 = arith.constant 0 : i32
    %swap3A_17 = arith.index_cast %swap3A_16 : i32 to index
    %swap3A_18 = arith.constant 32 : index
    %swap3A_19 = tpu.vector_load %arg7[%swap3A_17, %swap3A_18] {strides = array<i32>} : memref<12x128xf32, #tpu.memory_space<vmem>>, vector<1x16xf32>,
    %swap3A_20 = vector.shape_cast %swap3A_19 : vector<1x16xf32> to vector<16xf32>
    %swap3A_21 = vector.shape_cast %broadcast_in_dim3A_15 : vector<16xf32> to vector<1x16xf32>
    tpu.vector_store %arg7[%swap3A_17, %swap3A_18], %swap3A_21 {strides = array<i32>} : memref<12x128xf32, #tpu.memory_space<vmem>>, vector<1x16xf32>,
    %broadcast_in_dim3A_22 = arith.constant 1.000000e+00 : f32
    %broadcast_in_dim3A_23 = vector.broadcast %broadcast_in_dim3A_22 : f32 to vector<16xf32>
    %swap3A_24 = arith.constant 0 : i32
    %swap3A_25 = arith.index_cast %swap3A_24 : i32 to index
    %swap3A_26 = arith.constant 48 : index
    %swap3A_27 = tpu.vector_load %arg7[%swap3A_25, %swap3A_26] {strides = array<i32>} : memref<12x128xf32, #tpu.memory_space<vmem>>, vector<1x16xf32>,
    %swap3A_28 = vector.shape_cast %swap3A_27 : vector<1x16xf32> to vector<16xf32>
    %swap3A_29 = vector.shape_cast %broadcast_in_dim3A_23 : vector<16xf32> to vector<1x16xf32>
    tpu.vector_store %arg7[%swap3A_25, %swap3A_26], %swap3A_29 {strides = array<i32>} : memref<12x128xf32, #tpu.memory_space<vmem>>, vector<1x16xf32>,
    %broadcast_in_dim3A_30 = arith.constant 1.000000e+00 : f32
    %broadcast_in_dim3A_31 = vector.broadcast %broadcast_in_dim3A_30 : f32 to vector<16xf32>
    %swap3A_32 = arith.constant 0 : i32
    %swap3A_33 = arith.index_cast %swap3A_32 : i32 to index
    %swap3A_34 = arith.constant 64 : index
    %swap3A_35 = tpu.vector_load %arg7[%swap3A_33, %swap3A_34] {strides = array<i32>} : memref<12x128xf32, #tpu.memory_space<vmem>>, vector<1x16xf32>,
    %swap3A_36 = vector.shape_cast %swap3A_35 : vector<1x16xf32> to vector<16xf32>
    %swap3A_37 = vector.shape_cast %broadcast_in_dim3A_31 : vector<16xf32> to vector<1x16xf32>
    tpu.vector_store %arg7[%swap3A_33, %swap3A_34], %swap3A_37 {strides = array<i32>} : memref<12x128xf32, #tpu.memory_space<vmem>>, vector<1x16xf32>,
    %broadcast_in_dim3A_38 = arith.constant 1.000000e+00 : f32
    %broadcast_in_dim3A_39 = vector.broadcast %broadcast_in_dim3A_38 : f32 to vector<16xf32>
    %swap3A_40 = arith.constant 0 : i32
    %swap3A_41 = arith.index_cast %swap3A_40 : i32 to index
    %swap3A_42 = arith.constant 80 : index
    %swap3A_43 = tpu.vector_load %arg7[%swap3A_41, %swap3A_42] {strides = array<i32>} : memref<12x128xf32, #tpu.memory_space<vmem>>, vector<1x16xf32>,
    %swap3A_44 = vector.shape_cast %swap3A_43 : vector<1x16xf32> to vector<16xf32>
    %swap3A_45 = vector.shape_cast %broadcast_in_dim3A_39 : vector<16xf32> to vector<1x16xf32>
    tpu.vector_store %arg7[%swap3A_41, %swap3A_42], %swap3A_45 {strides = array<i32>} : memref<12x128xf32, #tpu.memory_space<vmem>>, vector<1x16xf32>,
    %broadcast_in_dim3A_46 = arith.constant 1.000000e+00 : f32
    %broadcast_in_dim3A_47 = vector.broadcast %broadcast_in_dim3A_46 : f32 to vector<16xf32>
    %swap3A_48 = arith.constant 0 : i32
    %swap3A_49 = arith.index_cast %swap3A_48 : i32 to index
    %swap3A_50 = arith.constant 96 : index
    %swap3A_51 = tpu.vector_load %arg7[%swap3A_49, %swap3A_50] {strides = array<i32>} : memref<12x128xf32, #tpu.memory_space<vmem>>, vector<1x16xf32>,
    %swap3A_52 = vector.shape_cast %swap3A_51 : vector<1x16xf32> to vector<16xf32>
    %swap3A_53 = vector.shape_cast %broadcast_in_dim3A_47 : vector<16xf32> to vector<1x16xf32>
    tpu.vector_store %arg7[%swap3A_49, %swap3A_50], %swap3A_53 {strides = array<i32>} : memref<12x128xf32, #tpu.memory_space<vmem>>, vector<1x16xf32>,
    %broadcast_in_dim3A_54 = arith.constant 1.000000e+00 : f32
    %broadcast_in_dim3A_55 = vector.broadcast %broadcast_in_dim3A_54 : f32 to vector<16xf32>
    %swap3A_56 = arith.constant 0 : i32
    %swap3A_57 = arith.index_cast %swap3A_56 : i32 to index
    %swap3A_58 = arith.constant 112 : index
    %swap3A_59 = tpu.vector_load %arg7[%swap3A_57, %swap3A_58] {strides = array<i32>} : memref<12x128xf32, #tpu.memory_space<vmem>>, vector<1x16xf32>,
    %swap3A_60 = vector.shape_cast %swap3A_59 : vector<1x16xf32> to vector<16xf32>
    %swap3A_61 = vector.shape_cast %broadcast_in_dim3A_55 : vector<16xf32> to vector<1x16xf32>
    tpu.vector_store %arg7[%swap3A_57, %swap3A_58], %swap3A_61 {strides = array<i32>} : memref<12x128xf32, #tpu.memory_space<vmem>>, vector<1x16xf32>,
    %broadcast_in_dim3A_62 = arith.constant 1.000000e+00 : f32
    %broadcast_in_dim3A_63 = vector.broadcast %broadcast_in_dim3A_62 : f32 to vector<16xf32>
    %swap3A_64 = arith.constant 1 : i32
    %swap3A_65 = arith.index_cast %swap3A_64 : i32 to index
    %swap3A_66 = arith.constant 0 : index
    %swap3A_67 = tpu.vector_load %arg7[%swap3A_65, %swap3A_66] {strides = array<i32>} : memref<12x128xf32, #tpu.memory_space<vmem>>, vector<1x16xf32>,
    %swap3A_68 = vector.shape_cast %swap3A_67 : vector<1x16xf32> to vector<16xf32>
    %swap3A_69 = vector.shape_cast %broadcast_in_dim3A_63 : vector<16xf32> to vector<1x16xf32>
    tpu.vector_store %arg7[%swap3A_65, %swap3A_66], %swap3A_69 {strides = array<i32>} : memref<12x128xf32, #tpu.memory_space<vmem>>, vector<1x16xf32>,
    %broadcast_in_dim3A_70 = arith.constant 1.000000e+00 : f32
    %broadcast_in_dim3A_71 = vector.broadcast %broadcast_in_dim3A_70 : f32 to vector<16xf32>
    %swap3A_72 = arith.constant 1 : i32
    %swap3A_73 = arith.index_cast %swap3A_72 : i32 to index
    %swap3A_74 = arith.constant 16 : index
    %swap3A_75 = tpu.vector_load %arg7[%swap3A_73, %swap3A_74] {strides = array<i32>} : memref<12x128xf32, #tpu.memory_space<vmem>>, vector<1x16xf32>,
    %swap3A_76 = vector.shape_cast %swap3A_75 : vector<1x16xf32> to vector<16xf32>
    %swap3A_77 = vector.shape_cast %broadcast_in_dim3A_71 : vector<16xf32> to vector<1x16xf32>
    tpu.vector_store %arg7[%swap3A_73, %swap3A_74], %swap3A_77 {strides = array<i32>} : memref<12x128xf32, #tpu.memory_space<vmem>>, vector<1x16xf32>,
    %broadcast_in_dim3A_78 = arith.constant 1.000000e+00 : f32
    %broadcast_in_dim3A_79 = vector.broadcast %broadcast_in_dim3A_78 : f32 to vector<16xf32>
    %swap3A_80 = arith.constant 1 : i32
    %swap3A_81 = arith.index_cast %swap3A_80 : i32 to index
    %swap3A_82 = arith.constant 32 : index
    %swap3A_83 = tpu.vector_load %arg7[%swap3A_81, %swap3A_82] {strides = array<i32>} : memref<12x128xf32, #tpu.memory_space<vmem>>, vector<1x16xf32>,
    %swap3A_84 = vector.shape_cast %swap3A_83 : vector<1x16xf32> to vector<16xf32>
    %swap3A_85 = vector.shape_cast %broadcast_in_dim3A_79 : vector<16xf32> to vector<1x16xf32>
    tpu.vector_store %arg7[%swap3A_81, %swap3A_82], %swap3A_85 {strides = array<i32>} : memref<12x128xf32, #tpu.memory_space<vmem>>, vector<1x16xf32>,
    %broadcast_in_dim3A_86 = arith.constant 1.000000e+00 : f32
    %broadcast_in_dim3A_87 = vector.broadcast %broadcast_in_dim3A_86 : f32 to vector<16xf32>
    %swap3A_88 = arith.constant 1 : i32
    %swap3A_89 = arith.index_cast %swap3A_88 : i32 to index
    %swap3A_90 = arith.constant 48 : index
    %swap3A_91 = tpu.vector_load %arg7[%swap3A_89, %swap3A_90] {strides = array<i32>} : memref<12x128xf32, #tpu.memory_space<vmem>>, vector<1x16xf32>,
    %swap3A_92 = vector.shape_cast %swap3A_91 : vector<1x16xf32> to vector<16xf32>
    %swap3A_93 = vector.shape_cast %broadcast_in_dim3A_87 : vector<16xf32> to vector<1x16xf32>
    tpu.vector_store %arg7[%swap3A_89, %swap3A_90], %swap3A_93 {strides = array<i32>} : memref<12x128xf32, #tpu.memory_space<vmem>>, vector<1x16xf32>,
    %broadcast_in_dim3A_94 = arith.constant 1.000000e+00 : f32
    %broadcast_in_dim3A_95 = vector.broadcast %broadcast_in_dim3A_94 : f32 to vector<16xf32>
    %swap3A_96 = arith.constant 1 : i32
    %swap3A_97 = arith.index_cast %swap3A_96 : i32 to index
    %swap3A_98 = arith.constant 64 : index
    %swap3A_99 = tpu.vector_load %arg7[%swap3A_97, %swap3A_98] {strides = array<i32>} : memref<12x128xf32, #tpu.memory_space<vmem>>, vector<1x16xf32>,
    %swap3A_100 = vector.shape_cast %swap3A_99 : vector<1x16xf32> to vector<16xf32>
    %swap3A_101 = vector.shape_cast %broadcast_in_dim3A_95 : vector<16xf32> to vector<1x16xf32>
    tpu.vector_store %arg7[%swap3A_97, %swap3A_98], %swap3A_101 {strides = array<i32>} : memref<12x128xf32, #tpu.memory_space<vmem>>, vector<1x16xf32>,
    %broadcast_in_dim3A_102 = arith.constant 1.000000e+00 : f32
    %broadcast_in_dim3A_103 = vector.broadcast %broadcast_in_dim3A_102 : f32 to vector<16xf32>
    %swap3A_104 = arith.constant 1 : i32
    %swap3A_105 = arith.index_cast %swap3A_104 : i32 to index
    %swap3A_106 = arith.constant 80 : index
    %swap3A_107 = tpu.vector_load %arg7[%swap3A_105, %swap3A_106] {strides = array<i32>} : memref<12x128xf32, #tpu.memory_space<vmem>>, vector<1x16xf32>,
    %swap3A_108 = vector.shape_cast %swap3A_107 : vector<1x16xf32> to vector<16xf32>
    %swap3A_109 = vector.shape_cast %broadcast_in_dim3A_103 : vector<16xf32> to vector<1x16xf32>
    tpu.vector_store %arg7[%swap3A_105, %swap3A_106], %swap3A_109 {strides = array<i32>} : memref<12x128xf32, #tpu.memory_space<vmem>>, vector<1x16xf32>,
    %broadcast_in_dim3A_110 = arith.constant 1.000000e+00 : f32
    %broadcast_in_dim3A_111 = vector.broadcast %broadcast_in_dim3A_110 : f32 to vector<16xf32>
    %swap3A_112 = arith.constant 1 : i32
    %swap3A_113 = arith.index_cast %swap3A_112 : i32 to index
    %swap3A_114 = arith.constant 96 : index
    %swap3A_115 = tpu.vector_load %arg7[%swap3A_113, %swap3A_114] {strides = array<i32>} : memref<12x128xf32, #tpu.memory_space<vmem>>, vector<1x16xf32>,
    %swap3A_116 = vector.shape_cast %swap3A_115 : vector<1x16xf32> to vector<16xf32>
    %swap3A_117 = vector.shape_cast %broadcast_in_dim3A_111 : vector<16xf32> to vector<1x16xf32>
    tpu.vector_store %arg7[%swap3A_113, %swap3A_114], %swap3A_117 {strides = array<i32>} : memref<12x128xf32, #tpu.memory_space<vmem>>, vector<1x16xf32>,
    %broadcast_in_dim3A_118 = arith.constant 1.000000e+00 : f32
    %broadcast_in_dim3A_119 = vector.broadcast %broadcast_in_dim3A_118 : f32 to vector<16xf32>
    %swap3A_120 = arith.constant 1 : i32
    %swap3A_121 = arith.index_cast %swap3A_120 : i32 to index
    %swap3A_122 = arith.constant 112 : index
    %swap3A_123 = tpu.vector_load %arg7[%swap3A_121, %swap3A_122] {strides = array<i32>} : memref<12x128xf32, #tpu.memory_space<vmem>>, vector<1x16xf32>,
    %swap3A_124 = vector.shape_cast %swap3A_123 : vector<1x16xf32> to vector<16xf32>
    %swap3A_125 = vector.shape_cast %broadcast_in_dim3A_119 : vector<16xf32> to vector<1x16xf32>
    tpu.vector_store %arg7[%swap3A_121, %swap3A_122], %swap3A_125 {strides = array<i32>} : memref<12x128xf32, #tpu.memory_space<vmem>>, vector<1x16xf32>,
    %broadcast_in_dim3A_126 = arith.constant 1.000000e+00 : f32
    %broadcast_in_dim3A_127 = vector.broadcast %broadcast_in_dim3A_126 : f32 to vector<16xf32>
    %swap3A_128 = arith.constant 2 : i32
    %swap3A_129 = arith.index_cast %swap3A_128 : i32 to index
    %swap3A_130 = arith.constant 0 : index
    %swap3A_131 = tpu.vector_load %arg7[%swap3A_129, %swap3A_130] {strides = array<i32>} : memref<12x128xf32, #tpu.memory_space<vmem>>, vector<1x16xf32>,
    %swap3A_132 = vector.shape_cast %swap3A_131 : vector<1x16xf32> to vector<16xf32>
    %swap3A_133 = vector.shape_cast %broadcast_in_dim3A_127 : vector<16xf32> to vector<1x16xf32>
    tpu.vector_store %arg7[%swap3A_129, %swap3A_130], %swap3A_133 {strides = array<i32>} : memref<12x128xf32, #tpu.memory_space<vmem>>, vector<1x16xf32>,
    %broadcast_in_dim3A_134 = arith.constant 1.000000e+00 : f32
    %broadcast_in_dim3A_135 = vector.broadcast %broadcast_in_dim3A_134 : f32 to vector<16xf32>
    %swap3A_136 = arith.constant 2 : i32
    %swap3A_137 = arith.index_cast %swap3A_136 : i32 to index
    %swap3A_138 = arith.constant 16 : index
    %swap3A_139 = tpu.vector_load %arg7[%swap3A_137, %swap3A_138] {strides = array<i32>} : memref<12x128xf32, #tpu.memory_space<vmem>>, vector<1x16xf32>,
    %swap3A_140 = vector.shape_cast %swap3A_139 : vector<1x16xf32> to vector<16xf32>
    %swap3A_141 = vector.shape_cast %broadcast_in_dim3A_135 : vector<16xf32> to vector<1x16xf32>
    tpu.vector_store %arg7[%swap3A_137, %swap3A_138], %swap3A_141 {strides = array<i32>} : memref<12x128xf32, #tpu.memory_space<vmem>>, vector<1x16xf32>,
    %broadcast_in_dim3A_142 = arith.constant 1.000000e+00 : f32
    %broadcast_in_dim3A_143 = vector.broadcast %broadcast_in_dim3A_142 : f32 to vector<16xf32>
    %swap3A_144 = arith.constant 2 : i32
    %swap3A_145 = arith.index_cast %swap3A_144 : i32 to index
    %swap3A_146 = arith.constant 32 : index
    %swap3A_147 = tpu.vector_load %arg7[%swap3A_145, %swap3A_146] {strides = array<i32>} : memref<12x128xf32, #tpu.memory_space<vmem>>, vector<1x16xf32>,
    %swap3A_148 = vector.shape_cast %swap3A_147 : vector<1x16xf32> to vector<16xf32>
    %swap3A_149 = vector.shape_cast %broadcast_in_dim3A_143 : vector<16xf32> to vector<1x16xf32>
    tpu.vector_store %arg7[%swap3A_145, %swap3A_146], %swap3A_149 {strides = array<i32>} : memref<12x128xf32, #tpu.memory_space<vmem>>, vector<1x16xf32>,
    %broadcast_in_dim3A_150 = arith.constant 1.000000e+00 : f32
    %broadcast_in_dim3A_151 = vector.broadcast %broadcast_in_dim3A_150 : f32 to vector<16xf32>
    %swap3A_152 = arith.constant 2 : i32
    %swap3A_153 = arith.index_cast %swap3A_152 : i32 to index
    %swap3A_154 = arith.constant 48 : index
    %swap3A_155 = tpu.vector_load %arg7[%swap3A_153, %swap3A_154] {strides = array<i32>} : memref<12x128xf32, #tpu.memory_space<vmem>>, vector<1x16xf32>,
    %swap3A_156 = vector.shape_cast %swap3A_155 : vector<1x16xf32> to vector<16xf32>
    %swap3A_157 = vector.shape_cast %broadcast_in_dim3A_151 : vector<16xf32> to vector<1x16xf32>
    tpu.vector_store %arg7[%swap3A_153, %swap3A_154], %swap3A_157 {strides = array<i32>} : memref<12x128xf32, #tpu.memory_space<vmem>>, vector<1x16xf32>,
    %broadcast_in_dim3A_158 = arith.constant 1.000000e+00 : f32
    %broadcast_in_dim3A_159 = vector.broadcast %broadcast_in_dim3A_158 : f32 to vector<16xf32>
    %swap3A_160 = arith.constant 2 : i32
    %swap3A_161 = arith.index_cast %swap3A_160 : i32 to index
    %swap3A_162 = arith.constant 64 : index
    %swap3A_163 = tpu.vector_load %arg7[%swap3A_161, %swap3A_162] {strides = array<i32>} : memref<12x128xf32, #tpu.memory_space<vmem>>, vector<1x16xf32>,
    %swap3A_164 = vector.shape_cast %swap3A_163 : vector<1x16xf32> to vector<16xf32>
    %swap3A_165 = vector.shape_cast %broadcast_in_dim3A_159 : vector<16xf32> to vector<1x16xf32>
    tpu.vector_store %arg7[%swap3A_161, %swap3A_162], %swap3A_165 {strides = array<i32>} : memref<12x128xf32, #tpu.memory_space<vmem>>, vector<1x16xf32>,
    %broadcast_in_dim3A_166 = arith.constant 1.000000e+00 : f32
    %broadcast_in_dim3A_167 = vector.broadcast %broadcast_in_dim3A_166 : f32 to vector<16xf32>
    %swap3A_168 = arith.constant 2 : i32
    %swap3A_169 = arith.index_cast %swap3A_168 : i32 to index
    %swap3A_170 = arith.constant 80 : index
    %swap3A_171 = tpu.vector_load %arg7[%swap3A_169, %swap3A_170] {strides = array<i32>} : memref<12x128xf32, #tpu.memory_space<vmem>>, vector<1x16xf32>,
    %swap3A_172 = vector.shape_cast %swap3A_171 : vector<1x16xf32> to vector<16xf32>
    %swap3A_173 = vector.shape_cast %broadcast_in_dim3A_167 : vector<16xf32> to vector<1x16xf32>
    tpu.vector_store %arg7[%swap3A_169, %swap3A_170], %swap3A_173 {strides = array<i32>} : memref<12x128xf32, #tpu.memory_space<vmem>>, vector<1x16xf32>,
    %broadcast_in_dim3A_174 = arith.constant 1.000000e+00 : f32
    %broadcast_in_dim3A_175 = vector.broadcast %broadcast_in_dim3A_174 : f32 to vector<16xf32>
    %swap3A_176 = arith.constant 2 : i32
    %swap3A_177 = arith.index_cast %swap3A_176 : i32 to index
    %swap3A_178 = arith.constant 96 : index
    %swap3A_179 = tpu.vector_load %arg7[%swap3A_177, %swap3A_178] {strides = array<i32>} : memref<12x128xf32, #tpu.memory_space<vmem>>, vector<1x16xf32>,
    %swap3A_180 = vector.shape_cast %swap3A_179 : vector<1x16xf32> to vector<16xf32>
    %swap3A_181 = vector.shape_cast %broadcast_in_dim3A_175 : vector<16xf32> to vector<1x16xf32>
    tpu.vector_store %arg7[%swap3A_177, %swap3A_178], %swap3A_181 {strides = array<i32>} : memref<12x128xf32, #tpu.memory_space<vmem>>, vector<1x16xf32>,
    %broadcast_in_dim3A_182 = arith.constant 1.000000e+00 : f32
    %broadcast_in_dim3A_183 = vector.broadcast %broadcast_in_dim3A_182 : f32 to vector<16xf32>
    %swap3A_184 = arith.constant 2 : i32
    %swap3A_185 = arith.index_cast %swap3A_184 : i32 to index
    %swap3A_186 = arith.constant 112 : index
    %swap3A_187 = tpu.vector_load %arg7[%swap3A_185, %swap3A_186] {strides = array<i32>} : memref<12x128xf32, #tpu.memory_space<vmem>>, vector<1x16xf32>,
    %swap3A_188 = vector.shape_cast %swap3A_187 : vector<1x16xf32> to vector<16xf32>
    %swap3A_189 = vector.shape_cast %broadcast_in_dim3A_183 : vector<16xf32> to vector<1x16xf32>
    tpu.vector_store %arg7[%swap3A_185, %swap3A_186], %swap3A_189 {strides = array<i32>} : memref<12x128xf32, #tpu.memory_space<vmem>>, vector<1x16xf32>,
    %broadcast_in_dim3A_190 = arith.constant 1.000000e+00 : f32
    %broadcast_in_dim3A_191 = vector.broadcast %broadcast_in_dim3A_190 : f32 to vector<16xf32>
    %swap3A_192 = arith.constant 3 : i32
    %swap3A_193 = arith.index_cast %swap3A_192 : i32 to index
    %swap3A_194 = arith.constant 0 : index
    %swap3A_195 = tpu.vector_load %arg7[%swap3A_193, %swap3A_194] {strides = array<i32>} : memref<12x128xf32, #tpu.memory_space<vmem>>, vector<1x16xf32>,
    %swap3A_196 = vector.shape_cast %swap3A_195 : vector<1x16xf32> to vector<16xf32>
    %swap3A_197 = vector.shape_cast %broadcast_in_dim3A_191 : vector<16xf32> to vector<1x16xf32>
    tpu.vector_store %arg7[%swap3A_193, %swap3A_194], %swap3A_197 {strides = array<i32>} : memref<12x128xf32, #tpu.memory_space<vmem>>, vector<1x16xf32>,
    %broadcast_in_dim3A_198 = arith.constant 1.000000e+00 : f32
    %broadcast_in_dim3A_199 = vector.broadcast %broadcast_in_dim3A_198 : f32 to vector<16xf32>
    %swap3A_200 = arith.constant 3 : i32
    %swap3A_201 = arith.index_cast %swap3A_200 : i32 to index
    %swap3A_202 = arith.constant 16 : index
    %swap3A_203 = tpu.vector_load %arg7[%swap3A_201, %swap3A_202] {strides = array<i32>} : memref<12x128xf32, #tpu.memory_space<vmem>>, vector<1x16xf32>,
    %swap3A_204 = vector.shape_cast %swap3A_203 : vector<1x16xf32> to vector<16xf32>
    %swap3A_205 = vector.shape_cast %broadcast_in_dim3A_199 : vector<16xf32> to vector<1x16xf32>
    tpu.vector_store %arg7[%swap3A_201, %swap3A_202], %swap3A_205 {strides = array<i32>} : memref<12x128xf32, #tpu.memory_space<vmem>>, vector<1x16xf32>,
    %broadcast_in_dim3A_206 = arith.constant 1.000000e+00 : f32
    %broadcast_in_dim3A_207 = vector.broadcast %broadcast_in_dim3A_206 : f32 to vector<16xf32>
    %swap3A_208 = arith.constant 3 : i32
    %swap3A_209 = arith.index_cast %swap3A_208 : i32 to index
    %swap3A_210 = arith.constant 32 : index
    %swap3A_211 = tpu.vector_load %arg7[%swap3A_209, %swap3A_210] {strides = array<i32>} : memref<12x128xf32, #tpu.memory_space<vmem>>, vector<1x16xf32>,
    %swap3A_212 = vector.shape_cast %swap3A_211 : vector<1x16xf32> to vector<16xf32>
    %swap3A_213 = vector.shape_cast %broadcast_in_dim3A_207 : vector<16xf32> to vector<1x16xf32>
    tpu.vector_store %arg7[%swap3A_209, %swap3A_210], %swap3A_213 {strides = array<i32>} : memref<12x128xf32, #tpu.memory_space<vmem>>, vector<1x16xf32>,
    %broadcast_in_dim3A_214 = arith.constant 1.000000e+00 : f32
    %broadcast_in_dim3A_215 = vector.broadcast %broadcast_in_dim3A_214 : f32 to vector<16xf32>
    %swap3A_216 = arith.constant 3 : i32
    %swap3A_217 = arith.index_cast %swap3A_216 : i32 to index
    %swap3A_218 = arith.constant 48 : index
    %swap3A_219 = tpu.vector_load %arg7[%swap3A_217, %swap3A_218] {strides = array<i32>} : memref<12x128xf32, #tpu.memory_space<vmem>>, vector<1x16xf32>,
    %swap3A_220 = vector.shape_cast %swap3A_219 : vector<1x16xf32> to vector<16xf32>
    %swap3A_221 = vector.shape_cast %broadcast_in_dim3A_215 : vector<16xf32> to vector<1x16xf32>
    tpu.vector_store %arg7[%swap3A_217, %swap3A_218], %swap3A_221 {strides = array<i32>} : memref<12x128xf32, #tpu.memory_space<vmem>>, vector<1x16xf32>,
    %broadcast_in_dim3A_222 = arith.constant 1.000000e+00 : f32
    %broadcast_in_dim3A_223 = vector.broadcast %broadcast_in_dim3A_222 : f32 to vector<16xf32>
    %swap3A_224 = arith.constant 3 : i32
    %swap3A_225 = arith.index_cast %swap3A_224 : i32 to index
    %swap3A_226 = arith.constant 64 : index
    %swap3A_227 = tpu.vector_load %arg7[%swap3A_225, %swap3A_226] {strides = array<i32>} : memref<12x128xf32, #tpu.memory_space<vmem>>, vector<1x16xf32>,
    %swap3A_228 = vector.shape_cast %swap3A_227 : vector<1x16xf32> to vector<16xf32>
    %swap3A_229 = vector.shape_cast %broadcast_in_dim3A_223 : vector<16xf32> to vector<1x16xf32>
    tpu.vector_store %arg7[%swap3A_225, %swap3A_226], %swap3A_229 {strides = array<i32>} : memref<12x128xf32, #tpu.memory_space<vmem>>, vector<1x16xf32>,
    %broadcast_in_dim3A_230 = arith.constant 1.000000e+00 : f32
    %broadcast_in_dim3A_231 = vector.broadcast %broadcast_in_dim3A_230 : f32 to vector<16xf32>
    %swap3A_232 = arith.constant 3 : i32
    %swap3A_233 = arith.index_cast %swap3A_232 : i32 to index
    %swap3A_234 = arith.constant 80 : index
    %swap3A_235 = tpu.vector_load %arg7[%swap3A_233, %swap3A_234] {strides = array<i32>} : memref<12x128xf32, #tpu.memory_space<vmem>>, vector<1x16xf32>,
    %swap3A_236 = vector.shape_cast %swap3A_235 : vector<1x16xf32> to vector<16xf32>
    %swap3A_237 = vector.shape_cast %broadcast_in_dim3A_231 : vector<16xf32> to vector<1x16xf32>
    tpu.vector_store %arg7[%swap3A_233, %swap3A_234], %swap3A_237 {strides = array<i32>} : memref<12x128xf32, #tpu.memory_space<vmem>>, vector<1x16xf32>,
    %broadcast_in_dim3A_238 = arith.constant 1.000000e+00 : f32
    %broadcast_in_dim3A_239 = vector.broadcast %broadcast_in_dim3A_238 : f32 to vector<16xf32>
    %swap3A_240 = arith.constant 3 : i32
    %swap3A_241 = arith.index_cast %swap3A_240 : i32 to index
    %swap3A_242 = arith.constant 96 : index
    %swap3A_243 = tpu.vector_load %arg7[%swap3A_241, %swap3A_242] {strides = array<i32>} : memref<12x128xf32, #tpu.memory_space<vmem>>, vector<1x16xf32>,
    %swap3A_244 = vector.shape_cast %swap3A_243 : vector<1x16xf32> to vector<16xf32>
    %swap3A_245 = vector.shape_cast %broadcast_in_dim3A_239 : vector<16xf32> to vector<1x16xf32>
    tpu.vector_store %arg7[%swap3A_241, %swap3A_242], %swap3A_245 {strides = array<i32>} : memref<12x128xf32, #tpu.memory_space<vmem>>, vector<1x16xf32>,
    %broadcast_in_dim3A_246 = arith.constant 1.000000e+00 : f32
    %broadcast_in_dim3A_247 = vector.broadcast %broadcast_in_dim3A_246 : f32 to vector<16xf32>
    %swap3A_248 = arith.constant 3 : i32
    %swap3A_249 = arith.index_cast %swap3A_248 : i32 to index
    %swap3A_250 = arith.constant 112 : index
    %swap3A_251 = tpu.vector_load %arg7[%swap3A_249, %swap3A_250] {strides = array<i32>} : memref<12x128xf32, #tpu.memory_space<vmem>>, vector<1x16xf32>,
    %swap3A_252 = vector.shape_cast %swap3A_251 : vector<1x16xf32> to vector<16xf32>
    %swap3A_253 = vector.shape_cast %broadcast_in_dim3A_247 : vector<16xf32> to vector<1x16xf32>
    tpu.vector_store %arg7[%swap3A_249, %swap3A_250], %swap3A_253 {strides = array<i32>} : memref<12x128xf32, #tpu.memory_space<vmem>>, vector<1x16xf32>,
    %broadcast_in_dim3A_254 = arith.constant 1.000000e+00 : f32
    %broadcast_in_dim3A_255 = vector.broadcast %broadcast_in_dim3A_254 : f32 to vector<16xf32>
    %swap3A_256 = arith.constant 4 : i32
    %swap3A_257 = arith.index_cast %swap3A_256 : i32 to index
    %swap3A_258 = arith.constant 0 : index
    %swap3A_259 = tpu.vector_load %arg7[%swap3A_257, %swap3A_258] {strides = array<i32>} : memref<12x128xf32, #tpu.memory_space<vmem>>, vector<1x16xf32>,
    %swap3A_260 = vector.shape_cast %swap3A_259 : vector<1x16xf32> to vector<16xf32>
    %swap3A_261 = vector.shape_cast %broadcast_in_dim3A_255 : vector<16xf32> to vector<1x16xf32>
    tpu.vector_store %arg7[%swap3A_257, %swap3A_258], %swap3A_261 {strides = array<i32>} : memref<12x128xf32, #tpu.memory_space<vmem>>, vector<1x16xf32>,
    %broadcast_in_dim3A_262 = arith.constant 1.000000e+00 : f32
    %broadcast_in_dim3A_263 = vector.broadcast %broadcast_in_dim3A_262 : f32 to vector<16xf32>
    %swap3A_264 = arith.constant 4 : i32
    %swap3A_265 = arith.index_cast %swap3A_264 : i32 to index
    %swap3A_266 = arith.constant 16 : index
    %swap3A_267 = tpu.vector_load %arg7[%swap3A_265, %swap3A_266] {strides = array<i32>} : memref<12x128xf32, #tpu.memory_space<vmem>>, vector<1x16xf32>,
    %swap3A_268 = vector.shape_cast %swap3A_267 : vector<1x16xf32> to vector<16xf32>
    %swap3A_269 = vector.shape_cast %broadcast_in_dim3A_263 : vector<16xf32> to vector<1x16xf32>
    tpu.vector_store %arg7[%swap3A_265, %swap3A_266], %swap3A_269 {strides = array<i32>} : memref<12x128xf32, #tpu.memory_space<vmem>>, vector<1x16xf32>,
    %broadcast_in_dim3A_270 = arith.constant 1.000000e+00 : f32
    %broadcast_in_dim3A_271 = vector.broadcast %broadcast_in_dim3A_270 : f32 to vector<16xf32>
    %swap3A_272 = arith.constant 4 : i32
    %swap3A_273 = arith.index_cast %swap3A_272 : i32 to index
    %swap3A_274 = arith.constant 32 : index
    %swap3A_275 = tpu.vector_load %arg7[%swap3A_273, %swap3A_274] {strides = array<i32>} : memref<12x128xf32, #tpu.memory_space<vmem>>, vector<1x16xf32>,
    %swap3A_276 = vector.shape_cast %swap3A_275 : vector<1x16xf32> to vector<16xf32>
    %swap3A_277 = vector.shape_cast %broadcast_in_dim3A_271 : vector<16xf32> to vector<1x16xf32>
    tpu.vector_store %arg7[%swap3A_273, %swap3A_274], %swap3A_277 {strides = array<i32>} : memref<12x128xf32, #tpu.memory_space<vmem>>, vector<1x16xf32>,
    %broadcast_in_dim3A_278 = arith.constant 1.000000e+00 : f32
    %broadcast_in_dim3A_279 = vector.broadcast %broadcast_in_dim3A_278 : f32 to vector<16xf32>
    %swap3A_280 = arith.constant 4 : i32
    %swap3A_281 = arith.index_cast %swap3A_280 : i32 to index
    %swap3A_282 = arith.constant 48 : index
    %swap3A_283 = tpu.vector_load %arg7[%swap3A_281, %swap3A_282] {strides = array<i32>} : memref<12x128xf32, #tpu.memory_space<vmem>>, vector<1x16xf32>,
    %swap3A_284 = vector.shape_cast %swap3A_283 : vector<1x16xf32> to vector<16xf32>
    %swap3A_285 = vector.shape_cast %broadcast_in_dim3A_279 : vector<16xf32> to vector<1x16xf32>
    tpu.vector_store %arg7[%swap3A_281, %swap3A_282], %swap3A_285 {strides = array<i32>} : memref<12x128xf32, #tpu.memory_space<vmem>>, vector<1x16xf32>,
    %broadcast_in_dim3A_286 = arith.constant 1.000000e+00 : f32
    %broadcast_in_dim3A_287 = vector.broadcast %broadcast_in_dim3A_286 : f32 to vector<16xf32>
    %swap3A_288 = arith.constant 4 : i32
    %swap3A_289 = arith.index_cast %swap3A_288 : i32 to index
    %swap3A_290 = arith.constant 64 : index
    %swap3A_291 = tpu.vector_load %arg7[%swap3A_289, %swap3A_290] {strides = array<i32>} : memref<12x128xf32, #tpu.memory_space<vmem>>, vector<1x16xf32>,
    %swap3A_292 = vector.shape_cast %swap3A_291 : vector<1x16xf32> to vector<16xf32>
    %swap3A_293 = vector.shape_cast %broadcast_in_dim3A_287 : vector<16xf32> to vector<1x16xf32>
    tpu.vector_store %arg7[%swap3A_289, %swap3A_290], %swap3A_293 {strides = array<i32>} : memref<12x128xf32, #tpu.memory_space<vmem>>, vector<1x16xf32>,
    %broadcast_in_dim3A_294 = arith.constant 1.000000e+00 : f32
    %broadcast_in_dim3A_295 = vector.broadcast %broadcast_in_dim3A_294 : f32 to vector<16xf32>
    %swap3A_296 = arith.constant 4 : i32
    %swap3A_297 = arith.index_cast %swap3A_296 : i32 to index
    %swap3A_298 = arith.constant 80 : index
    %swap3A_299 = tpu.vector_load %arg7[%swap3A_297, %swap3A_298] {strides = array<i32>} : memref<12x128xf32, #tpu.memory_space<vmem>>, vector<1x16xf32>,
    %swap3A_300 = vector.shape_cast %swap3A_299 : vector<1x16xf32> to vector<16xf32>
    %swap3A_301 = vector.shape_cast %broadcast_in_dim3A_295 : vector<16xf32> to vector<1x16xf32>
    tpu.vector_store %arg7[%swap3A_297, %swap3A_298], %swap3A_301 {strides = array<i32>} : memref<12x128xf32, #tpu.memory_space<vmem>>, vector<1x16xf32>,
    %broadcast_in_dim3A_302 = arith.constant 1.000000e+00 : f32
    %broadcast_in_dim3A_303 = vector.broadcast %broadcast_in_dim3A_302 : f32 to vector<16xf32>
    %swap3A_304 = arith.constant 4 : i32
    %swap3A_305 = arith.index_cast %swap3A_304 : i32 to index
    %swap3A_306 = arith.constant 96 : index
    %swap3A_307 = tpu.vector_load %arg7[%swap3A_305, %swap3A_306] {strides = array<i32>} : memref<12x128xf32, #tpu.memory_space<vmem>>, vector<1x16xf32>,
    %swap3A_308 = vector.shape_cast %swap3A_307 : vector<1x16xf32> to vector<16xf32>
    %swap3A_309 = vector.shape_cast %broadcast_in_dim3A_303 : vector<16xf32> to vector<1x16xf32>
    tpu.vector_store %arg7[%swap3A_305, %swap3A_306], %swap3A_309 {strides = array<i32>} : memref<12x128xf32, #tpu.memory_space<vmem>>, vector<1x16xf32>,
    %broadcast_in_dim3A_310 = arith.constant 1.000000e+00 : f32
    %broadcast_in_dim3A_311 = vector.broadcast %broadcast_in_dim3A_310 : f32 to vector<16xf32>
    %swap3A_312 = arith.constant 4 : i32
    %swap3A_313 = arith.index_cast %swap3A_312 : i32 to index
    %swap3A_314 = arith.constant 112 : index
    %swap3A_315 = tpu.vector_load %arg7[%swap3A_313, %swap3A_314] {strides = array<i32>} : memref<12x128xf32, #tpu.memory_space<vmem>>, vector<1x16xf32>,
    %swap3A_316 = vector.shape_cast %swap3A_315 : vector<1x16xf32> to vector<16xf32>
    %swap3A_317 = vector.shape_cast %broadcast_in_dim3A_311 : vector<16xf32> to vector<1x16xf32>
    tpu.vector_store %arg7[%swap3A_313, %swap3A_314], %swap3A_317 {strides = array<i32>} : memref<12x128xf32, #tpu.memory_space<vmem>>, vector<1x16xf32>,
    %broadcast_in_dim3A_318 = arith.constant 1.000000e+00 : f32
    %broadcast_in_dim3A_319 = vector.broadcast %broadcast_in_dim3A_318 : f32 to vector<16xf32>
    %swap3A_320 = arith.constant 5 : i32
    %swap3A_321 = arith.index_cast %swap3A_320 : i32 to index
    %swap3A_322 = arith.constant 0 : index
    %swap3A_323 = tpu.vector_load %arg7[%swap3A_321, %swap3A_322] {strides = array<i32>} : memref<12x128xf32, #tpu.memory_space<vmem>>, vector<1x16xf32>,
    %swap3A_324 = vector.shape_cast %swap3A_323 : vector<1x16xf32> to vector<16xf32>
    %swap3A_325 = vector.shape_cast %broadcast_in_dim3A_319 : vector<16xf32> to vector<1x16xf32>
    tpu.vector_store %arg7[%swap3A_321, %swap3A_322], %swap3A_325 {strides = array<i32>} : memref<12x128xf32, #tpu.memory_space<vmem>>, vector<1x16xf32>,
    %broadcast_in_dim3A_326 = arith.constant 1.000000e+00 : f32
    %broadcast_in_dim3A_327 = vector.broadcast %broadcast_in_dim3A_326 : f32 to vector<16xf32>
    %swap3A_328 = arith.constant 5 : i32
    %swap3A_329 = arith.index_cast %swap3A_328 : i32 to index
    %swap3A_330 = arith.constant 16 : index
    %swap3A_331 = tpu.vector_load %arg7[%swap3A_329, %swap3A_330] {strides = array<i32>} : memref<12x128xf32, #tpu.memory_space<vmem>>, vector<1x16xf32>,
    %swap3A_332 = vector.shape_cast %swap3A_331 : vector<1x16xf32> to vector<16xf32>
    %swap3A_333 = vector.shape_cast %broadcast_in_dim3A_327 : vector<16xf32> to vector<1x16xf32>
    tpu.vector_store %arg7[%swap3A_329, %swap3A_330], %swap3A_333 {strides = array<i32>} : memref<12x128xf32, #tpu.memory_space<vmem>>, vector<1x16xf32>,
    %broadcast_in_dim3A_334 = arith.constant 1.000000e+00 : f32
    %broadcast_in_dim3A_335 = vector.broadcast %broadcast_in_dim3A_334 : f32 to vector<16xf32>
    %swap3A_336 = arith.constant 5 : i32
    %swap3A_337 = arith.index_cast %swap3A_336 : i32 to index
    %swap3A_338 = arith.constant 32 : index
    %swap3A_339 = tpu.vector_load %arg7[%swap3A_337, %swap3A_338] {strides = array<i32>} : memref<12x128xf32, #tpu.memory_space<vmem>>, vector<1x16xf32>,
    %swap3A_340 = vector.shape_cast %swap3A_339 : vector<1x16xf32> to vector<16xf32>
    %swap3A_341 = vector.shape_cast %broadcast_in_dim3A_335 : vector<16xf32> to vector<1x16xf32>
    tpu.vector_store %arg7[%swap3A_337, %swap3A_338], %swap3A_341 {strides = array<i32>} : memref<12x128xf32, #tpu.memory_space<vmem>>, vector<1x16xf32>,
    %broadcast_in_dim3A_342 = arith.constant 1.000000e+00 : f32
    %broadcast_in_dim3A_343 = vector.broadcast %broadcast_in_dim3A_342 : f32 to vector<16xf32>
    %swap3A_344 = arith.constant 5 : i32
    %swap3A_345 = arith.index_cast %swap3A_344 : i32 to index
    %swap3A_346 = arith.constant 48 : index
    %swap3A_347 = tpu.vector_load %arg7[%swap3A_345, %swap3A_346] {strides = array<i32>} : memref<12x128xf32, #tpu.memory_space<vmem>>, vector<1x16xf32>,
    %swap3A_348 = vector.shape_cast %swap3A_347 : vector<1x16xf32> to vector<16xf32>
    %swap3A_349 = vector.shape_cast %broadcast_in_dim3A_343 : vector<16xf32> to vector<1x16xf32>
    tpu.vector_store %arg7[%swap3A_345, %swap3A_346], %swap3A_349 {strides = array<i32>} : memref<12x128xf32, #tpu.memory_space<vmem>>, vector<1x16xf32>,
    %broadcast_in_dim3A_350 = arith.constant 1.000000e+00 : f32
    %broadcast_in_dim3A_351 = vector.broadcast %broadcast_in_dim3A_350 : f32 to vector<16xf32>
    %swap3A_352 = arith.constant 5 : i32
    %swap3A_353 = arith.index_cast %swap3A_352 : i32 to index
    %swap3A_354 = arith.constant 64 : index
    %swap3A_355 = tpu.vector_load %arg7[%swap3A_353, %swap3A_354] {strides = array<i32>} : memref<12x128xf32, #tpu.memory_space<vmem>>, vector<1x16xf32>,
    %swap3A_356 = vector.shape_cast %swap3A_355 : vector<1x16xf32> to vector<16xf32>
    %swap3A_357 = vector.shape_cast %broadcast_in_dim3A_351 : vector<16xf32> to vector<1x16xf32>
    tpu.vector_store %arg7[%swap3A_353, %swap3A_354], %swap3A_357 {strides = array<i32>} : memref<12x128xf32, #tpu.memory_space<vmem>>, vector<1x16xf32>,
    %broadcast_in_dim3A_358 = arith.constant 1.000000e+00 : f32
    %broadcast_in_dim3A_359 = vector.broadcast %broadcast_in_dim3A_358 : f32 to vector<16xf32>
    %swap3A_360 = arith.constant 5 : i32
    %swap3A_361 = arith.index_cast %swap3A_360 : i32 to index
    %swap3A_362 = arith.constant 80 : index
    %swap3A_363 = tpu.vector_load %arg7[%swap3A_361, %swap3A_362] {strides = array<i32>} : memref<12x128xf32, #tpu.memory_space<vmem>>, vector<1x16xf32>,
    %swap3A_364 = vector.shape_cast %swap3A_363 : vector<1x16xf32> to vector<16xf32>
    %swap3A_365 = vector.shape_cast %broadcast_in_dim3A_359 : vector<16xf32> to vector<1x16xf32>
    tpu.vector_store %arg7[%swap3A_361, %swap3A_362], %swap3A_365 {strides = array<i32>} : memref<12x128xf32, #tpu.memory_space<vmem>>, vector<1x16xf32>,
    %broadcast_in_dim3A_366 = arith.constant 1.000000e+00 : f32
    %broadcast_in_dim3A_367 = vector.broadcast %broadcast_in_dim3A_366 : f32 to vector<16xf32>
    %swap3A_368 = arith.constant 5 : i32
    %swap3A_369 = arith.index_cast %swap3A_368 : i32 to index
    %swap3A_370 = arith.constant 96 : index
    %swap3A_371 = tpu.vector_load %arg7[%swap3A_369, %swap3A_370] {strides = array<i32>} : memref<12x128xf32, #tpu.memory_space<vmem>>, vector<1x16xf32>,
    %swap3A_372 = vector.shape_cast %swap3A_371 : vector<1x16xf32> to vector<16xf32>
    %swap3A_373 = vector.shape_cast %broadcast_in_dim3A_367 : vector<16xf32> to vector<1x16xf32>
    tpu.vector_store %arg7[%swap3A_369, %swap3A_370], %swap3A_373 {strides = array<i32>} : memref<12x128xf32, #tpu.memory_space<vmem>>, vector<1x16xf32>,
    %broadcast_in_dim3A_374 = arith.constant 1.000000e+00 : f32
    %broadcast_in_dim3A_375 = vector.broadcast %broadcast_in_dim3A_374 : f32 to vector<16xf32>
    %swap3A_376 = arith.constant 5 : i32
    %swap3A_377 = arith.index_cast %swap3A_376 : i32 to index
    %swap3A_378 = arith.constant 112 : index
    %swap3A_379 = tpu.vector_load %arg7[%swap3A_377, %swap3A_378] {strides = array<i32>} : memref<12x128xf32, #tpu.memory_space<vmem>>, vector<1x16xf32>,
    %swap3A_380 = vector.shape_cast %swap3A_379 : vector<1x16xf32> to vector<16xf32>
    %swap3A_381 = vector.shape_cast %broadcast_in_dim3A_375 : vector<16xf32> to vector<1x16xf32>
    tpu.vector_store %arg7[%swap3A_377, %swap3A_378], %swap3A_381 {strides = array<i32>} : memref<12x128xf32, #tpu.memory_space<vmem>>, vector<1x16xf32>,
    %broadcast_in_dim3A_382 = arith.constant 1.000000e+00 : f32
    %broadcast_in_dim3A_383 = vector.broadcast %broadcast_in_dim3A_382 : f32 to vector<16xf32>
    %swap3A_384 = arith.constant 6 : i32
    %swap3A_385 = arith.index_cast %swap3A_384 : i32 to index
    %swap3A_386 = arith.constant 0 : index
    %swap3A_387 = tpu.vector_load %arg7[%swap3A_385, %swap3A_386] {strides = array<i32>} : memref<12x128xf32, #tpu.memory_space<vmem>>, vector<1x16xf32>,
    %swap3A_388 = vector.shape_cast %swap3A_387 : vector<1x16xf32> to vector<16xf32>
    %swap3A_389 = vector.shape_cast %broadcast_in_dim3A_383 : vector<16xf32> to vector<1x16xf32>
    tpu.vector_store %arg7[%swap3A_385, %swap3A_386], %swap3A_389 {strides = array<i32>} : memref<12x128xf32, #tpu.memory_space<vmem>>, vector<1x16xf32>,
    %broadcast_in_dim3A_390 = arith.constant 1.000000e+00 : f32
    %broadcast_in_dim3A_391 = vector.broadcast %broadcast_in_dim3A_390 : f32 to vector<16xf32>
    %swap3A_392 = arith.constant 6 : i32
    %swap3A_393 = arith.index_cast %swap3A_392 : i32 to index
    %swap3A_394 = arith.constant 16 : index
    %swap3A_395 = tpu.vector_load %arg7[%swap3A_393, %swap3A_394] {strides = array<i32>} : memref<12x128xf32, #tpu.memory_space<vmem>>, vector<1x16xf32>,
    %swap3A_396 = vector.shape_cast %swap3A_395 : vector<1x16xf32> to vector<16xf32>
    %swap3A_397 = vector.shape_cast %broadcast_in_dim3A_391 : vector<16xf32> to vector<1x16xf32>
    tpu.vector_store %arg7[%swap3A_393, %swap3A_394], %swap3A_397 {strides = array<i32>} : memref<12x128xf32, #tpu.memory_space<vmem>>, vector<1x16xf32>,
    %broadcast_in_dim3A_398 = arith.constant 1.000000e+00 : f32
    %broadcast_in_dim3A_399 = vector.broadcast %broadcast_in_dim3A_398 : f32 to vector<16xf32>
    %swap3A_400 = arith.constant 6 : i32
    %swap3A_401 = arith.index_cast %swap3A_400 : i32 to index
    %swap3A_402 = arith.constant 32 : index
    %swap3A_403 = tpu.vector_load %arg7[%swap3A_401, %swap3A_402] {strides = array<i32>} : memref<12x128xf32, #tpu.memory_space<vmem>>, vector<1x16xf32>,
    %swap3A_404 = vector.shape_cast %swap3A_403 : vector<1x16xf32> to vector<16xf32>
    %swap3A_405 = vector.shape_cast %broadcast_in_dim3A_399 : vector<16xf32> to vector<1x16xf32>
    tpu.vector_store %arg7[%swap3A_401, %swap3A_402], %swap3A_405 {strides = array<i32>} : memref<12x128xf32, #tpu.memory_space<vmem>>, vector<1x16xf32>,
    %broadcast_in_dim3A_406 = arith.constant 1.000000e+00 : f32
    %broadcast_in_dim3A_407 = vector.broadcast %broadcast_in_dim3A_406 : f32 to vector<16xf32>
    %swap3A_408 = arith.constant 6 : i32
    %swap3A_409 = arith.index_cast %swap3A_408 : i32 to index
    %swap3A_410 = arith.constant 48 : index
    %swap3A_411 = tpu.vector_load %arg7[%swap3A_409, %swap3A_410] {strides = array<i32>} : memref<12x128xf32, #tpu.memory_space<vmem>>, vector<1x16xf32>,
    %swap3A_412 = vector.shape_cast %swap3A_411 : vector<1x16xf32> to vector<16xf32>
    %swap3A_413 = vector.shape_cast %broadcast_in_dim3A_407 : vector<16xf32> to vector<1x16xf32>
    tpu.vector_store %arg7[%swap3A_409, %swap3A_410], %swap3A_413 {strides = array<i32>} : memref<12x128xf32, #tpu.memory_space<vmem>>, vector<1x16xf32>,
    %broadcast_in_dim3A_414 = arith.constant 1.000000e+00 : f32
    %broadcast_in_dim3A_415 = vector.broadcast %broadcast_in_dim3A_414 : f32 to vector<16xf32>
    %swap3A_416 = arith.constant 6 : i32
    %swap3A_417 = arith.index_cast %swap3A_416 : i32 to index
    %swap3A_418 = arith.constant 64 : index
    %swap3A_419 = tpu.vector_load %arg7[%swap3A_417, %swap3A_418] {strides = array<i32>} : memref<12x128xf32, #tpu.memory_space<vmem>>, vector<1x16xf32>,
    %swap3A_420 = vector.shape_cast %swap3A_419 : vector<1x16xf32> to vector<16xf32>
    %swap3A_421 = vector.shape_cast %broadcast_in_dim3A_415 : vector<16xf32> to vector<1x16xf32>
    tpu.vector_store %arg7[%swap3A_417, %swap3A_418], %swap3A_421 {strides = array<i32>} : memref<12x128xf32, #tpu.memory_space<vmem>>, vector<1x16xf32>,
    %broadcast_in_dim3A_422 = arith.constant 1.000000e+00 : f32
    %broadcast_in_dim3A_423 = vector.broadcast %broadcast_in_dim3A_422 : f32 to vector<16xf32>
    %swap3A_424 = arith.constant 6 : i32
    %swap3A_425 = arith.index_cast %swap3A_424 : i32 to index
    %swap3A_426 = arith.constant 80 : index
    %swap3A_427 = tpu.vector_load %arg7[%swap3A_425, %swap3A_426] {strides = array<i32>} : memref<12x128xf32, #tpu.memory_space<vmem>>, vector<1x16xf32>,
    %swap3A_428 = vector.shape_cast %swap3A_427 : vector<1x16xf32> to vector<16xf32>
    %swap3A_429 = vector.shape_cast %broadcast_in_dim3A_423 : vector<16xf32> to vector<1x16xf32>
    tpu.vector_store %arg7[%swap3A_425, %swap3A_426], %swap3A_429 {strides = array<i32>} : memref<12x128xf32, #tpu.memory_space<vmem>>, vector<1x16xf32>,
    %broadcast_in_dim3A_430 = arith.constant 1.000000e+00 : f32
    %broadcast_in_dim3A_431 = vector.broadcast %broadcast_in_dim3A_430 : f32 to vector<16xf32>
    %swap3A_432 = arith.constant 6 : i32
    %swap3A_433 = arith.index_cast %swap3A_432 : i32 to index
    %swap3A_434 = arith.constant 96 : index
    %swap3A_435 = tpu.vector_load %arg7[%swap3A_433, %swap3A_434] {strides = array<i32>} : memref<12x128xf32, #tpu.memory_space<vmem>>, vector<1x16xf32>,
    %swap3A_436 = vector.shape_cast %swap3A_435 : vector<1x16xf32> to vector<16xf32>
    %swap3A_437 = vector.shape_cast %broadcast_in_dim3A_431 : vector<16xf32> to vector<1x16xf32>
    tpu.vector_store %arg7[%swap3A_433, %swap3A_434], %swap3A_437 {strides = array<i32>} : memref<12x128xf32, #tpu.memory_space<vmem>>, vector<1x16xf32>,
    %broadcast_in_dim3A_438 = arith.constant 1.000000e+00 : f32
    %broadcast_in_dim3A_439 = vector.broadcast %broadcast_in_dim3A_438 : f32 to vector<16xf32>
    %swap3A_440 = arith.constant 6 : i32
    %swap3A_441 = arith.index_cast %swap3A_440 : i32 to index
    %swap3A_442 = arith.constant 112 : index
    %swap3A_443 = tpu.vector_load %arg7[%swap3A_441, %swap3A_442] {strides = array<i32>} : memref<12x128xf32, #tpu.memory_space<vmem>>, vector<1x16xf32>,
    %swap3A_444 = vector.shape_cast %swap3A_443 : vector<1x16xf32> to vector<16xf32>
    %swap3A_445 = vector.shape_cast %broadcast_in_dim3A_439 : vector<16xf32> to vector<1x16xf32>
    tpu.vector_store %arg7[%swap3A_441, %swap3A_442], %swap3A_445 {strides = array<i32>} : memref<12x128xf32, #tpu.memory_space<vmem>>, vector<1x16xf32>,
    %broadcast_in_dim3A_446 = arith.constant 1.000000e+00 : f32
    %broadcast_in_dim3A_447 = vector.broadcast %broadcast_in_dim3A_446 : f32 to vector<16xf32>
    %swap3A_448 = arith.constant 7 : i32
    %swap3A_449 = arith.index_cast %swap3A_448 : i32 to index
    %swap3A_450 = arith.constant 0 : index
    %swap3A_451 = tpu.vector_load %arg7[%swap3A_449, %swap3A_450] {strides = array<i32>} : memref<12x128xf32, #tpu.memory_space<vmem>>, vector<1x16xf32>,
    %swap3A_452 = vector.shape_cast %swap3A_451 : vector<1x16xf32> to vector<16xf32>
    %swap3A_453 = vector.shape_cast %broadcast_in_dim3A_447 : vector<16xf32> to vector<1x16xf32>
    tpu.vector_store %arg7[%swap3A_449, %swap3A_450], %swap3A_453 {strides = array<i32>} : memref<12x128xf32, #tpu.memory_space<vmem>>, vector<1x16xf32>,
    %broadcast_in_dim3A_454 = arith.constant 1.000000e+00 : f32
    %broadcast_in_dim3A_455 = vector.broadcast %broadcast_in_dim3A_454 : f32 to vector<16xf32>
    %swap3A_456 = arith.constant 7 : i32
    %swap3A_457 = arith.index_cast %swap3A_456 : i32 to index
    %swap3A_458 = arith.constant 16 : index
    %swap3A_459 = tpu.vector_load %arg7[%swap3A_457, %swap3A_458] {strides = array<i32>} : memref<12x128xf32, #tpu.memory_space<vmem>>, vector<1x16xf32>,
    %swap3A_460 = vector.shape_cast %swap3A_459 : vector<1x16xf32> to vector<16xf32>
    %swap3A_461 = vector.shape_cast %broadcast_in_dim3A_455 : vector<16xf32> to vector<1x16xf32>
    tpu.vector_store %arg7[%swap3A_457, %swap3A_458], %swap3A_461 {strides = array<i32>} : memref<12x128xf32, #tpu.memory_space<vmem>>, vector<1x16xf32>,
    %broadcast_in_dim3A_462 = arith.constant 1.000000e+00 : f32
    %broadcast_in_dim3A_463 = vector.broadcast %broadcast_in_dim3A_462 : f32 to vector<16xf32>
    %swap3A_464 = arith.constant 7 : i32
    %swap3A_465 = arith.index_cast %swap3A_464 : i32 to index
    %swap3A_466 = arith.constant 32 : index
    %swap3A_467 = tpu.vector_load %arg7[%swap3A_465, %swap3A_466] {strides = array<i32>} : memref<12x128xf32, #tpu.memory_space<vmem>>, vector<1x16xf32>,
    %swap3A_468 = vector.shape_cast %swap3A_467 : vector<1x16xf32> to vector<16xf32>
    %swap3A_469 = vector.shape_cast %broadcast_in_dim3A_463 : vector<16xf32> to vector<1x16xf32>
    tpu.vector_store %arg7[%swap3A_465, %swap3A_466], %swap3A_469 {strides = array<i32>} : memref<12x128xf32, #tpu.memory_space<vmem>>, vector<1x16xf32>,
    %broadcast_in_dim3A_470 = arith.constant 1.000000e+00 : f32
    %broadcast_in_dim3A_471 = vector.broadcast %broadcast_in_dim3A_470 : f32 to vector<16xf32>
    %swap3A_472 = arith.constant 7 : i32
    %swap3A_473 = arith.index_cast %swap3A_472 : i32 to index
    %swap3A_474 = arith.constant 48 : index
    %swap3A_475 = tpu.vector_load %arg7[%swap3A_473, %swap3A_474] {strides = array<i32>} : memref<12x128xf32, #tpu.memory_space<vmem>>, vector<1x16xf32>,
    %swap3A_476 = vector.shape_cast %swap3A_475 : vector<1x16xf32> to vector<16xf32>
    %swap3A_477 = vector.shape_cast %broadcast_in_dim3A_471 : vector<16xf32> to vector<1x16xf32>
    tpu.vector_store %arg7[%swap3A_473, %swap3A_474], %swap3A_477 {strides = array<i32>} : memref<12x128xf32, #tpu.memory_space<vmem>>, vector<1x16xf32>,
    %broadcast_in_dim3A_478 = arith.constant 1.000000e+00 : f32
    %broadcast_in_dim3A_479 = vector.broadcast %broadcast_in_dim3A_478 : f32 to vector<16xf32>
    %swap3A_480 = arith.constant 7 : i32
    %swap3A_481 = arith.index_cast %swap3A_480 : i32 to index
    %swap3A_482 = arith.constant 64 : index
    %swap3A_483 = tpu.vector_load %arg7[%swap3A_481, %swap3A_482] {strides = array<i32>} : memref<12x128xf32, #tpu.memory_space<vmem>>, vector<1x16xf32>,
    %swap3A_484 = vector.shape_cast %swap3A_483 : vector<1x16xf32> to vector<16xf32>
    %swap3A_485 = vector.shape_cast %broadcast_in_dim3A_479 : vector<16xf32> to vector<1x16xf32>
    tpu.vector_store %arg7[%swap3A_481, %swap3A_482], %swap3A_485 {strides = array<i32>} : memref<12x128xf32, #tpu.memory_space<vmem>>, vector<1x16xf32>,
    %broadcast_in_dim3A_486 = arith.constant 1.000000e+00 : f32
    %broadcast_in_dim3A_487 = vector.broadcast %broadcast_in_dim3A_486 : f32 to vector<16xf32>
    %swap3A_488 = arith.constant 7 : i32
    %swap3A_489 = arith.index_cast %swap3A_488 : i32 to index
    %swap3A_490 = arith.constant 80 : index
    %swap3A_491 = tpu.vector_load %arg7[%swap3A_489, %swap3A_490] {strides = array<i32>} : memref<12x128xf32, #tpu.memory_space<vmem>>, vector<1x16xf32>,
    %swap3A_492 = vector.shape_cast %swap3A_491 : vector<1x16xf32> to vector<16xf32>
    %swap3A_493 = vector.shape_cast %broadcast_in_dim3A_487 : vector<16xf32> to vector<1x16xf32>
    tpu.vector_store %arg7[%swap3A_489, %swap3A_490], %swap3A_493 {strides = array<i32>} : memref<12x128xf32, #tpu.memory_space<vmem>>, vector<1x16xf32>,
    %broadcast_in_dim3A_494 = arith.constant 1.000000e+00 : f32
    %broadcast_in_dim3A_495 = vector.broadcast %broadcast_in_dim3A_494 : f32 to vector<16xf32>
    %swap3A_496 = arith.constant 7 : i32
    %swap3A_497 = arith.index_cast %swap3A_496 : i32 to index
    %swap3A_498 = arith.constant 96 : index
    %swap3A_499 = tpu.vector_load %arg7[%swap3A_497, %swap3A_498] {strides = array<i32>} : memref<12x128xf32, #tpu.memory_space<vmem>>, vector<1x16xf32>,
    %swap3A_500 = vector.shape_cast %swap3A_499 : vector<1x16xf32> to vector<16xf32>
    %swap3A_501 = vector.shape_cast %broadcast_in_dim3A_495 : vector<16xf32> to vector<1x16xf32>
    tpu.vector_store %arg7[%swap3A_497, %swap3A_498], %swap3A_501 {strides = array<i32>} : memref<12x128xf32, #tpu.memory_space<vmem>>, vector<1x16xf32>,
    %broadcast_in_dim3A_502 = arith.constant 1.000000e+00 : f32
    %broadcast_in_dim3A_503 = vector.broadcast %broadcast_in_dim3A_502 : f32 to vector<16xf32>
    %swap3A_504 = arith.constant 7 : i32
    %swap3A_505 = arith.index_cast %swap3A_504 : i32 to index
    %swap3A_506 = arith.constant 112 : index
    %swap3A_507 = tpu.vector_load %arg7[%swap3A_505, %swap3A_506] {strides = array<i32>} : memref<12x128xf32, #tpu.memory_space<vmem>>, vector<1x16xf32>,
    %swap3A_508 = vector.shape_cast %swap3A_507 : vector<1x16xf32> to vector<16xf32>
    %swap3A_509 = vector.shape_cast %broadcast_in_dim3A_503 : vector<16xf32> to vector<1x16xf32>
    tpu.vector_store %arg7[%swap3A_505, %swap3A_506], %swap3A_509 {strides = array<i32>} : memref<12x128xf32, #tpu.memory_space<vmem>>, vector<1x16xf32>,
    %broadcast_in_dim3A_510 = arith.constant 1.000000e+00 : f32
    %broadcast_in_dim3A_511 = vector.broadcast %broadcast_in_dim3A_510 : f32 to vector<16xf32>
    %swap3A_512 = arith.constant 8 : i32
    %swap3A_513 = arith.index_cast %swap3A_512 : i32 to index
    %swap3A_514 = arith.constant 0 : index
    %swap3A_515 = tpu.vector_load %arg7[%swap3A_513, %swap3A_514] {strides = array<i32>} : memref<12x128xf32, #tpu.memory_space<vmem>>, vector<1x16xf32>,
    %swap3A_516 = vector.shape_cast %swap3A_515 : vector<1x16xf32> to vector<16xf32>
    %swap3A_517 = vector.shape_cast %broadcast_in_dim3A_511 : vector<16xf32> to vector<1x16xf32>
    tpu.vector_store %arg7[%swap3A_513, %swap3A_514], %swap3A_517 {strides = array<i32>} : memref<12x128xf32, #tpu.memory_space<vmem>>, vector<1x16xf32>,
    %broadcast_in_dim3A_518 = arith.constant 1.000000e+00 : f32
    %broadcast_in_dim3A_519 = vector.broadcast %broadcast_in_dim3A_518 : f32 to vector<16xf32>
    %swap3A_520 = arith.constant 8 : i32
    %swap3A_521 = arith.index_cast %swap3A_520 : i32 to index
    %swap3A_522 = arith.constant 16 : index
    %swap3A_523 = tpu.vector_load %arg7[%swap3A_521, %swap3A_522] {strides = array<i32>} : memref<12x128xf32, #tpu.memory_space<vmem>>, vector<1x16xf32>,
    %swap3A_524 = vector.shape_cast %swap3A_523 : vector<1x16xf32> to vector<16xf32>
    %swap3A_525 = vector.shape_cast %broadcast_in_dim3A_519 : vector<16xf32> to vector<1x16xf32>
    tpu.vector_store %arg7[%swap3A_521, %swap3A_522], %swap3A_525 {strides = array<i32>} : memref<12x128xf32, #tpu.memory_space<vmem>>, vector<1x16xf32>,
    %broadcast_in_dim3A_526 = arith.constant 1.000000e+00 : f32
    %broadcast_in_dim3A_527 = vector.broadcast %broadcast_in_dim3A_526 : f32 to vector<16xf32>
    %swap3A_528 = arith.constant 8 : i32
    %swap3A_529 = arith.index_cast %swap3A_528 : i32 to index
    %swap3A_530 = arith.constant 32 : index
    %swap3A_531 = tpu.vector_load %arg7[%swap3A_529, %swap3A_530] {strides = array<i32>} : memref<12x128xf32, #tpu.memory_space<vmem>>, vector<1x16xf32>,
    %swap3A_532 = vector.shape_cast %swap3A_531 : vector<1x16xf32> to vector<16xf32>
    %swap3A_533 = vector.shape_cast %broadcast_in_dim3A_527 : vector<16xf32> to vector<1x16xf32>
    tpu.vector_store %arg7[%swap3A_529, %swap3A_530], %swap3A_533 {strides = array<i32>} : memref<12x128xf32, #tpu.memory_space<vmem>>, vector<1x16xf32>,
    %broadcast_in_dim3A_534 = arith.constant 1.000000e+00 : f32
    %broadcast_in_dim3A_535 = vector.broadcast %broadcast_in_dim3A_534 : f32 to vector<16xf32>
    %swap3A_536 = arith.constant 8 : i32
    %swap3A_537 = arith.index_cast %swap3A_536 : i32 to index
    %swap3A_538 = arith.constant 48 : index
    %swap3A_539 = tpu.vector_load %arg7[%swap3A_537, %swap3A_538] {strides = array<i32>} : memref<12x128xf32, #tpu.memory_space<vmem>>, vector<1x16xf32>,
    %swap3A_540 = vector.shape_cast %swap3A_539 : vector<1x16xf32> to vector<16xf32>
    %swap3A_541 = vector.shape_cast %broadcast_in_dim3A_535 : vector<16xf32> to vector<1x16xf32>
    tpu.vector_store %arg7[%swap3A_537, %swap3A_538], %swap3A_541 {strides = array<i32>} : memref<12x128xf32, #tpu.memory_space<vmem>>, vector<1x16xf32>,
    %broadcast_in_dim3A_542 = arith.constant 1.000000e+00 : f32
    %broadcast_in_dim3A_543 = vector.broadcast %broadcast_in_dim3A_542 : f32 to vector<16xf32>
    %swap3A_544 = arith.constant 8 : i32
    %swap3A_545 = arith.index_cast %swap3A_544 : i32 to index
    %swap3A_546 = arith.constant 64 : index
    %swap3A_547 = tpu.vector_load %arg7[%swap3A_545, %swap3A_546] {strides = array<i32>} : memref<12x128xf32, #tpu.memory_space<vmem>>, vector<1x16xf32>,
    %swap3A_548 = vector.shape_cast %swap3A_547 : vector<1x16xf32> to vector<16xf32>
    %swap3A_549 = vector.shape_cast %broadcast_in_dim3A_543 : vector<16xf32> to vector<1x16xf32>
    tpu.vector_store %arg7[%swap3A_545, %swap3A_546], %swap3A_549 {strides = array<i32>} : memref<12x128xf32, #tpu.memory_space<vmem>>, vector<1x16xf32>,
    %broadcast_in_dim3A_550 = arith.constant 1.000000e+00 : f32
    %broadcast_in_dim3A_551 = vector.broadcast %broadcast_in_dim3A_550 : f32 to vector<16xf32>
    %swap3A_552 = arith.constant 8 : i32
    %swap3A_553 = arith.index_cast %swap3A_552 : i32 to index
    %swap3A_554 = arith.constant 80 : index
    %swap3A_555 = tpu.vector_load %arg7[%swap3A_553, %swap3A_554] {strides = array<i32>} : memref<12x128xf32, #tpu.memory_space<vmem>>, vector<1x16xf32>,
    %swap3A_556 = vector.shape_cast %swap3A_555 : vector<1x16xf32> to vector<16xf32>
    %swap3A_557 = vector.shape_cast %broadcast_in_dim3A_551 : vector<16xf32> to vector<1x16xf32>
    tpu.vector_store %arg7[%swap3A_553, %swap3A_554], %swap3A_557 {strides = array<i32>} : memref<12x128xf32, #tpu.memory_space<vmem>>, vector<1x16xf32>,
    %broadcast_in_dim3A_558 = arith.constant 1.000000e+00 : f32
    %broadcast_in_dim3A_559 = vector.broadcast %broadcast_in_dim3A_558 : f32 to vector<16xf32>
    %swap3A_560 = arith.constant 8 : i32
    %swap3A_561 = arith.index_cast %swap3A_560 : i32 to index
    %swap3A_562 = arith.constant 96 : index
    %swap3A_563 = tpu.vector_load %arg7[%swap3A_561, %swap3A_562] {strides = array<i32>} : memref<12x128xf32, #tpu.memory_space<vmem>>, vector<1x16xf32>,
    %swap3A_564 = vector.shape_cast %swap3A_563 : vector<1x16xf32> to vector<16xf32>
    %swap3A_565 = vector.shape_cast %broadcast_in_dim3A_559 : vector<16xf32> to vector<1x16xf32>
    tpu.vector_store %arg7[%swap3A_561, %swap3A_562], %swap3A_565 {strides = array<i32>} : memref<12x128xf32, #tpu.memory_space<vmem>>, vector<1x16xf32>,
    %broadcast_in_dim3A_566 = arith.constant 1.000000e+00 : f32
    %broadcast_in_dim3A_567 = vector.broadcast %broadcast_in_dim3A_566 : f32 to vector<16xf32>
    %swap3A_568 = arith.constant 8 : i32
    %swap3A_569 = arith.index_cast %swap3A_568 : i32 to index
    %swap3A_570 = arith.constant 112 : index
    %swap3A_571 = tpu.vector_load %arg7[%swap3A_569, %swap3A_570] {strides = array<i32>} : memref<12x128xf32, #tpu.memory_space<vmem>>, vector<1x16xf32>,
    %swap3A_572 = vector.shape_cast %swap3A_571 : vector<1x16xf32> to vector<16xf32>
    %swap3A_573 = vector.shape_cast %broadcast_in_dim3A_567 : vector<16xf32> to vector<1x16xf32>
    tpu.vector_store %arg7[%swap3A_569, %swap3A_570], %swap3A_573 {strides = array<i32>} : memref<12x128xf32, #tpu.memory_space<vmem>>, vector<1x16xf32>,
    %broadcast_in_dim3A_574 = arith.constant 1.000000e+00 : f32
    %broadcast_in_dim3A_575 = vector.broadcast %broadcast_in_dim3A_574 : f32 to vector<16xf32>
    %swap3A_576 = arith.constant 9 : i32
    %swap3A_577 = arith.index_cast %swap3A_576 : i32 to index
    %swap3A_578 = arith.constant 0 : index
    %swap3A_579 = tpu.vector_load %arg7[%swap3A_577, %swap3A_578] {strides = array<i32>} : memref<12x128xf32, #tpu.memory_space<vmem>>, vector<1x16xf32>,
    %swap3A_580 = vector.shape_cast %swap3A_579 : vector<1x16xf32> to vector<16xf32>
    %swap3A_581 = vector.shape_cast %broadcast_in_dim3A_575 : vector<16xf32> to vector<1x16xf32>
    tpu.vector_store %arg7[%swap3A_577, %swap3A_578], %swap3A_581 {strides = array<i32>} : memref<12x128xf32, #tpu.memory_space<vmem>>, vector<1x16xf32>,
    %broadcast_in_dim3A_582 = arith.constant 1.000000e+00 : f32
    %broadcast_in_dim3A_583 = vector.broadcast %broadcast_in_dim3A_582 : f32 to vector<16xf32>
    %swap3A_584 = arith.constant 9 : i32
    %swap3A_585 = arith.index_cast %swap3A_584 : i32 to index
    %swap3A_586 = arith.constant 16 : index
    %swap3A_587 = tpu.vector_load %arg7[%swap3A_585, %swap3A_586] {strides = array<i32>} : memref<12x128xf32, #tpu.memory_space<vmem>>, vector<1x16xf32>,
    %swap3A_588 = vector.shape_cast %swap3A_587 : vector<1x16xf32> to vector<16xf32>
    %swap3A_589 = vector.shape_cast %broadcast_in_dim3A_583 : vector<16xf32> to vector<1x16xf32>
    tpu.vector_store %arg7[%swap3A_585, %swap3A_586], %swap3A_589 {strides = array<i32>} : memref<12x128xf32, #tpu.memory_space<vmem>>, vector<1x16xf32>,
    %broadcast_in_dim3A_590 = arith.constant 1.000000e+00 : f32
    %broadcast_in_dim3A_591 = vector.broadcast %broadcast_in_dim3A_590 : f32 to vector<16xf32>
    %swap3A_592 = arith.constant 9 : i32
    %swap3A_593 = arith.index_cast %swap3A_592 : i32 to index
    %swap3A_594 = arith.constant 32 : index
    %swap3A_595 = tpu.vector_load %arg7[%swap3A_593, %swap3A_594] {strides = array<i32>} : memref<12x128xf32, #tpu.memory_space<vmem>>, vector<1x16xf32>,
    %swap3A_596 = vector.shape_cast %swap3A_595 : vector<1x16xf32> to vector<16xf32>
    %swap3A_597 = vector.shape_cast %broadcast_in_dim3A_591 : vector<16xf32> to vector<1x16xf32>
    tpu.vector_store %arg7[%swap3A_593, %swap3A_594], %swap3A_597 {strides = array<i32>} : memref<12x128xf32, #tpu.memory_space<vmem>>, vector<1x16xf32>,
    %broadcast_in_dim3A_598 = arith.constant 1.000000e+00 : f32
    %broadcast_in_dim3A_599 = vector.broadcast %broadcast_in_dim3A_598 : f32 to vector<16xf32>
    %swap3A_600 = arith.constant 9 : i32
    %swap3A_601 = arith.index_cast %swap3A_600 : i32 to index
    %swap3A_602 = arith.constant 48 : index
    %swap3A_603 = tpu.vector_load %arg7[%swap3A_601, %swap3A_602] {strides = array<i32>} : memref<12x128xf32, #tpu.memory_space<vmem>>, vector<1x16xf32>,
    %swap3A_604 = vector.shape_cast %swap3A_603 : vector<1x16xf32> to vector<16xf32>
    %swap3A_605 = vector.shape_cast %broadcast_in_dim3A_599 : vector<16xf32> to vector<1x16xf32>
    tpu.vector_store %arg7[%swap3A_601, %swap3A_602], %swap3A_605 {strides = array<i32>} : memref<12x128xf32, #tpu.memory_space<vmem>>, vector<1x16xf32>,
    %broadcast_in_dim3A_606 = arith.constant 1.000000e+00 : f32
    %broadcast_in_dim3A_607 = vector.broadcast %broadcast_in_dim3A_606 : f32 to vector<16xf32>
    %swap3A_608 = arith.constant 9 : i32
    %swap3A_609 = arith.index_cast %swap3A_608 : i32 to index
    %swap3A_610 = arith.constant 64 : index
    %swap3A_611 = tpu.vector_load %arg7[%swap3A_609, %swap3A_610] {strides = array<i32>} : memref<12x128xf32, #tpu.memory_space<vmem>>, vector<1x16xf32>,
    %swap3A_612 = vector.shape_cast %swap3A_611 : vector<1x16xf32> to vector<16xf32>
    %swap3A_613 = vector.shape_cast %broadcast_in_dim3A_607 : vector<16xf32> to vector<1x16xf32>
    tpu.vector_store %arg7[%swap3A_609, %swap3A_610], %swap3A_613 {strides = array<i32>} : memref<12x128xf32, #tpu.memory_space<vmem>>, vector<1x16xf32>,
    %broadcast_in_dim3A_614 = arith.constant 1.000000e+00 : f32
    %broadcast_in_dim3A_615 = vector.broadcast %broadcast_in_dim3A_614 : f32 to vector<16xf32>
    %swap3A_616 = arith.constant 9 : i32
    %swap3A_617 = arith.index_cast %swap3A_616 : i32 to index
    %swap3A_618 = arith.constant 80 : index
    %swap3A_619 = tpu.vector_load %arg7[%swap3A_617, %swap3A_618] {strides = array<i32>} : memref<12x128xf32, #tpu.memory_space<vmem>>, vector<1x16xf32>,
    %swap3A_620 = vector.shape_cast %swap3A_619 : vector<1x16xf32> to vector<16xf32>
    %swap3A_621 = vector.shape_cast %broadcast_in_dim3A_615 : vector<16xf32> to vector<1x16xf32>
    tpu.vector_store %arg7[%swap3A_617, %swap3A_618], %swap3A_621 {strides = array<i32>} : memref<12x128xf32, #tpu.memory_space<vmem>>, vector<1x16xf32>,
    %broadcast_in_dim3A_622 = arith.constant 1.000000e+00 : f32
    %broadcast_in_dim3A_623 = vector.broadcast %broadcast_in_dim3A_622 : f32 to vector<16xf32>
    %swap3A_624 = arith.constant 9 : i32
    %swap3A_625 = arith.index_cast %swap3A_624 : i32 to index
    %swap3A_626 = arith.constant 96 : index
    %swap3A_627 = tpu.vector_load %arg7[%swap3A_625, %swap3A_626] {strides = array<i32>} : memref<12x128xf32, #tpu.memory_space<vmem>>, vector<1x16xf32>,
    %swap3A_628 = vector.shape_cast %swap3A_627 : vector<1x16xf32> to vector<16xf32>
    %swap3A_629 = vector.shape_cast %broadcast_in_dim3A_623 : vector<16xf32> to vector<1x16xf32>
    tpu.vector_store %arg7[%swap3A_625, %swap3A_626], %swap3A_629 {strides = array<i32>} : memref<12x128xf32, #tpu.memory_space<vmem>>, vector<1x16xf32>,
    %broadcast_in_dim3A_630 = arith.constant 1.000000e+00 : f32
    %broadcast_in_dim3A_631 = vector.broadcast %broadcast_in_dim3A_630 : f32 to vector<16xf32>
    %swap3A_632 = arith.constant 9 : i32
    %swap3A_633 = arith.index_cast %swap3A_632 : i32 to index
    %swap3A_634 = arith.constant 112 : index
    %swap3A_635 = tpu.vector_load %arg7[%swap3A_633, %swap3A_634] {strides = array<i32>} : memref<12x128xf32, #tpu.memory_space<vmem>>, vector<1x16xf32>,
    %swap3A_636 = vector.shape_cast %swap3A_635 : vector<1x16xf32> to vector<16xf32>
    %swap3A_637 = vector.shape_cast %broadcast_in_dim3A_631 : vector<16xf32> to vector<1x16xf32>
    tpu.vector_store %arg7[%swap3A_633, %swap3A_634], %swap3A_637 {strides = array<i32>} : memref<12x128xf32, #tpu.memory_space<vmem>>, vector<1x16xf32>,
    %broadcast_in_dim3A_638 = arith.constant 1.000000e+00 : f32
    %broadcast_in_dim3A_639 = vector.broadcast %broadcast_in_dim3A_638 : f32 to vector<16xf32>
    %swap3A_640 = arith.constant 10 : i32
    %swap3A_641 = arith.index_cast %swap3A_640 : i32 to index
    %swap3A_642 = arith.constant 0 : index
    %swap3A_643 = tpu.vector_load %arg7[%swap3A_641, %swap3A_642] {strides = array<i32>} : memref<12x128xf32, #tpu.memory_space<vmem>>, vector<1x16xf32>,
    %swap3A_644 = vector.shape_cast %swap3A_643 : vector<1x16xf32> to vector<16xf32>
    %swap3A_645 = vector.shape_cast %broadcast_in_dim3A_639 : vector<16xf32> to vector<1x16xf32>
    tpu.vector_store %arg7[%swap3A_641, %swap3A_642], %swap3A_645 {strides = array<i32>} : memref<12x128xf32, #tpu.memory_space<vmem>>, vector<1x16xf32>,
    %broadcast_in_dim3A_646 = arith.constant 1.000000e+00 : f32
    %broadcast_in_dim3A_647 = vector.broadcast %broadcast_in_dim3A_646 : f32 to vector<16xf32>
    %swap3A_648 = arith.constant 10 : i32
    %swap3A_649 = arith.index_cast %swap3A_648 : i32 to index
    %swap3A_650 = arith.constant 16 : index
    %swap3A_651 = tpu.vector_load %arg7[%swap3A_649, %swap3A_650] {strides = array<i32>} : memref<12x128xf32, #tpu.memory_space<vmem>>, vector<1x16xf32>,
    %swap3A_652 = vector.shape_cast %swap3A_651 : vector<1x16xf32> to vector<16xf32>
    %swap3A_653 = vector.shape_cast %broadcast_in_dim3A_647 : vector<16xf32> to vector<1x16xf32>
    tpu.vector_store %arg7[%swap3A_649, %swap3A_650], %swap3A_653 {strides = array<i32>} : memref<12x128xf32, #tpu.memory_space<vmem>>, vector<1x16xf32>,
    %broadcast_in_dim3A_654 = arith.constant 1.000000e+00 : f32
    %broadcast_in_dim3A_655 = vector.broadcast %broadcast_in_dim3A_654 : f32 to vector<16xf32>
    %swap3A_656 = arith.constant 10 : i32
    %swap3A_657 = arith.index_cast %swap3A_656 : i32 to index
    %swap3A_658 = arith.constant 32 : index
    %swap3A_659 = tpu.vector_load %arg7[%swap3A_657, %swap3A_658] {strides = array<i32>} : memref<12x128xf32, #tpu.memory_space<vmem>>, vector<1x16xf32>,
    %swap3A_660 = vector.shape_cast %swap3A_659 : vector<1x16xf32> to vector<16xf32>
    %swap3A_661 = vector.shape_cast %broadcast_in_dim3A_655 : vector<16xf32> to vector<1x16xf32>
    tpu.vector_store %arg7[%swap3A_657, %swap3A_658], %swap3A_661 {strides = array<i32>} : memref<12x128xf32, #tpu.memory_space<vmem>>, vector<1x16xf32>,
    %broadcast_in_dim3A_662 = arith.constant 1.000000e+00 : f32
    %broadcast_in_dim3A_663 = vector.broadcast %broadcast_in_dim3A_662 : f32 to vector<16xf32>
    %swap3A_664 = arith.constant 10 : i32
    %swap3A_665 = arith.index_cast %swap3A_664 : i32 to index
    %swap3A_666 = arith.constant 48 : index
    %swap3A_667 = tpu.vector_load %arg7[%swap3A_665, %swap3A_666] {strides = array<i32>} : memref<12x128xf32, #tpu.memory_space<vmem>>, vector<1x16xf32>,
    %swap3A_668 = vector.shape_cast %swap3A_667 : vector<1x16xf32> to vector<16xf32>
    %swap3A_669 = vector.shape_cast %broadcast_in_dim3A_663 : vector<16xf32> to vector<1x16xf32>
    tpu.vector_store %arg7[%swap3A_665, %swap3A_666], %swap3A_669 {strides = array<i32>} : memref<12x128xf32, #tpu.memory_space<vmem>>, vector<1x16xf32>,
    %broadcast_in_dim3A_670 = arith.constant 1.000000e+00 : f32
    %broadcast_in_dim3A_671 = vector.broadcast %broadcast_in_dim3A_670 : f32 to vector<16xf32>
    %swap3A_672 = arith.constant 10 : i32
    %swap3A_673 = arith.index_cast %swap3A_672 : i32 to index
    %swap3A_674 = arith.constant 64 : index
    %swap3A_675 = tpu.vector_load %arg7[%swap3A_673, %swap3A_674] {strides = array<i32>} : memref<12x128xf32, #tpu.memory_space<vmem>>, vector<1x16xf32>,
    %swap3A_676 = vector.shape_cast %swap3A_675 : vector<1x16xf32> to vector<16xf32>
    %swap3A_677 = vector.shape_cast %broadcast_in_dim3A_671 : vector<16xf32> to vector<1x16xf32>
    tpu.vector_store %arg7[%swap3A_673, %swap3A_674], %swap3A_677 {strides = array<i32>} : memref<12x128xf32, #tpu.memory_space<vmem>>, vector<1x16xf32>,
    %broadcast_in_dim3A_678 = arith.constant 1.000000e+00 : f32
    %broadcast_in_dim3A_679 = vector.broadcast %broadcast_in_dim3A_678 : f32 to vector<16xf32>
    %swap3A_680 = arith.constant 10 : i32
    %swap3A_681 = arith.index_cast %swap3A_680 : i32 to index
    %swap3A_682 = arith.constant 80 : index
    %swap3A_683 = tpu.vector_load %arg7[%swap3A_681, %swap3A_682] {strides = array<i32>} : memref<12x128xf32, #tpu.memory_space<vmem>>, vector<1x16xf32>,
    %swap3A_684 = vector.shape_cast %swap3A_683 : vector<1x16xf32> to vector<16xf32>
    %swap3A_685 = vector.shape_cast %broadcast_in_dim3A_679 : vector<16xf32> to vector<1x16xf32>
    tpu.vector_store %arg7[%swap3A_681, %swap3A_682], %swap3A_685 {strides = array<i32>} : memref<12x128xf32, #tpu.memory_space<vmem>>, vector<1x16xf32>,
    %broadcast_in_dim3A_686 = arith.constant 1.000000e+00 : f32
    %broadcast_in_dim3A_687 = vector.broadcast %broadcast_in_dim3A_686 : f32 to vector<16xf32>
    %swap3A_688 = arith.constant 10 : i32
    %swap3A_689 = arith.index_cast %swap3A_688 : i32 to index
    %swap3A_690 = arith.constant 96 : index
    %swap3A_691 = tpu.vector_load %arg7[%swap3A_689, %swap3A_690] {strides = array<i32>} : memref<12x128xf32, #tpu.memory_space<vmem>>, vector<1x16xf32>,
    %swap3A_692 = vector.shape_cast %swap3A_691 : vector<1x16xf32> to vector<16xf32>
    %swap3A_693 = vector.shape_cast %broadcast_in_dim3A_687 : vector<16xf32> to vector<1x16xf32>
    tpu.vector_store %arg7[%swap3A_689, %swap3A_690], %swap3A_693 {strides = array<i32>} : memref<12x128xf32, #tpu.memory_space<vmem>>, vector<1x16xf32>,
    %broadcast_in_dim3A_694 = arith.constant 1.000000e+00 : f32
    %broadcast_in_dim3A_695 = vector.broadcast %broadcast_in_dim3A_694 : f32 to vector<16xf32>
    %swap3A_696 = arith.constant 10 : i32
    %swap3A_697 = arith.index_cast %swap3A_696 : i32 to index
    %swap3A_698 = arith.constant 112 : index
    %swap3A_699 = tpu.vector_load %arg7[%swap3A_697, %swap3A_698] {strides = array<i32>} : memref<12x128xf32, #tpu.memory_space<vmem>>, vector<1x16xf32>,
    %swap3A_700 = vector.shape_cast %swap3A_699 : vector<1x16xf32> to vector<16xf32>
    %swap3A_701 = vector.shape_cast %broadcast_in_dim3A_695 : vector<16xf32> to vector<1x16xf32>
    tpu.vector_store %arg7[%swap3A_697, %swap3A_698], %swap3A_701 {strides = array<i32>} : memref<12x128xf32, #tpu.memory_space<vmem>>, vector<1x16xf32>,
    %broadcast_in_dim3A_702 = arith.constant 1.000000e+00 : f32
    %broadcast_in_dim3A_703 = vector.broadcast %broadcast_in_dim3A_702 : f32 to vector<16xf32>
    %swap3A_704 = arith.constant 11 : i32
    %swap3A_705 = arith.index_cast %swap3A_704 : i32 to index
    %swap3A_706 = arith.constant 0 : index
    %swap3A_707 = tpu.vector_load %arg7[%swap3A_705, %swap3A_706] {strides = array<i32>} : memref<12x128xf32, #tpu.memory_space<vmem>>, vector<1x16xf32>,
    %swap3A_708 = vector.shape_cast %swap3A_707 : vector<1x16xf32> to vector<16xf32>
    %swap3A_709 = vector.shape_cast %broadcast_in_dim3A_703 : vector<16xf32> to vector<1x16xf32>
    tpu.vector_store %arg7[%swap3A_705, %swap3A_706], %swap3A_709 {strides = array<i32>} : memref<12x128xf32, #tpu.memory_space<vmem>>, vector<1x16xf32>,
    %broadcast_in_dim3A_710 = arith.constant 1.000000e+00 : f32
    %broadcast_in_dim3A_711 = vector.broadcast %broadcast_in_dim3A_710 : f32 to vector<16xf32>
    %swap3A_712 = arith.constant 11 : i32
    %swap3A_713 = arith.index_cast %swap3A_712 : i32 to index
    %swap3A_714 = arith.constant 16 : index
    %swap3A_715 = tpu.vector_load %arg7[%swap3A_713, %swap3A_714] {strides = array<i32>} : memref<12x128xf32, #tpu.memory_space<vmem>>, vector<1x16xf32>,
    %swap3A_716 = vector.shape_cast %swap3A_715 : vector<1x16xf32> to vector<16xf32>
    %swap3A_717 = vector.shape_cast %broadcast_in_dim3A_711 : vector<16xf32> to vector<1x16xf32>
    tpu.vector_store %arg7[%swap3A_713, %swap3A_714], %swap3A_717 {strides = array<i32>} : memref<12x128xf32, #tpu.memory_space<vmem>>, vector<1x16xf32>,
    %broadcast_in_dim3A_718 = arith.constant 1.000000e+00 : f32
    %broadcast_in_dim3A_719 = vector.broadcast %broadcast_in_dim3A_718 : f32 to vector<16xf32>
    %swap3A_720 = arith.constant 11 : i32
    %swap3A_721 = arith.index_cast %swap3A_720 : i32 to index
    %swap3A_722 = arith.constant 32 : index
    %swap3A_723 = tpu.vector_load %arg7[%swap3A_721, %swap3A_722] {strides = array<i32>} : memref<12x128xf32, #tpu.memory_space<vmem>>, vector<1x16xf32>,
    %swap3A_724 = vector.shape_cast %swap3A_723 : vector<1x16xf32> to vector<16xf32>
    %swap3A_725 = vector.shape_cast %broadcast_in_dim3A_719 : vector<16xf32> to vector<1x16xf32>
    tpu.vector_store %arg7[%swap3A_721, %swap3A_722], %swap3A_725 {strides = array<i32>} : memref<12x128xf32, #tpu.memory_space<vmem>>, vector<1x16xf32>,
    %broadcast_in_dim3A_726 = arith.constant 1.000000e+00 : f32
    %broadcast_in_dim3A_727 = vector.broadcast %broadcast_in_dim3A_726 : f32 to vector<16xf32>
    %swap3A_728 = arith.constant 11 : i32
    %swap3A_729 = arith.index_cast %swap3A_728 : i32 to index
    %swap3A_730 = arith.constant 48 : index
    %swap3A_731 = tpu.vector_load %arg7[%swap3A_729, %swap3A_730] {strides = array<i32>} : memref<12x128xf32, #tpu.memory_space<vmem>>, vector<1x16xf32>,
    %swap3A_732 = vector.shape_cast %swap3A_731 : vector<1x16xf32> to vector<16xf32>
    %swap3A_733 = vector.shape_cast %broadcast_in_dim3A_727 : vector<16xf32> to vector<1x16xf32>
    tpu.vector_store %arg7[%swap3A_729, %swap3A_730], %swap3A_733 {strides = array<i32>} : memref<12x128xf32, #tpu.memory_space<vmem>>, vector<1x16xf32>,
    %broadcast_in_dim3A_734 = arith.constant 1.000000e+00 : f32
    %broadcast_in_dim3A_735 = vector.broadcast %broadcast_in_dim3A_734 : f32 to vector<16xf32>
    %swap3A_736 = arith.constant 11 : i32
    %swap3A_737 = arith.index_cast %swap3A_736 : i32 to index
    %swap3A_738 = arith.constant 64 : index
    %swap3A_739 = tpu.vector_load %arg7[%swap3A_737, %swap3A_738] {strides = array<i32>} : memref<12x128xf32, #tpu.memory_space<vmem>>, vector<1x16xf32>,
    %swap3A_740 = vector.shape_cast %swap3A_739 : vector<1x16xf32> to vector<16xf32>
    %swap3A_741 = vector.shape_cast %broadcast_in_dim3A_735 : vector<16xf32> to vector<1x16xf32>
    tpu.vector_store %arg7[%swap3A_737, %swap3A_738], %swap3A_741 {strides = array<i32>} : memref<12x128xf32, #tpu.memory_space<vmem>>, vector<1x16xf32>,
    %broadcast_in_dim3A_742 = arith.constant 1.000000e+00 : f32
    %broadcast_in_dim3A_743 = vector.broadcast %broadcast_in_dim3A_742 : f32 to vector<16xf32>
    %swap3A_744 = arith.constant 11 : i32
    %swap3A_745 = arith.index_cast %swap3A_744 : i32 to index
    %swap3A_746 = arith.constant 80 : index
    %swap3A_747 = tpu.vector_load %arg7[%swap3A_745, %swap3A_746] {strides = array<i32>} : memref<12x128xf32, #tpu.memory_space<vmem>>, vector<1x16xf32>,
    %swap3A_748 = vector.shape_cast %swap3A_747 : vector<1x16xf32> to vector<16xf32>
    %swap3A_749 = vector.shape_cast %broadcast_in_dim3A_743 : vector<16xf32> to vector<1x16xf32>
    tpu.vector_store %arg7[%swap3A_745, %swap3A_746], %swap3A_749 {strides = array<i32>} : memref<12x128xf32, #tpu.memory_space<vmem>>, vector<1x16xf32>,
    %broadcast_in_dim3A_750 = arith.constant 1.000000e+00 : f32
    %broadcast_in_dim3A_751 = vector.broadcast %broadcast_in_dim3A_750 : f32 to vector<16xf32>
    %swap3A_752 = arith.constant 11 : i32
    %swap3A_753 = arith.index_cast %swap3A_752 : i32 to index
    %swap3A_754 = arith.constant 96 : index
    %swap3A_755 = tpu.vector_load %arg7[%swap3A_753, %swap3A_754] {strides = array<i32>} : memref<12x128xf32, #tpu.memory_space<vmem>>, vector<1x16xf32>,
    %swap3A_756 = vector.shape_cast %swap3A_755 : vector<1x16xf32> to vector<16xf32>
    %swap3A_757 = vector.shape_cast %broadcast_in_dim3A_751 : vector<16xf32> to vector<1x16xf32>
    tpu.vector_store %arg7[%swap3A_753, %swap3A_754], %swap3A_757 {strides = array<i32>} : memref<12x128xf32, #tpu.memory_space<vmem>>, vector<1x16xf32>,
    %broadcast_in_dim3A_758 = arith.constant 1.000000e+00 : f32
    %broadcast_in_dim3A_759 = vector.broadcast %broadcast_in_dim3A_758 : f32 to vector<16xf32>
    %swap3A_760 = arith.constant 11 : i32
    %swap3A_761 = arith.index_cast %swap3A_760 : i32 to index
    %swap3A_762 = arith.constant 112 : index
    %swap3A_763 = tpu.vector_load %arg7[%swap3A_761, %swap3A_762] {strides = array<i32>} : memref<12x128xf32, #tpu.memory_space<vmem>>, vector<1x16xf32>,
    %swap3A_764 = vector.shape_cast %swap3A_763 : vector<1x16xf32> to vector<16xf32>
    %swap3A_765 = vector.shape_cast %broadcast_in_dim3A_759 : vector<16xf32> to vector<1x16xf32>
    tpu.vector_store %arg7[%swap3A_761, %swap3A_762], %swap3A_765 {strides = array<i32>} : memref<12x128xf32, #tpu.memory_space<vmem>>, vector<1x16xf32>,
    %broadcast_in_dim3A_766 = arith.constant 524288 : i32
    %broadcast_in_dim3A_767 = vector.broadcast %broadcast_in_dim3A_766 : i32 to vector<16xi32>
    %iota3A = tpu.iota {dimensions = array<i32: 0>} : vector<16xi32>
    %add3A = arith.addi %broadcast_in_dim3A_767, %iota3A : vector<16xi32>
    %swap3A_768 = arith.constant 11 : i32
    %swap3A_769 = arith.index_cast %swap3A_768 : i32 to index
    %swap3A_770 = arith.constant 96 : index
    %swap3A_771 = tpu.vector_load %arg6[%swap3A_769, %swap3A_770] {strides = array<i32>} : memref<12x128xi32, #tpu.memory_space<vmem>>, vector<1x16xi32>,
    %swap3A_772 = vector.shape_cast %swap3A_771 : vector<1x16xi32> to vector<16xi32>
    %swap3A_773 = vector.shape_cast %add3A : vector<16xi32> to vector<1x16xi32>
    tpu.vector_store %arg6[%swap3A_769, %swap3A_770], %swap3A_773 {strides = array<i32>} : memref<12x128xi32, #tpu.memory_space<vmem>>, vector<1x16xi32>,
    %swap3A_774 = arith.constant 11 : i32
    %swap3A_775 = arith.index_cast %swap3A_774 : i32 to index
    %swap3A_776 = arith.constant 112 : index
    %swap3A_777 = tpu.vector_load %arg6[%swap3A_775, %swap3A_776] {strides = array<i32>} : memref<12x128xi32, #tpu.memory_space<vmem>>, vector<1x16xi32>,
    %swap3A_778 = vector.shape_cast %swap3A_777 : vector<1x16xi32> to vector<16xi32>
    %swap3A_779 = vector.shape_cast %add3A : vector<16xi32> to vector<1x16xi32>
    tpu.vector_store %arg6[%swap3A_775, %swap3A_776], %swap3A_779 {strides = array<i32>} : memref<12x128xi32, #tpu.memory_space<vmem>>, vector<1x16xi32>,
    %mul3A = arith.constant 32768 : i32
    %mul3A_780 = arith.muli %arg1, %mul3A : i32
    %mul3A_781 = arith.constant 32768 : i32
    %mul3A_782 = arith.muli %arg1, %mul3A_781 : i32
    %dma_start3A = tpu.memref_slice %arg8[%mul3A_782] : memref<524304xf32, #tpu.memory_space<vmem_shared>> -> memref<32768xf32, #tpu.memory_space<vmem_shared>>
    %dma_start3A_783 = tpu.memref_slice %arg3[%mul3A_780] : memref<524288xf32, #tpu.memory_space<hbm>> -> memref<32768xf32, #tpu.memory_space<hbm>>
    tpu.enqueue_dma source(%dma_start3A_783 : memref<32768xf32, #tpu.memory_space<hbm>>) target(%dma_start3A : memref<32768xf32, #tpu.memory_space<vmem_shared>>) target_semaphore(%arg12 : memref<!tpu.dma_semaphore, #tpu.memory_space<semaphore_mem>>)
    %mul3A_784 = arith.constant 32768 : i32
    %mul3A_785 = arith.muli %arg1, %mul3A_784 : i32
    %mul3A_786 = arith.constant 32768 : i32
    %mul3A_787 = arith.muli %arg1, %mul3A_786 : i32
    %dma_start3A_788 = tpu.memref_slice %arg9[%mul3A_787] : memref<524304xf32, #tpu.memory_space<vmem_shared>> -> memref<32768xf32, #tpu.memory_space<vmem_shared>>
    %dma_start3A_789 = tpu.memref_slice %arg3[%mul3A_785] : memref<524288xf32, #tpu.memory_space<hbm>> -> memref<32768xf32, #tpu.memory_space<hbm>>
    tpu.enqueue_dma source(%dma_start3A_789 : memref<32768xf32, #tpu.memory_space<hbm>>) target(%dma_start3A_788 : memref<32768xf32, #tpu.memory_space<vmem_shared>>) target_semaphore(%arg12 : memref<!tpu.dma_semaphore, #tpu.memory_space<semaphore_mem>>)
    %mul3A_790 = arith.constant 32768 : i32
    %mul3A_791 = arith.muli %arg1, %mul3A_790 : i32
    %mul3A_792 = arith.constant 32768 : i32
    %mul3A_793 = arith.muli %arg1, %mul3A_792 : i32
    %dma_wait3A = tpu.memref_slice %arg8[%mul3A_793] : memref<524304xf32, #tpu.memory_space<vmem_shared>> -> memref<32768xf32, #tpu.memory_space<vmem_shared>>
    %dma_wait3A_794 = tpu.memref_slice %arg3[%mul3A_791] : memref<524288xf32, #tpu.memory_space<hbm>> -> memref<32768xf32, #tpu.memory_space<hbm>>
    tpu.wait_dma2 semaphore(%arg12 : memref<!tpu.dma_semaphore, #tpu.memory_space<semaphore_mem>>) src(%dma_wait3A_794 : memref<32768xf32, #tpu.memory_space<hbm>>) dst(%dma_wait3A : memref<32768xf32, #tpu.memory_space<vmem_shared>>)
    %mul3A_795 = arith.constant 32768 : i32
    %mul3A_796 = arith.muli %arg1, %mul3A_795 : i32
    %mul3A_797 = arith.constant 32768 : i32
    %mul3A_798 = arith.muli %arg1, %mul3A_797 : i32
    %dma_wait3A_799 = tpu.memref_slice %arg9[%mul3A_798] : memref<524304xf32, #tpu.memory_space<vmem_shared>> -> memref<32768xf32, #tpu.memory_space<vmem_shared>>
    %dma_wait3A_800 = tpu.memref_slice %arg3[%mul3A_796] : memref<524288xf32, #tpu.memory_space<hbm>> -> memref<32768xf32, #tpu.memory_space<hbm>>
    tpu.wait_dma2 semaphore(%arg12 : memref<!tpu.dma_semaphore, #tpu.memory_space<semaphore_mem>>) src(%dma_wait3A_800 : memref<32768xf32, #tpu.memory_space<hbm>>) dst(%dma_wait3A_799 : memref<32768xf32, #tpu.memory_space<vmem_shared>>)
    %barrier3A = arith.constant 0 : index
    tpu.barrier barrier_id(%barrier3A)
    %scan3A = arith.constant 0 : i32
    %scan3A_801 = arith.constant 32 : i32
    %scan3A_802 = arith.addi %scan3A, %scan3A_801 : i32
    %scan3A_803 = arith.constant 1 : i32
    scf.for %scan3A_832 = %scan3A to %scan3A_802 step %scan3A_803  : i32 {
      %mul3A_833 = arith.constant 32 : i32
      %mul3A_834 = arith.muli %arg0, %mul3A_833 : i32
      %add3A_835 = arith.addi %mul3A_834, %scan3A_832 : i32
      %mul3A_836 = arith.constant 16 : i32
      %mul3A_837 = arith.muli %add3A_835, %mul3A_836 : i32
      %add3A_838 = arith.addi %mul3A_837, %arg1 : i32
      "tpu.region"() ({
        %run_scoped3A = tpu.sem_alloc : memref<!tpu.dma_semaphore, #tpu.memory_space<semaphore_mem>>
        %dma_start3A_1372 = arith.constant 0 : i32
        %dma_start3A_1373 = tpu.memref_slice %arg2[%add3A_838, %dma_start3A_1372] : memref<1024x1504xi32, #tpu.memory_space<hbm>> -> memref<1x1504xi32, #tpu.memory_space<hbm>>
        %dma_start3A_1374 = tpu.memref_squeeze %dma_start3A_1373 : memref<1x1504xi32, #tpu.memory_space<hbm>> -> memref<1504xi32, #tpu.memory_space<hbm>>
        %dma_start3A_1375 = arith.constant 0 : i32
        %dma_start3A_1376 = tpu.memref_slice %arg2[%add3A_838, %dma_start3A_1375] : memref<1024x1504xi32, #tpu.memory_space<hbm>> -> memref<1x1504xi32, #tpu.memory_space<hbm>>
        %dma_start3A_1377 = tpu.memref_squeeze %dma_start3A_1376 : memref<1x1504xi32, #tpu.memory_space<hbm>> -> memref<1504xi32, #tpu.memory_space<hbm>>
        tpu.enqueue_dma source(%dma_start3A_1377 : memref<1504xi32, #tpu.memory_space<hbm>>) target(%arg5 : memref<1504xi32, #tpu.memory_space<vmem>>) target_semaphore(%run_scoped3A : memref<!tpu.dma_semaphore, #tpu.memory_space<semaphore_mem>>)
        %dma_wait3A_1378 = arith.constant 0 : i32
        %dma_wait3A_1379 = tpu.memref_slice %arg2[%add3A_838, %dma_wait3A_1378] : memref<1024x1504xi32, #tpu.memory_space<hbm>> -> memref<1x1504xi32, #tpu.memory_space<hbm>>
        %dma_wait3A_1380 = tpu.memref_squeeze %dma_wait3A_1379 : memref<1x1504xi32, #tpu.memory_space<hbm>> -> memref<1504xi32, #tpu.memory_space<hbm>>
        %dma_wait3A_1381 = arith.constant 0 : i32
        %dma_wait3A_1382 = tpu.memref_slice %arg2[%add3A_838, %dma_wait3A_1381] : memref<1024x1504xi32, #tpu.memory_space<hbm>> -> memref<1x1504xi32, #tpu.memory_space<hbm>>
        %dma_wait3A_1383 = tpu.memref_squeeze %dma_wait3A_1382 : memref<1x1504xi32, #tpu.memory_space<hbm>> -> memref<1504xi32, #tpu.memory_space<hbm>>
        tpu.wait_dma2 semaphore(%run_scoped3A : memref<!tpu.dma_semaphore, #tpu.memory_space<semaphore_mem>>) src(%dma_wait3A_1383 : memref<1504xi32, #tpu.memory_space<hbm>>) dst(%arg5 : memref<1504xi32, #tpu.memory_space<vmem>>)
        tpu.yield
      }) : () -> ()
      %ge3A = arith.constant 1 : i32
      %ge3A_839 = arith.cmpi sge, %scan3A_832, %ge3A : i32
      %convert_element_type3A = arith.extui %ge3A_839 : i1 to i32
      %cond3A = arith.constant 0 : i32
      %cond3A_840 = arith.cmpi ne, %convert_element_type3A, %cond3A : i32
      scf.if %cond3A_840 {
        %sub3A_1372 = arith.constant 1 : i32
        %sub3A_1373 = arith.subi %add3A_835, %sub3A_1372 : i32
        %mul3A_1374 = arith.constant 1048576 : i32
        %mul3A_1375 = arith.muli %sub3A_1373, %mul3A_1374 : i32
        %add3A_1376 = arith.constant 0 : i32
        %add3A_1377 = arith.addi %mul3A_1375, %add3A_1376 : i32
        %mul3A_1378 = arith.constant 32768 : i32
        %mul3A_1379 = arith.muli %arg1, %mul3A_1378 : i32
        %mul3A_1380 = arith.constant 32768 : i32
        %mul3A_1381 = arith.muli %arg1, %mul3A_1380 : i32
        %add3A_1382 = arith.addi %add3A_1377, %mul3A_1381 : i32
        %dma_wait3A_1383 = tpu.memref_slice %arg4[%add3A_1382] : memref<67108864xf32, #tpu.memory_space<hbm>> -> memref<32768xf32, #tpu.memory_space<hbm>>
        %dma_wait3A_1384 = tpu.memref_slice %arg8[%mul3A_1379] : memref<524304xf32, #tpu.memory_space<vmem_shared>> -> memref<32768xf32, #tpu.memory_space<vmem_shared>>
        tpu.wait_dma2 semaphore(%arg11 : memref<!tpu.dma_semaphore, #tpu.memory_space<semaphore_mem>>) src(%dma_wait3A_1384 : memref<32768xf32, #tpu.memory_space<vmem_shared>>) dst(%dma_wait3A_1383 : memref<32768xf32, #tpu.memory_space<hbm>>)
        %mul3A_1385 = arith.constant 32768 : i32
        %mul3A_1386 = arith.muli %arg1, %mul3A_1385 : i32
        %mul3A_1387 = arith.constant 32768 : i32
        %mul3A_1388 = arith.muli %arg1, %mul3A_1387 : i32
        %dma_start3A_1389 = tpu.memref_slice %arg8[%mul3A_1388] : memref<524304xf32, #tpu.memory_space<vmem_shared>> -> memref<32768xf32, #tpu.memory_space<vmem_shared>>
        %dma_start3A_1390 = tpu.memref_slice %arg3[%mul3A_1386] : memref<524288xf32, #tpu.memory_space<hbm>> -> memref<32768xf32, #tpu.memory_space<hbm>>
        tpu.enqueue_dma source(%dma_start3A_1390 : memref<32768xf32, #tpu.memory_space<hbm>>) target(%dma_start3A_1389 : memref<32768xf32, #tpu.memory_space<vmem_shared>>) target_semaphore(%arg12 : memref<!tpu.dma_semaphore, #tpu.memory_space<semaphore_mem>>)
      } else {
      }
      %scan3A_841 = arith.constant 0 : i32
      %scan3A_842 = arith.constant 94 : i32
      %scan3A_843 = arith.addi %scan3A_841, %scan3A_842 : i32
      %scan3A_844 = arith.constant 1 : i32
      scf.for %scan3A_1372 = %scan3A_841 to %scan3A_843 step %scan3A_844  : i32 {
        %mul3A_1373 = arith.constant 16 : i32
        %mul3A_1374 = arith.muli %scan3A_1372, %mul3A_1373 : i32
        %get3A = arith.index_cast %mul3A_1374 : i32 to index
        %get3A_1375 = tpu.vector_load %arg5[%get3A] {strides = array<i32>} : memref<1504xi32, #tpu.memory_space<vmem>>, vector<16xi32>,
        %get3A_1376 = vector.shape_cast %get3A_1375 : vector<16xi32> to vector<16xi32>
        %ge3A_1377 = arith.constant 0 : i32
        %ge3A_1378 = vector.broadcast %ge3A_1377 : i32 to vector<16xi32>
        %ge3A_1379 = arith.cmpi sge, %get3A_1376, %ge3A_1378 : vector<16xi32>
        %lt3A = arith.constant 524288 : i32
        %lt3A_1380 = vector.broadcast %lt3A : i32 to vector<16xi32>
        %lt3A_1381 = arith.cmpi slt, %get3A_1376, %lt3A_1380 : vector<16xi32>
        %and3A = arith.andi %ge3A_1379, %lt3A_1381 : vector<16xi1>
        %sub3A_1382 = arith.constant 0 : i32
        %sub3A_1383 = vector.broadcast %sub3A_1382 : i32 to vector<16xi32>
        %sub3A_1384 = arith.subi %get3A_1376, %sub3A_1383 : vector<16xi32>
        %select_n3A = arith.select %and3A, %sub3A_1384, %add3A : vector<16xi1>, vector<16xi32>
        %jit3A = arith.constant 8 : i32
        %div3A = arith.divsi %scan3A_1372, %jit3A : i32
        %sign3A = arith.constant 0 : i32
        %sign3A_1385 = arith.cmpi sgt, %scan3A_1372, %sign3A : i32
        %sign3A_1386 = arith.extui %sign3A_1385 : i1 to i32
        %sign3A_1387 = arith.constant 0 : i32
        %sign3A_1388 = arith.cmpi slt, %scan3A_1372, %sign3A_1387 : i32
        %sign3A_1389 = arith.extui %sign3A_1388 : i1 to i32
        %sign3A_1390 = arith.subi %sign3A_1386, %sign3A_1389 : i32
        %sign3A_1391 = arith.constant 0 : i32
        %sign3A_1392 = arith.cmpi sgt, %jit3A, %sign3A_1391 : i32
        %sign3A_1393 = arith.extui %sign3A_1392 : i1 to i32
        %sign3A_1394 = arith.constant 0 : i32
        %sign3A_1395 = arith.cmpi slt, %jit3A, %sign3A_1394 : i32
        %sign3A_1396 = arith.extui %sign3A_1395 : i1 to i32
        %sign3A_1397 = arith.subi %sign3A_1393, %sign3A_1396 : i32
        %ne3A = arith.cmpi ne, %sign3A_1390, %sign3A_1397 : i32
        %rem3A = arith.remsi %scan3A_1372, %jit3A : i32
        %ne3A_1398 = arith.constant 0 : i32
        %ne3A_1399 = arith.cmpi ne, %rem3A, %ne3A_1398 : i32
        %and3A_1400 = arith.andi %ne3A, %ne3A_1399 : i1
        %sub3A_1401 = arith.constant 1 : i32
        %sub3A_1402 = arith.subi %div3A, %sub3A_1401 : i32
        %select_n3A_1403 = arith.select %and3A_1400, %sub3A_1402, %div3A : i32
        %jit3A_1404 = arith.constant 8 : i32
        %eq3A = arith.constant 0 : i32
        %eq3A_1405 = arith.cmpi eq, %jit3A_1404, %eq3A : i32
        %jit3A_1406 = arith.constant 1 : i32
        %select_n3A_1407 = arith.select %eq3A_1405, %jit3A_1406, %jit3A_1404 : i32
        %rem3A_1408 = arith.remsi %scan3A_1372, %select_n3A_1407 : i32
        %ne3A_1409 = arith.constant 0 : i32
        %ne3A_1410 = arith.cmpi ne, %rem3A_1408, %ne3A_1409 : i32
        %lt3A_1411 = arith.constant 0 : i32
        %lt3A_1412 = arith.cmpi slt, %rem3A_1408, %lt3A_1411 : i32
        %lt3A_1413 = arith.constant 0 : i32
        %lt3A_1414 = arith.cmpi slt, %select_n3A_1407, %lt3A_1413 : i32
        %ne3A_1415 = arith.xori %lt3A_1412, %lt3A_1414 : i1
        %and3A_1416 = arith.andi %ne3A_1415, %ne3A_1410 : i1
        %add3A_1417 = arith.addi %rem3A_1408, %select_n3A_1407 : i32
        %select_n3A_1418 = arith.select %and3A_1416, %add3A_1417, %rem3A_1408 : i32
        %mul3A_1419 = arith.constant 16 : i32
        %mul3A_1420 = arith.muli %select_n3A_1418, %mul3A_1419 : i32
        %swap3A_1421 = arith.index_cast %select_n3A_1403 : i32 to index
        %swap3A_1422 = arith.index_cast %mul3A_1420 : i32 to index
        %swap3A_1423 = tpu.vector_load %arg6[%swap3A_1421, %swap3A_1422] {strides = array<i32>} : memref<12x128xi32, #tpu.memory_space<vmem>>, vector<1x16xi32>,
        %swap3A_1424 = vector.shape_cast %swap3A_1423 : vector<1x16xi32> to vector<16xi32>
        %swap3A_1425 = vector.shape_cast %select_n3A : vector<16xi32> to vector<1x16xi32>
        tpu.vector_store %arg6[%swap3A_1421, %swap3A_1422], %swap3A_1425 {strides = array<i32>} : memref<12x128xi32, #tpu.memory_space<vmem>>, vector<1x16xi32>,
      }
      %scan3A_845 = arith.constant 94 : i32
      %ge3A_846 = arith.constant 1 : i32
      %ge3A_847 = arith.cmpi sge, %scan3A_832, %ge3A_846 : i32
      %convert_element_type3A_848 = arith.extui %ge3A_847 : i1 to i32
      %cond3A_849 = arith.constant 0 : i32
      %cond3A_850 = arith.cmpi ne, %convert_element_type3A_848, %cond3A_849 : i32
      scf.if %cond3A_850 {
        %mul3A_1372 = arith.constant 32768 : i32
        %mul3A_1373 = arith.muli %arg1, %mul3A_1372 : i32
        %mul3A_1374 = arith.constant 32768 : i32
        %mul3A_1375 = arith.muli %arg1, %mul3A_1374 : i32
        %dma_wait3A_1376 = tpu.memref_slice %arg8[%mul3A_1375] : memref<524304xf32, #tpu.memory_space<vmem_shared>> -> memref<32768xf32, #tpu.memory_space<vmem_shared>>
        %dma_wait3A_1377 = tpu.memref_slice %arg3[%mul3A_1373] : memref<524288xf32, #tpu.memory_space<hbm>> -> memref<32768xf32, #tpu.memory_space<hbm>>
        tpu.wait_dma2 semaphore(%arg12 : memref<!tpu.dma_semaphore, #tpu.memory_space<semaphore_mem>>) src(%dma_wait3A_1377 : memref<32768xf32, #tpu.memory_space<hbm>>) dst(%dma_wait3A_1376 : memref<32768xf32, #tpu.memory_space<vmem_shared>>)
      } else {
      }
      %barrier3A_851 = arith.constant 0 : index
      tpu.barrier barrier_id(%barrier3A_851)
      %dma_start3A_852 = arith.constant 0 : i32
      %dma_start3A_853 = arith.constant 0 : i32
      %dma_start3A_854 = arith.constant 0 : i32
      %dma_start3A_855 = tpu.memref_slice %arg7[%dma_start3A_852, %dma_start3A_854] : memref<12x128xf32, #tpu.memory_space<vmem>> -> memref<1x128xf32, #tpu.memory_space<vmem>>
      %dma_start3A_856 = tpu.memref_squeeze %dma_start3A_855 : memref<1x128xf32, #tpu.memory_space<vmem>> -> memref<128xf32, #tpu.memory_space<vmem>>
      %dma_start3A_857 = arith.constant 0 : i32
      %dma_start3A_858 = tpu.memref_slice %arg6[%dma_start3A_853, %dma_start3A_857] : memref<12x128xi32, #tpu.memory_space<vmem>> -> memref<1x128xi32, #tpu.memory_space<vmem>>
      %dma_start3A_859 = tpu.memref_squeeze %dma_start3A_858 : memref<1x128xi32, #tpu.memory_space<vmem>> -> memref<128xi32, #tpu.memory_space<vmem>>
      %dma_start3A_860 = arith.constant 0 : i32
      %dma_start3A_861 = tpu.memref_slice %arg8[%dma_start3A_860] : memref<524304xf32, #tpu.memory_space<vmem_shared>> -> memref<524304xf32, #tpu.memory_space<vmem_shared>>
      tpu.enqueue_indirect_dma source(%dma_start3A_856 : memref<128xf32, #tpu.memory_space<vmem>>) target(%dma_start3A_861 : memref<524304xf32, #tpu.memory_space<vmem_shared>>) offsets(%dma_start3A_859 : memref<128xi32, #tpu.memory_space<vmem>>) semaphore(%arg10 : memref<!tpu.dma_semaphore, #tpu.memory_space<semaphore_mem>>)
      %dma_start3A_862 = arith.constant 1 : i32
      %dma_start3A_863 = arith.constant 1 : i32
      %dma_start3A_864 = arith.constant 0 : i32
      %dma_start3A_865 = tpu.memref_slice %arg7[%dma_start3A_862, %dma_start3A_864] : memref<12x128xf32, #tpu.memory_space<vmem>> -> memref<1x128xf32, #tpu.memory_space<vmem>>
      %dma_start3A_866 = tpu.memref_squeeze %dma_start3A_865 : memref<1x128xf32, #tpu.memory_space<vmem>> -> memref<128xf32, #tpu.memory_space<vmem>>
      %dma_start3A_867 = arith.constant 0 : i32
      %dma_start3A_868 = tpu.memref_slice %arg6[%dma_start3A_863, %dma_start3A_867] : memref<12x128xi32, #tpu.memory_space<vmem>> -> memref<1x128xi32, #tpu.memory_space<vmem>>
      %dma_start3A_869 = tpu.memref_squeeze %dma_start3A_868 : memref<1x128xi32, #tpu.memory_space<vmem>> -> memref<128xi32, #tpu.memory_space<vmem>>
      %dma_start3A_870 = arith.constant 0 : i32
      %dma_start3A_871 = tpu.memref_slice %arg8[%dma_start3A_870] : memref<524304xf32, #tpu.memory_space<vmem_shared>> -> memref<524304xf32, #tpu.memory_space<vmem_shared>>
      tpu.enqueue_indirect_dma source(%dma_start3A_866 : memref<128xf32, #tpu.memory_space<vmem>>) target(%dma_start3A_871 : memref<524304xf32, #tpu.memory_space<vmem_shared>>) offsets(%dma_start3A_869 : memref<128xi32, #tpu.memory_space<vmem>>) semaphore(%arg10 : memref<!tpu.dma_semaphore, #tpu.memory_space<semaphore_mem>>)
      %dma_start3A_872 = arith.constant 2 : i32
      %dma_start3A_873 = arith.constant 2 : i32
      %dma_start3A_874 = arith.constant 0 : i32
      %dma_start3A_875 = tpu.memref_slice %arg7[%dma_start3A_872, %dma_start3A_874] : memref<12x128xf32, #tpu.memory_space<vmem>> -> memref<1x128xf32, #tpu.memory_space<vmem>>
      %dma_start3A_876 = tpu.memref_squeeze %dma_start3A_875 : memref<1x128xf32, #tpu.memory_space<vmem>> -> memref<128xf32, #tpu.memory_space<vmem>>
      %dma_start3A_877 = arith.constant 0 : i32
      %dma_start3A_878 = tpu.memref_slice %arg6[%dma_start3A_873, %dma_start3A_877] : memref<12x128xi32, #tpu.memory_space<vmem>> -> memref<1x128xi32, #tpu.memory_space<vmem>>
      %dma_start3A_879 = tpu.memref_squeeze %dma_start3A_878 : memref<1x128xi32, #tpu.memory_space<vmem>> -> memref<128xi32, #tpu.memory_space<vmem>>
      %dma_start3A_880 = arith.constant 0 : i32
      %dma_start3A_881 = tpu.memref_slice %arg8[%dma_start3A_880] : memref<524304xf32, #tpu.memory_space<vmem_shared>> -> memref<524304xf32, #tpu.memory_space<vmem_shared>>
      tpu.enqueue_indirect_dma source(%dma_start3A_876 : memref<128xf32, #tpu.memory_space<vmem>>) target(%dma_start3A_881 : memref<524304xf32, #tpu.memory_space<vmem_shared>>) offsets(%dma_start3A_879 : memref<128xi32, #tpu.memory_space<vmem>>) semaphore(%arg10 : memref<!tpu.dma_semaphore, #tpu.memory_space<semaphore_mem>>)
      %dma_start3A_882 = arith.constant 3 : i32
      %dma_start3A_883 = arith.constant 3 : i32
      %dma_start3A_884 = arith.constant 0 : i32
      %dma_start3A_885 = tpu.memref_slice %arg7[%dma_start3A_882, %dma_start3A_884] : memref<12x128xf32, #tpu.memory_space<vmem>> -> memref<1x128xf32, #tpu.memory_space<vmem>>
      %dma_start3A_886 = tpu.memref_squeeze %dma_start3A_885 : memref<1x128xf32, #tpu.memory_space<vmem>> -> memref<128xf32, #tpu.memory_space<vmem>>
      %dma_start3A_887 = arith.constant 0 : i32
      %dma_start3A_888 = tpu.memref_slice %arg6[%dma_start3A_883, %dma_start3A_887] : memref<12x128xi32, #tpu.memory_space<vmem>> -> memref<1x128xi32, #tpu.memory_space<vmem>>
      %dma_start3A_889 = tpu.memref_squeeze %dma_start3A_888 : memref<1x128xi32, #tpu.memory_space<vmem>> -> memref<128xi32, #tpu.memory_space<vmem>>
      %dma_start3A_890 = arith.constant 0 : i32
      %dma_start3A_891 = tpu.memref_slice %arg8[%dma_start3A_890] : memref<524304xf32, #tpu.memory_space<vmem_shared>> -> memref<524304xf32, #tpu.memory_space<vmem_shared>>
      tpu.enqueue_indirect_dma source(%dma_start3A_886 : memref<128xf32, #tpu.memory_space<vmem>>) target(%dma_start3A_891 : memref<524304xf32, #tpu.memory_space<vmem_shared>>) offsets(%dma_start3A_889 : memref<128xi32, #tpu.memory_space<vmem>>) semaphore(%arg10 : memref<!tpu.dma_semaphore, #tpu.memory_space<semaphore_mem>>)
      %dma_start3A_892 = arith.constant 4 : i32
      %dma_start3A_893 = arith.constant 4 : i32
      %dma_start3A_894 = arith.constant 0 : i32
      %dma_start3A_895 = tpu.memref_slice %arg7[%dma_start3A_892, %dma_start3A_894] : memref<12x128xf32, #tpu.memory_space<vmem>> -> memref<1x128xf32, #tpu.memory_space<vmem>>
      %dma_start3A_896 = tpu.memref_squeeze %dma_start3A_895 : memref<1x128xf32, #tpu.memory_space<vmem>> -> memref<128xf32, #tpu.memory_space<vmem>>
      %dma_start3A_897 = arith.constant 0 : i32
      %dma_start3A_898 = tpu.memref_slice %arg6[%dma_start3A_893, %dma_start3A_897] : memref<12x128xi32, #tpu.memory_space<vmem>> -> memref<1x128xi32, #tpu.memory_space<vmem>>
      %dma_start3A_899 = tpu.memref_squeeze %dma_start3A_898 : memref<1x128xi32, #tpu.memory_space<vmem>> -> memref<128xi32, #tpu.memory_space<vmem>>
      %dma_start3A_900 = arith.constant 0 : i32
      %dma_start3A_901 = tpu.memref_slice %arg8[%dma_start3A_900] : memref<524304xf32, #tpu.memory_space<vmem_shared>> -> memref<524304xf32, #tpu.memory_space<vmem_shared>>
      tpu.enqueue_indirect_dma source(%dma_start3A_896 : memref<128xf32, #tpu.memory_space<vmem>>) target(%dma_start3A_901 : memref<524304xf32, #tpu.memory_space<vmem_shared>>) offsets(%dma_start3A_899 : memref<128xi32, #tpu.memory_space<vmem>>) semaphore(%arg10 : memref<!tpu.dma_semaphore, #tpu.memory_space<semaphore_mem>>)
      %dma_start3A_902 = arith.constant 5 : i32
      %dma_start3A_903 = arith.constant 5 : i32
      %dma_start3A_904 = arith.constant 0 : i32
      %dma_start3A_905 = tpu.memref_slice %arg7[%dma_start3A_902, %dma_start3A_904] : memref<12x128xf32, #tpu.memory_space<vmem>> -> memref<1x128xf32, #tpu.memory_space<vmem>>
      %dma_start3A_906 = tpu.memref_squeeze %dma_start3A_905 : memref<1x128xf32, #tpu.memory_space<vmem>> -> memref<128xf32, #tpu.memory_space<vmem>>
      %dma_start3A_907 = arith.constant 0 : i32
      %dma_start3A_908 = tpu.memref_slice %arg6[%dma_start3A_903, %dma_start3A_907] : memref<12x128xi32, #tpu.memory_space<vmem>> -> memref<1x128xi32, #tpu.memory_space<vmem>>
      %dma_start3A_909 = tpu.memref_squeeze %dma_start3A_908 : memref<1x128xi32, #tpu.memory_space<vmem>> -> memref<128xi32, #tpu.memory_space<vmem>>
      %dma_start3A_910 = arith.constant 0 : i32
      %dma_start3A_911 = tpu.memref_slice %arg8[%dma_start3A_910] : memref<524304xf32, #tpu.memory_space<vmem_shared>> -> memref<524304xf32, #tpu.memory_space<vmem_shared>>
      tpu.enqueue_indirect_dma source(%dma_start3A_906 : memref<128xf32, #tpu.memory_space<vmem>>) target(%dma_start3A_911 : memref<524304xf32, #tpu.memory_space<vmem_shared>>) offsets(%dma_start3A_909 : memref<128xi32, #tpu.memory_space<vmem>>) semaphore(%arg10 : memref<!tpu.dma_semaphore, #tpu.memory_space<semaphore_mem>>)
      %dma_start3A_912 = arith.constant 6 : i32
      %dma_start3A_913 = arith.constant 6 : i32
      %dma_start3A_914 = arith.constant 0 : i32
      %dma_start3A_915 = tpu.memref_slice %arg7[%dma_start3A_912, %dma_start3A_914] : memref<12x128xf32, #tpu.memory_space<vmem>> -> memref<1x128xf32, #tpu.memory_space<vmem>>
      %dma_start3A_916 = tpu.memref_squeeze %dma_start3A_915 : memref<1x128xf32, #tpu.memory_space<vmem>> -> memref<128xf32, #tpu.memory_space<vmem>>
      %dma_start3A_917 = arith.constant 0 : i32
      %dma_start3A_918 = tpu.memref_slice %arg6[%dma_start3A_913, %dma_start3A_917] : memref<12x128xi32, #tpu.memory_space<vmem>> -> memref<1x128xi32, #tpu.memory_space<vmem>>
      %dma_start3A_919 = tpu.memref_squeeze %dma_start3A_918 : memref<1x128xi32, #tpu.memory_space<vmem>> -> memref<128xi32, #tpu.memory_space<vmem>>
      %dma_start3A_920 = arith.constant 0 : i32
      %dma_start3A_921 = tpu.memref_slice %arg8[%dma_start3A_920] : memref<524304xf32, #tpu.memory_space<vmem_shared>> -> memref<524304xf32, #tpu.memory_space<vmem_shared>>
      tpu.enqueue_indirect_dma source(%dma_start3A_916 : memref<128xf32, #tpu.memory_space<vmem>>) target(%dma_start3A_921 : memref<524304xf32, #tpu.memory_space<vmem_shared>>) offsets(%dma_start3A_919 : memref<128xi32, #tpu.memory_space<vmem>>) semaphore(%arg10 : memref<!tpu.dma_semaphore, #tpu.memory_space<semaphore_mem>>)
      %dma_start3A_922 = arith.constant 7 : i32
      %dma_start3A_923 = arith.constant 7 : i32
      %dma_start3A_924 = arith.constant 0 : i32
      %dma_start3A_925 = tpu.memref_slice %arg7[%dma_start3A_922, %dma_start3A_924] : memref<12x128xf32, #tpu.memory_space<vmem>> -> memref<1x128xf32, #tpu.memory_space<vmem>>
      %dma_start3A_926 = tpu.memref_squeeze %dma_start3A_925 : memref<1x128xf32, #tpu.memory_space<vmem>> -> memref<128xf32, #tpu.memory_space<vmem>>
      %dma_start3A_927 = arith.constant 0 : i32
      %dma_start3A_928 = tpu.memref_slice %arg6[%dma_start3A_923, %dma_start3A_927] : memref<12x128xi32, #tpu.memory_space<vmem>> -> memref<1x128xi32, #tpu.memory_space<vmem>>
      %dma_start3A_929 = tpu.memref_squeeze %dma_start3A_928 : memref<1x128xi32, #tpu.memory_space<vmem>> -> memref<128xi32, #tpu.memory_space<vmem>>
      %dma_start3A_930 = arith.constant 0 : i32
      %dma_start3A_931 = tpu.memref_slice %arg8[%dma_start3A_930] : memref<524304xf32, #tpu.memory_space<vmem_shared>> -> memref<524304xf32, #tpu.memory_space<vmem_shared>>
      tpu.enqueue_indirect_dma source(%dma_start3A_926 : memref<128xf32, #tpu.memory_space<vmem>>) target(%dma_start3A_931 : memref<524304xf32, #tpu.memory_space<vmem_shared>>) offsets(%dma_start3A_929 : memref<128xi32, #tpu.memory_space<vmem>>) semaphore(%arg10 : memref<!tpu.dma_semaphore, #tpu.memory_space<semaphore_mem>>)
      %dma_start3A_932 = arith.constant 8 : i32
      %dma_start3A_933 = arith.constant 8 : i32
      %dma_start3A_934 = arith.constant 0 : i32
      %dma_start3A_935 = tpu.memref_slice %arg7[%dma_start3A_932, %dma_start3A_934] : memref<12x128xf32, #tpu.memory_space<vmem>> -> memref<1x128xf32, #tpu.memory_space<vmem>>
      %dma_start3A_936 = tpu.memref_squeeze %dma_start3A_935 : memref<1x128xf32, #tpu.memory_space<vmem>> -> memref<128xf32, #tpu.memory_space<vmem>>
      %dma_start3A_937 = arith.constant 0 : i32
      %dma_start3A_938 = tpu.memref_slice %arg6[%dma_start3A_933, %dma_start3A_937] : memref<12x128xi32, #tpu.memory_space<vmem>> -> memref<1x128xi32, #tpu.memory_space<vmem>>
      %dma_start3A_939 = tpu.memref_squeeze %dma_start3A_938 : memref<1x128xi32, #tpu.memory_space<vmem>> -> memref<128xi32, #tpu.memory_space<vmem>>
      %dma_start3A_940 = arith.constant 0 : i32
      %dma_start3A_941 = tpu.memref_slice %arg8[%dma_start3A_940] : memref<524304xf32, #tpu.memory_space<vmem_shared>> -> memref<524304xf32, #tpu.memory_space<vmem_shared>>
      tpu.enqueue_indirect_dma source(%dma_start3A_936 : memref<128xf32, #tpu.memory_space<vmem>>) target(%dma_start3A_941 : memref<524304xf32, #tpu.memory_space<vmem_shared>>) offsets(%dma_start3A_939 : memref<128xi32, #tpu.memory_space<vmem>>) semaphore(%arg10 : memref<!tpu.dma_semaphore, #tpu.memory_space<semaphore_mem>>)
      %dma_start3A_942 = arith.constant 9 : i32
      %dma_start3A_943 = arith.constant 9 : i32
      %dma_start3A_944 = arith.constant 0 : i32
      %dma_start3A_945 = tpu.memref_slice %arg7[%dma_start3A_942, %dma_start3A_944] : memref<12x128xf32, #tpu.memory_space<vmem>> -> memref<1x128xf32, #tpu.memory_space<vmem>>
      %dma_start3A_946 = tpu.memref_squeeze %dma_start3A_945 : memref<1x128xf32, #tpu.memory_space<vmem>> -> memref<128xf32, #tpu.memory_space<vmem>>
      %dma_start3A_947 = arith.constant 0 : i32
      %dma_start3A_948 = tpu.memref_slice %arg6[%dma_start3A_943, %dma_start3A_947] : memref<12x128xi32, #tpu.memory_space<vmem>> -> memref<1x128xi32, #tpu.memory_space<vmem>>
      %dma_start3A_949 = tpu.memref_squeeze %dma_start3A_948 : memref<1x128xi32, #tpu.memory_space<vmem>> -> memref<128xi32, #tpu.memory_space<vmem>>
      %dma_start3A_950 = arith.constant 0 : i32
      %dma_start3A_951 = tpu.memref_slice %arg8[%dma_start3A_950] : memref<524304xf32, #tpu.memory_space<vmem_shared>> -> memref<524304xf32, #tpu.memory_space<vmem_shared>>
      tpu.enqueue_indirect_dma source(%dma_start3A_946 : memref<128xf32, #tpu.memory_space<vmem>>) target(%dma_start3A_951 : memref<524304xf32, #tpu.memory_space<vmem_shared>>) offsets(%dma_start3A_949 : memref<128xi32, #tpu.memory_space<vmem>>) semaphore(%arg10 : memref<!tpu.dma_semaphore, #tpu.memory_space<semaphore_mem>>)
      %dma_start3A_952 = arith.constant 10 : i32
      %dma_start3A_953 = arith.constant 10 : i32
      %dma_start3A_954 = arith.constant 0 : i32
      %dma_start3A_955 = tpu.memref_slice %arg7[%dma_start3A_952, %dma_start3A_954] : memref<12x128xf32, #tpu.memory_space<vmem>> -> memref<1x128xf32, #tpu.memory_space<vmem>>
      %dma_start3A_956 = tpu.memref_squeeze %dma_start3A_955 : memref<1x128xf32, #tpu.memory_space<vmem>> -> memref<128xf32, #tpu.memory_space<vmem>>
      %dma_start3A_957 = arith.constant 0 : i32
      %dma_start3A_958 = tpu.memref_slice %arg6[%dma_start3A_953, %dma_start3A_957] : memref<12x128xi32, #tpu.memory_space<vmem>> -> memref<1x128xi32, #tpu.memory_space<vmem>>
      %dma_start3A_959 = tpu.memref_squeeze %dma_start3A_958 : memref<1x128xi32, #tpu.memory_space<vmem>> -> memref<128xi32, #tpu.memory_space<vmem>>
      %dma_start3A_960 = arith.constant 0 : i32
      %dma_start3A_961 = tpu.memref_slice %arg8[%dma_start3A_960] : memref<524304xf32, #tpu.memory_space<vmem_shared>> -> memref<524304xf32, #tpu.memory_space<vmem_shared>>
      tpu.enqueue_indirect_dma source(%dma_start3A_956 : memref<128xf32, #tpu.memory_space<vmem>>) target(%dma_start3A_961 : memref<524304xf32, #tpu.memory_space<vmem_shared>>) offsets(%dma_start3A_959 : memref<128xi32, #tpu.memory_space<vmem>>) semaphore(%arg10 : memref<!tpu.dma_semaphore, #tpu.memory_space<semaphore_mem>>)
      %dma_start3A_962 = arith.constant 11 : i32
      %dma_start3A_963 = arith.constant 11 : i32
      %dma_start3A_964 = arith.constant 0 : i32
      %dma_start3A_965 = tpu.memref_slice %arg7[%dma_start3A_962, %dma_start3A_964] : memref<12x128xf32, #tpu.memory_space<vmem>> -> memref<1x128xf32, #tpu.memory_space<vmem>>
      %dma_start3A_966 = tpu.memref_squeeze %dma_start3A_965 : memref<1x128xf32, #tpu.memory_space<vmem>> -> memref<128xf32, #tpu.memory_space<vmem>>
      %dma_start3A_967 = arith.constant 0 : i32
      %dma_start3A_968 = tpu.memref_slice %arg6[%dma_start3A_963, %dma_start3A_967] : memref<12x128xi32, #tpu.memory_space<vmem>> -> memref<1x128xi32, #tpu.memory_space<vmem>>
      %dma_start3A_969 = tpu.memref_squeeze %dma_start3A_968 : memref<1x128xi32, #tpu.memory_space<vmem>> -> memref<128xi32, #tpu.memory_space<vmem>>
      %dma_start3A_970 = arith.constant 0 : i32
      %dma_start3A_971 = tpu.memref_slice %arg8[%dma_start3A_970] : memref<524304xf32, #tpu.memory_space<vmem_shared>> -> memref<524304xf32, #tpu.memory_space<vmem_shared>>
      tpu.enqueue_indirect_dma source(%dma_start3A_966 : memref<128xf32, #tpu.memory_space<vmem>>) target(%dma_start3A_971 : memref<524304xf32, #tpu.memory_space<vmem_shared>>) offsets(%dma_start3A_969 : memref<128xi32, #tpu.memory_space<vmem>>) semaphore(%arg10 : memref<!tpu.dma_semaphore, #tpu.memory_space<semaphore_mem>>)
      %dma_wait3A_972 = arith.constant 0 : i32
      %dma_wait3A_973 = arith.constant 0 : i32
      %dma_wait3A_974 = arith.constant 0 : i32
      %dma_wait3A_975 = tpu.memref_slice %arg7[%dma_wait3A_972, %dma_wait3A_974] : memref<12x128xf32, #tpu.memory_space<vmem>> -> memref<1x128xf32, #tpu.memory_space<vmem>>
      %dma_wait3A_976 = tpu.memref_squeeze %dma_wait3A_975 : memref<1x128xf32, #tpu.memory_space<vmem>> -> memref<128xf32, #tpu.memory_space<vmem>>
      %dma_wait3A_977 = arith.constant 0 : i32
      %dma_wait3A_978 = tpu.memref_slice %arg6[%dma_wait3A_973, %dma_wait3A_977] : memref<12x128xi32, #tpu.memory_space<vmem>> -> memref<1x128xi32, #tpu.memory_space<vmem>>
      %dma_wait3A_979 = tpu.memref_squeeze %dma_wait3A_978 : memref<1x128xi32, #tpu.memory_space<vmem>> -> memref<128xi32, #tpu.memory_space<vmem>>
      %dma_wait3A_980 = arith.constant 0 : i32
      %dma_wait3A_981 = tpu.memref_slice %arg8[%dma_wait3A_980] : memref<524304xf32, #tpu.memory_space<vmem_shared>> -> memref<524304xf32, #tpu.memory_space<vmem_shared>>
      tpu.wait_indirect_dma semaphore(%arg10 : memref<!tpu.dma_semaphore, #tpu.memory_space<semaphore_mem>>) src(%dma_wait3A_976 : memref<128xf32, #tpu.memory_space<vmem>>) dst(%dma_wait3A_981 : memref<524304xf32, #tpu.memory_space<vmem_shared>>)
      %dma_wait3A_982 = arith.constant 1 : i32
      %dma_wait3A_983 = arith.constant 1 : i32
      %dma_wait3A_984 = arith.constant 0 : i32
      %dma_wait3A_985 = tpu.memref_slice %arg7[%dma_wait3A_982, %dma_wait3A_984] : memref<12x128xf32, #tpu.memory_space<vmem>> -> memref<1x128xf32, #tpu.memory_space<vmem>>
      %dma_wait3A_986 = tpu.memref_squeeze %dma_wait3A_985 : memref<1x128xf32, #tpu.memory_space<vmem>> -> memref<128xf32, #tpu.memory_space<vmem>>
      %dma_wait3A_987 = arith.constant 0 : i32
      %dma_wait3A_988 = tpu.memref_slice %arg6[%dma_wait3A_983, %dma_wait3A_987] : memref<12x128xi32, #tpu.memory_space<vmem>> -> memref<1x128xi32, #tpu.memory_space<vmem>>
      %dma_wait3A_989 = tpu.memref_squeeze %dma_wait3A_988 : memref<1x128xi32, #tpu.memory_space<vmem>> -> memref<128xi32, #tpu.memory_space<vmem>>
      %dma_wait3A_990 = arith.constant 0 : i32
      %dma_wait3A_991 = tpu.memref_slice %arg8[%dma_wait3A_990] : memref<524304xf32, #tpu.memory_space<vmem_shared>> -> memref<524304xf32, #tpu.memory_space<vmem_shared>>
      tpu.wait_indirect_dma semaphore(%arg10 : memref<!tpu.dma_semaphore, #tpu.memory_space<semaphore_mem>>) src(%dma_wait3A_986 : memref<128xf32, #tpu.memory_space<vmem>>) dst(%dma_wait3A_991 : memref<524304xf32, #tpu.memory_space<vmem_shared>>)
      %dma_wait3A_992 = arith.constant 2 : i32
      %dma_wait3A_993 = arith.constant 2 : i32
      %dma_wait3A_994 = arith.constant 0 : i32
      %dma_wait3A_995 = tpu.memref_slice %arg7[%dma_wait3A_992, %dma_wait3A_994] : memref<12x128xf32, #tpu.memory_space<vmem>> -> memref<1x128xf32, #tpu.memory_space<vmem>>
      %dma_wait3A_996 = tpu.memref_squeeze %dma_wait3A_995 : memref<1x128xf32, #tpu.memory_space<vmem>> -> memref<128xf32, #tpu.memory_space<vmem>>
      %dma_wait3A_997 = arith.constant 0 : i32
      %dma_wait3A_998 = tpu.memref_slice %arg6[%dma_wait3A_993, %dma_wait3A_997] : memref<12x128xi32, #tpu.memory_space<vmem>> -> memref<1x128xi32, #tpu.memory_space<vmem>>
      %dma_wait3A_999 = tpu.memref_squeeze %dma_wait3A_998 : memref<1x128xi32, #tpu.memory_space<vmem>> -> memref<128xi32, #tpu.memory_space<vmem>>
      %dma_wait3A_1000 = arith.constant 0 : i32
      %dma_wait3A_1001 = tpu.memref_slice %arg8[%dma_wait3A_1000] : memref<524304xf32, #tpu.memory_space<vmem_shared>> -> memref<524304xf32, #tpu.memory_space<vmem_shared>>
      tpu.wait_indirect_dma semaphore(%arg10 : memref<!tpu.dma_semaphore, #tpu.memory_space<semaphore_mem>>) src(%dma_wait3A_996 : memref<128xf32, #tpu.memory_space<vmem>>) dst(%dma_wait3A_1001 : memref<524304xf32, #tpu.memory_space<vmem_shared>>)
      %dma_wait3A_1002 = arith.constant 3 : i32
      %dma_wait3A_1003 = arith.constant 3 : i32
      %dma_wait3A_1004 = arith.constant 0 : i32
      %dma_wait3A_1005 = tpu.memref_slice %arg7[%dma_wait3A_1002, %dma_wait3A_1004] : memref<12x128xf32, #tpu.memory_space<vmem>> -> memref<1x128xf32, #tpu.memory_space<vmem>>
      %dma_wait3A_1006 = tpu.memref_squeeze %dma_wait3A_1005 : memref<1x128xf32, #tpu.memory_space<vmem>> -> memref<128xf32, #tpu.memory_space<vmem>>
      %dma_wait3A_1007 = arith.constant 0 : i32
      %dma_wait3A_1008 = tpu.memref_slice %arg6[%dma_wait3A_1003, %dma_wait3A_1007] : memref<12x128xi32, #tpu.memory_space<vmem>> -> memref<1x128xi32, #tpu.memory_space<vmem>>
      %dma_wait3A_1009 = tpu.memref_squeeze %dma_wait3A_1008 : memref<1x128xi32, #tpu.memory_space<vmem>> -> memref<128xi32, #tpu.memory_space<vmem>>
      %dma_wait3A_1010 = arith.constant 0 : i32
      %dma_wait3A_1011 = tpu.memref_slice %arg8[%dma_wait3A_1010] : memref<524304xf32, #tpu.memory_space<vmem_shared>> -> memref<524304xf32, #tpu.memory_space<vmem_shared>>
      tpu.wait_indirect_dma semaphore(%arg10 : memref<!tpu.dma_semaphore, #tpu.memory_space<semaphore_mem>>) src(%dma_wait3A_1006 : memref<128xf32, #tpu.memory_space<vmem>>) dst(%dma_wait3A_1011 : memref<524304xf32, #tpu.memory_space<vmem_shared>>)
      %dma_wait3A_1012 = arith.constant 4 : i32
      %dma_wait3A_1013 = arith.constant 4 : i32
      %dma_wait3A_1014 = arith.constant 0 : i32
      %dma_wait3A_1015 = tpu.memref_slice %arg7[%dma_wait3A_1012, %dma_wait3A_1014] : memref<12x128xf32, #tpu.memory_space<vmem>> -> memref<1x128xf32, #tpu.memory_space<vmem>>
      %dma_wait3A_1016 = tpu.memref_squeeze %dma_wait3A_1015 : memref<1x128xf32, #tpu.memory_space<vmem>> -> memref<128xf32, #tpu.memory_space<vmem>>
      %dma_wait3A_1017 = arith.constant 0 : i32
      %dma_wait3A_1018 = tpu.memref_slice %arg6[%dma_wait3A_1013, %dma_wait3A_1017] : memref<12x128xi32, #tpu.memory_space<vmem>> -> memref<1x128xi32, #tpu.memory_space<vmem>>
      %dma_wait3A_1019 = tpu.memref_squeeze %dma_wait3A_1018 : memref<1x128xi32, #tpu.memory_space<vmem>> -> memref<128xi32, #tpu.memory_space<vmem>>
      %dma_wait3A_1020 = arith.constant 0 : i32
      %dma_wait3A_1021 = tpu.memref_slice %arg8[%dma_wait3A_1020] : memref<524304xf32, #tpu.memory_space<vmem_shared>> -> memref<524304xf32, #tpu.memory_space<vmem_shared>>
      tpu.wait_indirect_dma semaphore(%arg10 : memref<!tpu.dma_semaphore, #tpu.memory_space<semaphore_mem>>) src(%dma_wait3A_1016 : memref<128xf32, #tpu.memory_space<vmem>>) dst(%dma_wait3A_1021 : memref<524304xf32, #tpu.memory_space<vmem_shared>>)
      %dma_wait3A_1022 = arith.constant 5 : i32
      %dma_wait3A_1023 = arith.constant 5 : i32
      %dma_wait3A_1024 = arith.constant 0 : i32
      %dma_wait3A_1025 = tpu.memref_slice %arg7[%dma_wait3A_1022, %dma_wait3A_1024] : memref<12x128xf32, #tpu.memory_space<vmem>> -> memref<1x128xf32, #tpu.memory_space<vmem>>
      %dma_wait3A_1026 = tpu.memref_squeeze %dma_wait3A_1025 : memref<1x128xf32, #tpu.memory_space<vmem>> -> memref<128xf32, #tpu.memory_space<vmem>>
      %dma_wait3A_1027 = arith.constant 0 : i32
      %dma_wait3A_1028 = tpu.memref_slice %arg6[%dma_wait3A_1023, %dma_wait3A_1027] : memref<12x128xi32, #tpu.memory_space<vmem>> -> memref<1x128xi32, #tpu.memory_space<vmem>>
      %dma_wait3A_1029 = tpu.memref_squeeze %dma_wait3A_1028 : memref<1x128xi32, #tpu.memory_space<vmem>> -> memref<128xi32, #tpu.memory_space<vmem>>
      %dma_wait3A_1030 = arith.constant 0 : i32
      %dma_wait3A_1031 = tpu.memref_slice %arg8[%dma_wait3A_1030] : memref<524304xf32, #tpu.memory_space<vmem_shared>> -> memref<524304xf32, #tpu.memory_space<vmem_shared>>
      tpu.wait_indirect_dma semaphore(%arg10 : memref<!tpu.dma_semaphore, #tpu.memory_space<semaphore_mem>>) src(%dma_wait3A_1026 : memref<128xf32, #tpu.memory_space<vmem>>) dst(%dma_wait3A_1031 : memref<524304xf32, #tpu.memory_space<vmem_shared>>)
      %dma_wait3A_1032 = arith.constant 6 : i32
      %dma_wait3A_1033 = arith.constant 6 : i32
      %dma_wait3A_1034 = arith.constant 0 : i32
      %dma_wait3A_1035 = tpu.memref_slice %arg7[%dma_wait3A_1032, %dma_wait3A_1034] : memref<12x128xf32, #tpu.memory_space<vmem>> -> memref<1x128xf32, #tpu.memory_space<vmem>>
      %dma_wait3A_1036 = tpu.memref_squeeze %dma_wait3A_1035 : memref<1x128xf32, #tpu.memory_space<vmem>> -> memref<128xf32, #tpu.memory_space<vmem>>
      %dma_wait3A_1037 = arith.constant 0 : i32
      %dma_wait3A_1038 = tpu.memref_slice %arg6[%dma_wait3A_1033, %dma_wait3A_1037] : memref<12x128xi32, #tpu.memory_space<vmem>> -> memref<1x128xi32, #tpu.memory_space<vmem>>
      %dma_wait3A_1039 = tpu.memref_squeeze %dma_wait3A_1038 : memref<1x128xi32, #tpu.memory_space<vmem>> -> memref<128xi32, #tpu.memory_space<vmem>>
      %dma_wait3A_1040 = arith.constant 0 : i32
      %dma_wait3A_1041 = tpu.memref_slice %arg8[%dma_wait3A_1040] : memref<524304xf32, #tpu.memory_space<vmem_shared>> -> memref<524304xf32, #tpu.memory_space<vmem_shared>>
      tpu.wait_indirect_dma semaphore(%arg10 : memref<!tpu.dma_semaphore, #tpu.memory_space<semaphore_mem>>) src(%dma_wait3A_1036 : memref<128xf32, #tpu.memory_space<vmem>>) dst(%dma_wait3A_1041 : memref<524304xf32, #tpu.memory_space<vmem_shared>>)
      %dma_wait3A_1042 = arith.constant 7 : i32
      %dma_wait3A_1043 = arith.constant 7 : i32
      %dma_wait3A_1044 = arith.constant 0 : i32
      %dma_wait3A_1045 = tpu.memref_slice %arg7[%dma_wait3A_1042, %dma_wait3A_1044] : memref<12x128xf32, #tpu.memory_space<vmem>> -> memref<1x128xf32, #tpu.memory_space<vmem>>
      %dma_wait3A_1046 = tpu.memref_squeeze %dma_wait3A_1045 : memref<1x128xf32, #tpu.memory_space<vmem>> -> memref<128xf32, #tpu.memory_space<vmem>>
      %dma_wait3A_1047 = arith.constant 0 : i32
      %dma_wait3A_1048 = tpu.memref_slice %arg6[%dma_wait3A_1043, %dma_wait3A_1047] : memref<12x128xi32, #tpu.memory_space<vmem>> -> memref<1x128xi32, #tpu.memory_space<vmem>>
      %dma_wait3A_1049 = tpu.memref_squeeze %dma_wait3A_1048 : memref<1x128xi32, #tpu.memory_space<vmem>> -> memref<128xi32, #tpu.memory_space<vmem>>
      %dma_wait3A_1050 = arith.constant 0 : i32
      %dma_wait3A_1051 = tpu.memref_slice %arg8[%dma_wait3A_1050] : memref<524304xf32, #tpu.memory_space<vmem_shared>> -> memref<524304xf32, #tpu.memory_space<vmem_shared>>
      tpu.wait_indirect_dma semaphore(%arg10 : memref<!tpu.dma_semaphore, #tpu.memory_space<semaphore_mem>>) src(%dma_wait3A_1046 : memref<128xf32, #tpu.memory_space<vmem>>) dst(%dma_wait3A_1051 : memref<524304xf32, #tpu.memory_space<vmem_shared>>)
      %dma_wait3A_1052 = arith.constant 8 : i32
      %dma_wait3A_1053 = arith.constant 8 : i32
      %dma_wait3A_1054 = arith.constant 0 : i32
      %dma_wait3A_1055 = tpu.memref_slice %arg7[%dma_wait3A_1052, %dma_wait3A_1054] : memref<12x128xf32, #tpu.memory_space<vmem>> -> memref<1x128xf32, #tpu.memory_space<vmem>>
      %dma_wait3A_1056 = tpu.memref_squeeze %dma_wait3A_1055 : memref<1x128xf32, #tpu.memory_space<vmem>> -> memref<128xf32, #tpu.memory_space<vmem>>
      %dma_wait3A_1057 = arith.constant 0 : i32
      %dma_wait3A_1058 = tpu.memref_slice %arg6[%dma_wait3A_1053, %dma_wait3A_1057] : memref<12x128xi32, #tpu.memory_space<vmem>> -> memref<1x128xi32, #tpu.memory_space<vmem>>
      %dma_wait3A_1059 = tpu.memref_squeeze %dma_wait3A_1058 : memref<1x128xi32, #tpu.memory_space<vmem>> -> memref<128xi32, #tpu.memory_space<vmem>>
      %dma_wait3A_1060 = arith.constant 0 : i32
      %dma_wait3A_1061 = tpu.memref_slice %arg8[%dma_wait3A_1060] : memref<524304xf32, #tpu.memory_space<vmem_shared>> -> memref<524304xf32, #tpu.memory_space<vmem_shared>>
      tpu.wait_indirect_dma semaphore(%arg10 : memref<!tpu.dma_semaphore, #tpu.memory_space<semaphore_mem>>) src(%dma_wait3A_1056 : memref<128xf32, #tpu.memory_space<vmem>>) dst(%dma_wait3A_1061 : memref<524304xf32, #tpu.memory_space<vmem_shared>>)
      %dma_wait3A_1062 = arith.constant 9 : i32
      %dma_wait3A_1063 = arith.constant 9 : i32
      %dma_wait3A_1064 = arith.constant 0 : i32
      %dma_wait3A_1065 = tpu.memref_slice %arg7[%dma_wait3A_1062, %dma_wait3A_1064] : memref<12x128xf32, #tpu.memory_space<vmem>> -> memref<1x128xf32, #tpu.memory_space<vmem>>
      %dma_wait3A_1066 = tpu.memref_squeeze %dma_wait3A_1065 : memref<1x128xf32, #tpu.memory_space<vmem>> -> memref<128xf32, #tpu.memory_space<vmem>>
      %dma_wait3A_1067 = arith.constant 0 : i32
      %dma_wait3A_1068 = tpu.memref_slice %arg6[%dma_wait3A_1063, %dma_wait3A_1067] : memref<12x128xi32, #tpu.memory_space<vmem>> -> memref<1x128xi32, #tpu.memory_space<vmem>>
      %dma_wait3A_1069 = tpu.memref_squeeze %dma_wait3A_1068 : memref<1x128xi32, #tpu.memory_space<vmem>> -> memref<128xi32, #tpu.memory_space<vmem>>
      %dma_wait3A_1070 = arith.constant 0 : i32
      %dma_wait3A_1071 = tpu.memref_slice %arg8[%dma_wait3A_1070] : memref<524304xf32, #tpu.memory_space<vmem_shared>> -> memref<524304xf32, #tpu.memory_space<vmem_shared>>
      tpu.wait_indirect_dma semaphore(%arg10 : memref<!tpu.dma_semaphore, #tpu.memory_space<semaphore_mem>>) src(%dma_wait3A_1066 : memref<128xf32, #tpu.memory_space<vmem>>) dst(%dma_wait3A_1071 : memref<524304xf32, #tpu.memory_space<vmem_shared>>)
      %dma_wait3A_1072 = arith.constant 10 : i32
      %dma_wait3A_1073 = arith.constant 10 : i32
      %dma_wait3A_1074 = arith.constant 0 : i32
      %dma_wait3A_1075 = tpu.memref_slice %arg7[%dma_wait3A_1072, %dma_wait3A_1074] : memref<12x128xf32, #tpu.memory_space<vmem>> -> memref<1x128xf32, #tpu.memory_space<vmem>>
      %dma_wait3A_1076 = tpu.memref_squeeze %dma_wait3A_1075 : memref<1x128xf32, #tpu.memory_space<vmem>> -> memref<128xf32, #tpu.memory_space<vmem>>
      %dma_wait3A_1077 = arith.constant 0 : i32
      %dma_wait3A_1078 = tpu.memref_slice %arg6[%dma_wait3A_1073, %dma_wait3A_1077] : memref<12x128xi32, #tpu.memory_space<vmem>> -> memref<1x128xi32, #tpu.memory_space<vmem>>
      %dma_wait3A_1079 = tpu.memref_squeeze %dma_wait3A_1078 : memref<1x128xi32, #tpu.memory_space<vmem>> -> memref<128xi32, #tpu.memory_space<vmem>>
      %dma_wait3A_1080 = arith.constant 0 : i32
      %dma_wait3A_1081 = tpu.memref_slice %arg8[%dma_wait3A_1080] : memref<524304xf32, #tpu.memory_space<vmem_shared>> -> memref<524304xf32, #tpu.memory_space<vmem_shared>>
      tpu.wait_indirect_dma semaphore(%arg10 : memref<!tpu.dma_semaphore, #tpu.memory_space<semaphore_mem>>) src(%dma_wait3A_1076 : memref<128xf32, #tpu.memory_space<vmem>>) dst(%dma_wait3A_1081 : memref<524304xf32, #tpu.memory_space<vmem_shared>>)
      %dma_wait3A_1082 = arith.constant 11 : i32
      %dma_wait3A_1083 = arith.constant 11 : i32
      %dma_wait3A_1084 = arith.constant 0 : i32
      %dma_wait3A_1085 = tpu.memref_slice %arg7[%dma_wait3A_1082, %dma_wait3A_1084] : memref<12x128xf32, #tpu.memory_space<vmem>> -> memref<1x128xf32, #tpu.memory_space<vmem>>
      %dma_wait3A_1086 = tpu.memref_squeeze %dma_wait3A_1085 : memref<1x128xf32, #tpu.memory_space<vmem>> -> memref<128xf32, #tpu.memory_space<vmem>>
      %dma_wait3A_1087 = arith.constant 0 : i32
      %dma_wait3A_1088 = tpu.memref_slice %arg6[%dma_wait3A_1083, %dma_wait3A_1087] : memref<12x128xi32, #tpu.memory_space<vmem>> -> memref<1x128xi32, #tpu.memory_space<vmem>>
      %dma_wait3A_1089 = tpu.memref_squeeze %dma_wait3A_1088 : memref<1x128xi32, #tpu.memory_space<vmem>> -> memref<128xi32, #tpu.memory_space<vmem>>
      %dma_wait3A_1090 = arith.constant 0 : i32
      %dma_wait3A_1091 = tpu.memref_slice %arg8[%dma_wait3A_1090] : memref<524304xf32, #tpu.memory_space<vmem_shared>> -> memref<524304xf32, #tpu.memory_space<vmem_shared>>
      tpu.wait_indirect_dma semaphore(%arg10 : memref<!tpu.dma_semaphore, #tpu.memory_space<semaphore_mem>>) src(%dma_wait3A_1086 : memref<128xf32, #tpu.memory_space<vmem>>) dst(%dma_wait3A_1091 : memref<524304xf32, #tpu.memory_space<vmem_shared>>)
      %barrier3A_1092 = arith.constant 0 : index
      tpu.barrier barrier_id(%barrier3A_1092)
      %mul3A_1093 = arith.constant 1048576 : i32
      %mul3A_1094 = arith.muli %add3A_835, %mul3A_1093 : i32
      %add3A_1095 = arith.constant 0 : i32
      %add3A_1096 = arith.addi %mul3A_1094, %add3A_1095 : i32
      %mul3A_1097 = arith.constant 32768 : i32
      %mul3A_1098 = arith.muli %arg1, %mul3A_1097 : i32
      %mul3A_1099 = arith.constant 32768 : i32
      %mul3A_1100 = arith.muli %arg1, %mul3A_1099 : i32
      %add3A_1101 = arith.addi %add3A_1096, %mul3A_1100 : i32
      %dma_start3A_1102 = tpu.memref_slice %arg4[%add3A_1101] : memref<67108864xf32, #tpu.memory_space<hbm>> -> memref<32768xf32, #tpu.memory_space<hbm>>
      %dma_start3A_1103 = tpu.memref_slice %arg8[%mul3A_1098] : memref<524304xf32, #tpu.memory_space<vmem_shared>> -> memref<32768xf32, #tpu.memory_space<vmem_shared>>
      tpu.enqueue_dma source(%dma_start3A_1103 : memref<32768xf32, #tpu.memory_space<vmem_shared>>) target(%dma_start3A_1102 : memref<32768xf32, #tpu.memory_space<hbm>>) target_semaphore(%arg11 : memref<!tpu.dma_semaphore, #tpu.memory_space<semaphore_mem>>)
      %ge3A_1104 = arith.constant 1 : i32
      %ge3A_1105 = arith.cmpi sge, %scan3A_832, %ge3A_1104 : i32
      %convert_element_type3A_1106 = arith.extui %ge3A_1105 : i1 to i32
      %cond3A_1107 = arith.constant 0 : i32
      %cond3A_1108 = arith.cmpi ne, %convert_element_type3A_1106, %cond3A_1107 : i32
      scf.if %cond3A_1108 {
        %sub3A_1372 = arith.constant 1 : i32
        %sub3A_1373 = arith.subi %add3A_835, %sub3A_1372 : i32
        %mul3A_1374 = arith.constant 1048576 : i32
        %mul3A_1375 = arith.muli %sub3A_1373, %mul3A_1374 : i32
        %add3A_1376 = arith.constant 524288 : i32
        %add3A_1377 = arith.addi %mul3A_1375, %add3A_1376 : i32
        %mul3A_1378 = arith.constant 32768 : i32
        %mul3A_1379 = arith.muli %arg1, %mul3A_1378 : i32
        %mul3A_1380 = arith.constant 32768 : i32
        %mul3A_1381 = arith.muli %arg1, %mul3A_1380 : i32
        %add3A_1382 = arith.addi %add3A_1377, %mul3A_1381 : i32
        %dma_wait3A_1383 = tpu.memref_slice %arg4[%add3A_1382] : memref<67108864xf32, #tpu.memory_space<hbm>> -> memref<32768xf32, #tpu.memory_space<hbm>>
        %dma_wait3A_1384 = tpu.memref_slice %arg9[%mul3A_1379] : memref<524304xf32, #tpu.memory_space<vmem_shared>> -> memref<32768xf32, #tpu.memory_space<vmem_shared>>
        tpu.wait_dma2 semaphore(%arg11 : memref<!tpu.dma_semaphore, #tpu.memory_space<semaphore_mem>>) src(%dma_wait3A_1384 : memref<32768xf32, #tpu.memory_space<vmem_shared>>) dst(%dma_wait3A_1383 : memref<32768xf32, #tpu.memory_space<hbm>>)
        %mul3A_1385 = arith.constant 32768 : i32
        %mul3A_1386 = arith.muli %arg1, %mul3A_1385 : i32
        %mul3A_1387 = arith.constant 32768 : i32
        %mul3A_1388 = arith.muli %arg1, %mul3A_1387 : i32
        %dma_start3A_1389 = tpu.memref_slice %arg9[%mul3A_1388] : memref<524304xf32, #tpu.memory_space<vmem_shared>> -> memref<32768xf32, #tpu.memory_space<vmem_shared>>
        %dma_start3A_1390 = tpu.memref_slice %arg3[%mul3A_1386] : memref<524288xf32, #tpu.memory_space<hbm>> -> memref<32768xf32, #tpu.memory_space<hbm>>
        tpu.enqueue_dma source(%dma_start3A_1390 : memref<32768xf32, #tpu.memory_space<hbm>>) target(%dma_start3A_1389 : memref<32768xf32, #tpu.memory_space<vmem_shared>>) target_semaphore(%arg12 : memref<!tpu.dma_semaphore, #tpu.memory_space<semaphore_mem>>)
      } else {
      }
      %scan3A_1109 = arith.constant 0 : i32
      %scan3A_1110 = arith.constant 94 : i32
      %scan3A_1111 = arith.addi %scan3A_1109, %scan3A_1110 : i32
      %scan3A_1112 = arith.constant 1 : i32
      scf.for %scan3A_1372 = %scan3A_1109 to %scan3A_1111 step %scan3A_1112  : i32 {
        %mul3A_1373 = arith.constant 16 : i32
        %mul3A_1374 = arith.muli %scan3A_1372, %mul3A_1373 : i32
        %get3A = arith.index_cast %mul3A_1374 : i32 to index
        %get3A_1375 = tpu.vector_load %arg5[%get3A] {strides = array<i32>} : memref<1504xi32, #tpu.memory_space<vmem>>, vector<16xi32>,
        %get3A_1376 = vector.shape_cast %get3A_1375 : vector<16xi32> to vector<16xi32>
        %ge3A_1377 = arith.constant 524288 : i32
        %ge3A_1378 = vector.broadcast %ge3A_1377 : i32 to vector<16xi32>
        %ge3A_1379 = arith.cmpi sge, %get3A_1376, %ge3A_1378 : vector<16xi32>
        %lt3A = arith.constant 1048576 : i32
        %lt3A_1380 = vector.broadcast %lt3A : i32 to vector<16xi32>
        %lt3A_1381 = arith.cmpi slt, %get3A_1376, %lt3A_1380 : vector<16xi32>
        %and3A = arith.andi %ge3A_1379, %lt3A_1381 : vector<16xi1>
        %sub3A_1382 = arith.constant 524288 : i32
        %sub3A_1383 = vector.broadcast %sub3A_1382 : i32 to vector<16xi32>
        %sub3A_1384 = arith.subi %get3A_1376, %sub3A_1383 : vector<16xi32>
        %select_n3A = arith.select %and3A, %sub3A_1384, %add3A : vector<16xi1>, vector<16xi32>
        %jit3A = arith.constant 8 : i32
        %div3A = arith.divsi %scan3A_1372, %jit3A : i32
        %sign3A = arith.constant 0 : i32
        %sign3A_1385 = arith.cmpi sgt, %scan3A_1372, %sign3A : i32
        %sign3A_1386 = arith.extui %sign3A_1385 : i1 to i32
        %sign3A_1387 = arith.constant 0 : i32
        %sign3A_1388 = arith.cmpi slt, %scan3A_1372, %sign3A_1387 : i32
        %sign3A_1389 = arith.extui %sign3A_1388 : i1 to i32
        %sign3A_1390 = arith.subi %sign3A_1386, %sign3A_1389 : i32
        %sign3A_1391 = arith.constant 0 : i32
        %sign3A_1392 = arith.cmpi sgt, %jit3A, %sign3A_1391 : i32
        %sign3A_1393 = arith.extui %sign3A_1392 : i1 to i32
        %sign3A_1394 = arith.constant 0 : i32
        %sign3A_1395 = arith.cmpi slt, %jit3A, %sign3A_1394 : i32
        %sign3A_1396 = arith.extui %sign3A_1395 : i1 to i32
        %sign3A_1397 = arith.subi %sign3A_1393, %sign3A_1396 : i32
        %ne3A = arith.cmpi ne, %sign3A_1390, %sign3A_1397 : i32
        %rem3A = arith.remsi %scan3A_1372, %jit3A : i32
        %ne3A_1398 = arith.constant 0 : i32
        %ne3A_1399 = arith.cmpi ne, %rem3A, %ne3A_1398 : i32
        %and3A_1400 = arith.andi %ne3A, %ne3A_1399 : i1
        %sub3A_1401 = arith.constant 1 : i32
        %sub3A_1402 = arith.subi %div3A, %sub3A_1401 : i32
        %select_n3A_1403 = arith.select %and3A_1400, %sub3A_1402, %div3A : i32
        %jit3A_1404 = arith.constant 8 : i32
        %eq3A = arith.constant 0 : i32
        %eq3A_1405 = arith.cmpi eq, %jit3A_1404, %eq3A : i32
        %jit3A_1406 = arith.constant 1 : i32
        %select_n3A_1407 = arith.select %eq3A_1405, %jit3A_1406, %jit3A_1404 : i32
        %rem3A_1408 = arith.remsi %scan3A_1372, %select_n3A_1407 : i32
        %ne3A_1409 = arith.constant 0 : i32
        %ne3A_1410 = arith.cmpi ne, %rem3A_1408, %ne3A_1409 : i32
        %lt3A_1411 = arith.constant 0 : i32
        %lt3A_1412 = arith.cmpi slt, %rem3A_1408, %lt3A_1411 : i32
        %lt3A_1413 = arith.constant 0 : i32
        %lt3A_1414 = arith.cmpi slt, %select_n3A_1407, %lt3A_1413 : i32
        %ne3A_1415 = arith.xori %lt3A_1412, %lt3A_1414 : i1
        %and3A_1416 = arith.andi %ne3A_1415, %ne3A_1410 : i1
        %add3A_1417 = arith.addi %rem3A_1408, %select_n3A_1407 : i32
        %select_n3A_1418 = arith.select %and3A_1416, %add3A_1417, %rem3A_1408 : i32
        %mul3A_1419 = arith.constant 16 : i32
        %mul3A_1420 = arith.muli %select_n3A_1418, %mul3A_1419 : i32
        %swap3A_1421 = arith.index_cast %select_n3A_1403 : i32 to index
        %swap3A_1422 = arith.index_cast %mul3A_1420 : i32 to index
        %swap3A_1423 = tpu.vector_load %arg6[%swap3A_1421, %swap3A_1422] {strides = array<i32>} : memref<12x128xi32, #tpu.memory_space<vmem>>, vector<1x16xi32>,
        %swap3A_1424 = vector.shape_cast %swap3A_1423 : vector<1x16xi32> to vector<16xi32>
        %swap3A_1425 = vector.shape_cast %select_n3A : vector<16xi32> to vector<1x16xi32>
        tpu.vector_store %arg6[%swap3A_1421, %swap3A_1422], %swap3A_1425 {strides = array<i32>} : memref<12x128xi32, #tpu.memory_space<vmem>>, vector<1x16xi32>,
      }
      %scan3A_1113 = arith.constant 94 : i32
      %ge3A_1114 = arith.constant 1 : i32
      %ge3A_1115 = arith.cmpi sge, %scan3A_832, %ge3A_1114 : i32
      %convert_element_type3A_1116 = arith.extui %ge3A_1115 : i1 to i32
      %cond3A_1117 = arith.constant 0 : i32
      %cond3A_1118 = arith.cmpi ne, %convert_element_type3A_1116, %cond3A_1117 : i32
      scf.if %cond3A_1118 {
        %mul3A_1372 = arith.constant 32768 : i32
        %mul3A_1373 = arith.muli %arg1, %mul3A_1372 : i32
        %mul3A_1374 = arith.constant 32768 : i32
        %mul3A_1375 = arith.muli %arg1, %mul3A_1374 : i32
        %dma_wait3A_1376 = tpu.memref_slice %arg9[%mul3A_1375] : memref<524304xf32, #tpu.memory_space<vmem_shared>> -> memref<32768xf32, #tpu.memory_space<vmem_shared>>
        %dma_wait3A_1377 = tpu.memref_slice %arg3[%mul3A_1373] : memref<524288xf32, #tpu.memory_space<hbm>> -> memref<32768xf32, #tpu.memory_space<hbm>>
        tpu.wait_dma2 semaphore(%arg12 : memref<!tpu.dma_semaphore, #tpu.memory_space<semaphore_mem>>) src(%dma_wait3A_1377 : memref<32768xf32, #tpu.memory_space<hbm>>) dst(%dma_wait3A_1376 : memref<32768xf32, #tpu.memory_space<vmem_shared>>)
      } else {
      }
      %barrier3A_1119 = arith.constant 0 : index
      tpu.barrier barrier_id(%barrier3A_1119)
      %dma_start3A_1120 = arith.constant 0 : i32
      %dma_start3A_1121 = arith.constant 0 : i32
      %dma_start3A_1122 = arith.constant 0 : i32
      %dma_start3A_1123 = tpu.memref_slice %arg7[%dma_start3A_1120, %dma_start3A_1122] : memref<12x128xf32, #tpu.memory_space<vmem>> -> memref<1x128xf32, #tpu.memory_space<vmem>>
      %dma_start3A_1124 = tpu.memref_squeeze %dma_start3A_1123 : memref<1x128xf32, #tpu.memory_space<vmem>> -> memref<128xf32, #tpu.memory_space<vmem>>
      %dma_start3A_1125 = arith.constant 0 : i32
      %dma_start3A_1126 = tpu.memref_slice %arg6[%dma_start3A_1121, %dma_start3A_1125] : memref<12x128xi32, #tpu.memory_space<vmem>> -> memref<1x128xi32, #tpu.memory_space<vmem>>
      %dma_start3A_1127 = tpu.memref_squeeze %dma_start3A_1126 : memref<1x128xi32, #tpu.memory_space<vmem>> -> memref<128xi32, #tpu.memory_space<vmem>>
      %dma_start3A_1128 = arith.constant 0 : i32
      %dma_start3A_1129 = tpu.memref_slice %arg9[%dma_start3A_1128] : memref<524304xf32, #tpu.memory_space<vmem_shared>> -> memref<524304xf32, #tpu.memory_space<vmem_shared>>
      tpu.enqueue_indirect_dma source(%dma_start3A_1124 : memref<128xf32, #tpu.memory_space<vmem>>) target(%dma_start3A_1129 : memref<524304xf32, #tpu.memory_space<vmem_shared>>) offsets(%dma_start3A_1127 : memref<128xi32, #tpu.memory_space<vmem>>) semaphore(%arg10 : memref<!tpu.dma_semaphore, #tpu.memory_space<semaphore_mem>>)
      %dma_start3A_1130 = arith.constant 1 : i32
      %dma_start3A_1131 = arith.constant 1 : i32
      %dma_start3A_1132 = arith.constant 0 : i32
      %dma_start3A_1133 = tpu.memref_slice %arg7[%dma_start3A_1130, %dma_start3A_1132] : memref<12x128xf32, #tpu.memory_space<vmem>> -> memref<1x128xf32, #tpu.memory_space<vmem>>
      %dma_start3A_1134 = tpu.memref_squeeze %dma_start3A_1133 : memref<1x128xf32, #tpu.memory_space<vmem>> -> memref<128xf32, #tpu.memory_space<vmem>>
      %dma_start3A_1135 = arith.constant 0 : i32
      %dma_start3A_1136 = tpu.memref_slice %arg6[%dma_start3A_1131, %dma_start3A_1135] : memref<12x128xi32, #tpu.memory_space<vmem>> -> memref<1x128xi32, #tpu.memory_space<vmem>>
      %dma_start3A_1137 = tpu.memref_squeeze %dma_start3A_1136 : memref<1x128xi32, #tpu.memory_space<vmem>> -> memref<128xi32, #tpu.memory_space<vmem>>
      %dma_start3A_1138 = arith.constant 0 : i32
      %dma_start3A_1139 = tpu.memref_slice %arg9[%dma_start3A_1138] : memref<524304xf32, #tpu.memory_space<vmem_shared>> -> memref<524304xf32, #tpu.memory_space<vmem_shared>>
      tpu.enqueue_indirect_dma source(%dma_start3A_1134 : memref<128xf32, #tpu.memory_space<vmem>>) target(%dma_start3A_1139 : memref<524304xf32, #tpu.memory_space<vmem_shared>>) offsets(%dma_start3A_1137 : memref<128xi32, #tpu.memory_space<vmem>>) semaphore(%arg10 : memref<!tpu.dma_semaphore, #tpu.memory_space<semaphore_mem>>)
      %dma_start3A_1140 = arith.constant 2 : i32
      %dma_start3A_1141 = arith.constant 2 : i32
      %dma_start3A_1142 = arith.constant 0 : i32
      %dma_start3A_1143 = tpu.memref_slice %arg7[%dma_start3A_1140, %dma_start3A_1142] : memref<12x128xf32, #tpu.memory_space<vmem>> -> memref<1x128xf32, #tpu.memory_space<vmem>>
      %dma_start3A_1144 = tpu.memref_squeeze %dma_start3A_1143 : memref<1x128xf32, #tpu.memory_space<vmem>> -> memref<128xf32, #tpu.memory_space<vmem>>
      %dma_start3A_1145 = arith.constant 0 : i32
      %dma_start3A_1146 = tpu.memref_slice %arg6[%dma_start3A_1141, %dma_start3A_1145] : memref<12x128xi32, #tpu.memory_space<vmem>> -> memref<1x128xi32, #tpu.memory_space<vmem>>
      %dma_start3A_1147 = tpu.memref_squeeze %dma_start3A_1146 : memref<1x128xi32, #tpu.memory_space<vmem>> -> memref<128xi32, #tpu.memory_space<vmem>>
      %dma_start3A_1148 = arith.constant 0 : i32
      %dma_start3A_1149 = tpu.memref_slice %arg9[%dma_start3A_1148] : memref<524304xf32, #tpu.memory_space<vmem_shared>> -> memref<524304xf32, #tpu.memory_space<vmem_shared>>
      tpu.enqueue_indirect_dma source(%dma_start3A_1144 : memref<128xf32, #tpu.memory_space<vmem>>) target(%dma_start3A_1149 : memref<524304xf32, #tpu.memory_space<vmem_shared>>) offsets(%dma_start3A_1147 : memref<128xi32, #tpu.memory_space<vmem>>) semaphore(%arg10 : memref<!tpu.dma_semaphore, #tpu.memory_space<semaphore_mem>>)
      %dma_start3A_1150 = arith.constant 3 : i32
      %dma_start3A_1151 = arith.constant 3 : i32
      %dma_start3A_1152 = arith.constant 0 : i32
      %dma_start3A_1153 = tpu.memref_slice %arg7[%dma_start3A_1150, %dma_start3A_1152] : memref<12x128xf32, #tpu.memory_space<vmem>> -> memref<1x128xf32, #tpu.memory_space<vmem>>
      %dma_start3A_1154 = tpu.memref_squeeze %dma_start3A_1153 : memref<1x128xf32, #tpu.memory_space<vmem>> -> memref<128xf32, #tpu.memory_space<vmem>>
      %dma_start3A_1155 = arith.constant 0 : i32
      %dma_start3A_1156 = tpu.memref_slice %arg6[%dma_start3A_1151, %dma_start3A_1155] : memref<12x128xi32, #tpu.memory_space<vmem>> -> memref<1x128xi32, #tpu.memory_space<vmem>>
      %dma_start3A_1157 = tpu.memref_squeeze %dma_start3A_1156 : memref<1x128xi32, #tpu.memory_space<vmem>> -> memref<128xi32, #tpu.memory_space<vmem>>
      %dma_start3A_1158 = arith.constant 0 : i32
      %dma_start3A_1159 = tpu.memref_slice %arg9[%dma_start3A_1158] : memref<524304xf32, #tpu.memory_space<vmem_shared>> -> memref<524304xf32, #tpu.memory_space<vmem_shared>>
      tpu.enqueue_indirect_dma source(%dma_start3A_1154 : memref<128xf32, #tpu.memory_space<vmem>>) target(%dma_start3A_1159 : memref<524304xf32, #tpu.memory_space<vmem_shared>>) offsets(%dma_start3A_1157 : memref<128xi32, #tpu.memory_space<vmem>>) semaphore(%arg10 : memref<!tpu.dma_semaphore, #tpu.memory_space<semaphore_mem>>)
      %dma_start3A_1160 = arith.constant 4 : i32
      %dma_start3A_1161 = arith.constant 4 : i32
      %dma_start3A_1162 = arith.constant 0 : i32
      %dma_start3A_1163 = tpu.memref_slice %arg7[%dma_start3A_1160, %dma_start3A_1162] : memref<12x128xf32, #tpu.memory_space<vmem>> -> memref<1x128xf32, #tpu.memory_space<vmem>>
      %dma_start3A_1164 = tpu.memref_squeeze %dma_start3A_1163 : memref<1x128xf32, #tpu.memory_space<vmem>> -> memref<128xf32, #tpu.memory_space<vmem>>
      %dma_start3A_1165 = arith.constant 0 : i32
      %dma_start3A_1166 = tpu.memref_slice %arg6[%dma_start3A_1161, %dma_start3A_1165] : memref<12x128xi32, #tpu.memory_space<vmem>> -> memref<1x128xi32, #tpu.memory_space<vmem>>
      %dma_start3A_1167 = tpu.memref_squeeze %dma_start3A_1166 : memref<1x128xi32, #tpu.memory_space<vmem>> -> memref<128xi32, #tpu.memory_space<vmem>>
      %dma_start3A_1168 = arith.constant 0 : i32
      %dma_start3A_1169 = tpu.memref_slice %arg9[%dma_start3A_1168] : memref<524304xf32, #tpu.memory_space<vmem_shared>> -> memref<524304xf32, #tpu.memory_space<vmem_shared>>
      tpu.enqueue_indirect_dma source(%dma_start3A_1164 : memref<128xf32, #tpu.memory_space<vmem>>) target(%dma_start3A_1169 : memref<524304xf32, #tpu.memory_space<vmem_shared>>) offsets(%dma_start3A_1167 : memref<128xi32, #tpu.memory_space<vmem>>) semaphore(%arg10 : memref<!tpu.dma_semaphore, #tpu.memory_space<semaphore_mem>>)
      %dma_start3A_1170 = arith.constant 5 : i32
      %dma_start3A_1171 = arith.constant 5 : i32
      %dma_start3A_1172 = arith.constant 0 : i32
      %dma_start3A_1173 = tpu.memref_slice %arg7[%dma_start3A_1170, %dma_start3A_1172] : memref<12x128xf32, #tpu.memory_space<vmem>> -> memref<1x128xf32, #tpu.memory_space<vmem>>
      %dma_start3A_1174 = tpu.memref_squeeze %dma_start3A_1173 : memref<1x128xf32, #tpu.memory_space<vmem>> -> memref<128xf32, #tpu.memory_space<vmem>>
      %dma_start3A_1175 = arith.constant 0 : i32
      %dma_start3A_1176 = tpu.memref_slice %arg6[%dma_start3A_1171, %dma_start3A_1175] : memref<12x128xi32, #tpu.memory_space<vmem>> -> memref<1x128xi32, #tpu.memory_space<vmem>>
      %dma_start3A_1177 = tpu.memref_squeeze %dma_start3A_1176 : memref<1x128xi32, #tpu.memory_space<vmem>> -> memref<128xi32, #tpu.memory_space<vmem>>
      %dma_start3A_1178 = arith.constant 0 : i32
      %dma_start3A_1179 = tpu.memref_slice %arg9[%dma_start3A_1178] : memref<524304xf32, #tpu.memory_space<vmem_shared>> -> memref<524304xf32, #tpu.memory_space<vmem_shared>>
      tpu.enqueue_indirect_dma source(%dma_start3A_1174 : memref<128xf32, #tpu.memory_space<vmem>>) target(%dma_start3A_1179 : memref<524304xf32, #tpu.memory_space<vmem_shared>>) offsets(%dma_start3A_1177 : memref<128xi32, #tpu.memory_space<vmem>>) semaphore(%arg10 : memref<!tpu.dma_semaphore, #tpu.memory_space<semaphore_mem>>)
      %dma_start3A_1180 = arith.constant 6 : i32
      %dma_start3A_1181 = arith.constant 6 : i32
      %dma_start3A_1182 = arith.constant 0 : i32
      %dma_start3A_1183 = tpu.memref_slice %arg7[%dma_start3A_1180, %dma_start3A_1182] : memref<12x128xf32, #tpu.memory_space<vmem>> -> memref<1x128xf32, #tpu.memory_space<vmem>>
      %dma_start3A_1184 = tpu.memref_squeeze %dma_start3A_1183 : memref<1x128xf32, #tpu.memory_space<vmem>> -> memref<128xf32, #tpu.memory_space<vmem>>
      %dma_start3A_1185 = arith.constant 0 : i32
      %dma_start3A_1186 = tpu.memref_slice %arg6[%dma_start3A_1181, %dma_start3A_1185] : memref<12x128xi32, #tpu.memory_space<vmem>> -> memref<1x128xi32, #tpu.memory_space<vmem>>
      %dma_start3A_1187 = tpu.memref_squeeze %dma_start3A_1186 : memref<1x128xi32, #tpu.memory_space<vmem>> -> memref<128xi32, #tpu.memory_space<vmem>>
      %dma_start3A_1188 = arith.constant 0 : i32
      %dma_start3A_1189 = tpu.memref_slice %arg9[%dma_start3A_1188] : memref<524304xf32, #tpu.memory_space<vmem_shared>> -> memref<524304xf32, #tpu.memory_space<vmem_shared>>
      tpu.enqueue_indirect_dma source(%dma_start3A_1184 : memref<128xf32, #tpu.memory_space<vmem>>) target(%dma_start3A_1189 : memref<524304xf32, #tpu.memory_space<vmem_shared>>) offsets(%dma_start3A_1187 : memref<128xi32, #tpu.memory_space<vmem>>) semaphore(%arg10 : memref<!tpu.dma_semaphore, #tpu.memory_space<semaphore_mem>>)
      %dma_start3A_1190 = arith.constant 7 : i32
      %dma_start3A_1191 = arith.constant 7 : i32
      %dma_start3A_1192 = arith.constant 0 : i32
      %dma_start3A_1193 = tpu.memref_slice %arg7[%dma_start3A_1190, %dma_start3A_1192] : memref<12x128xf32, #tpu.memory_space<vmem>> -> memref<1x128xf32, #tpu.memory_space<vmem>>
      %dma_start3A_1194 = tpu.memref_squeeze %dma_start3A_1193 : memref<1x128xf32, #tpu.memory_space<vmem>> -> memref<128xf32, #tpu.memory_space<vmem>>
      %dma_start3A_1195 = arith.constant 0 : i32
      %dma_start3A_1196 = tpu.memref_slice %arg6[%dma_start3A_1191, %dma_start3A_1195] : memref<12x128xi32, #tpu.memory_space<vmem>> -> memref<1x128xi32, #tpu.memory_space<vmem>>
      %dma_start3A_1197 = tpu.memref_squeeze %dma_start3A_1196 : memref<1x128xi32, #tpu.memory_space<vmem>> -> memref<128xi32, #tpu.memory_space<vmem>>
      %dma_start3A_1198 = arith.constant 0 : i32
      %dma_start3A_1199 = tpu.memref_slice %arg9[%dma_start3A_1198] : memref<524304xf32, #tpu.memory_space<vmem_shared>> -> memref<524304xf32, #tpu.memory_space<vmem_shared>>
      tpu.enqueue_indirect_dma source(%dma_start3A_1194 : memref<128xf32, #tpu.memory_space<vmem>>) target(%dma_start3A_1199 : memref<524304xf32, #tpu.memory_space<vmem_shared>>) offsets(%dma_start3A_1197 : memref<128xi32, #tpu.memory_space<vmem>>) semaphore(%arg10 : memref<!tpu.dma_semaphore, #tpu.memory_space<semaphore_mem>>)
      %dma_start3A_1200 = arith.constant 8 : i32
      %dma_start3A_1201 = arith.constant 8 : i32
      %dma_start3A_1202 = arith.constant 0 : i32
      %dma_start3A_1203 = tpu.memref_slice %arg7[%dma_start3A_1200, %dma_start3A_1202] : memref<12x128xf32, #tpu.memory_space<vmem>> -> memref<1x128xf32, #tpu.memory_space<vmem>>
      %dma_start3A_1204 = tpu.memref_squeeze %dma_start3A_1203 : memref<1x128xf32, #tpu.memory_space<vmem>> -> memref<128xf32, #tpu.memory_space<vmem>>
      %dma_start3A_1205 = arith.constant 0 : i32
      %dma_start3A_1206 = tpu.memref_slice %arg6[%dma_start3A_1201, %dma_start3A_1205] : memref<12x128xi32, #tpu.memory_space<vmem>> -> memref<1x128xi32, #tpu.memory_space<vmem>>
      %dma_start3A_1207 = tpu.memref_squeeze %dma_start3A_1206 : memref<1x128xi32, #tpu.memory_space<vmem>> -> memref<128xi32, #tpu.memory_space<vmem>>
      %dma_start3A_1208 = arith.constant 0 : i32
      %dma_start3A_1209 = tpu.memref_slice %arg9[%dma_start3A_1208] : memref<524304xf32, #tpu.memory_space<vmem_shared>> -> memref<524304xf32, #tpu.memory_space<vmem_shared>>
      tpu.enqueue_indirect_dma source(%dma_start3A_1204 : memref<128xf32, #tpu.memory_space<vmem>>) target(%dma_start3A_1209 : memref<524304xf32, #tpu.memory_space<vmem_shared>>) offsets(%dma_start3A_1207 : memref<128xi32, #tpu.memory_space<vmem>>) semaphore(%arg10 : memref<!tpu.dma_semaphore, #tpu.memory_space<semaphore_mem>>)
      %dma_start3A_1210 = arith.constant 9 : i32
      %dma_start3A_1211 = arith.constant 9 : i32
      %dma_start3A_1212 = arith.constant 0 : i32
      %dma_start3A_1213 = tpu.memref_slice %arg7[%dma_start3A_1210, %dma_start3A_1212] : memref<12x128xf32, #tpu.memory_space<vmem>> -> memref<1x128xf32, #tpu.memory_space<vmem>>
      %dma_start3A_1214 = tpu.memref_squeeze %dma_start3A_1213 : memref<1x128xf32, #tpu.memory_space<vmem>> -> memref<128xf32, #tpu.memory_space<vmem>>
      %dma_start3A_1215 = arith.constant 0 : i32
      %dma_start3A_1216 = tpu.memref_slice %arg6[%dma_start3A_1211, %dma_start3A_1215] : memref<12x128xi32, #tpu.memory_space<vmem>> -> memref<1x128xi32, #tpu.memory_space<vmem>>
      %dma_start3A_1217 = tpu.memref_squeeze %dma_start3A_1216 : memref<1x128xi32, #tpu.memory_space<vmem>> -> memref<128xi32, #tpu.memory_space<vmem>>
      %dma_start3A_1218 = arith.constant 0 : i32
      %dma_start3A_1219 = tpu.memref_slice %arg9[%dma_start3A_1218] : memref<524304xf32, #tpu.memory_space<vmem_shared>> -> memref<524304xf32, #tpu.memory_space<vmem_shared>>
      tpu.enqueue_indirect_dma source(%dma_start3A_1214 : memref<128xf32, #tpu.memory_space<vmem>>) target(%dma_start3A_1219 : memref<524304xf32, #tpu.memory_space<vmem_shared>>) offsets(%dma_start3A_1217 : memref<128xi32, #tpu.memory_space<vmem>>) semaphore(%arg10 : memref<!tpu.dma_semaphore, #tpu.memory_space<semaphore_mem>>)
      %dma_start3A_1220 = arith.constant 10 : i32
      %dma_start3A_1221 = arith.constant 10 : i32
      %dma_start3A_1222 = arith.constant 0 : i32
      %dma_start3A_1223 = tpu.memref_slice %arg7[%dma_start3A_1220, %dma_start3A_1222] : memref<12x128xf32, #tpu.memory_space<vmem>> -> memref<1x128xf32, #tpu.memory_space<vmem>>
      %dma_start3A_1224 = tpu.memref_squeeze %dma_start3A_1223 : memref<1x128xf32, #tpu.memory_space<vmem>> -> memref<128xf32, #tpu.memory_space<vmem>>
      %dma_start3A_1225 = arith.constant 0 : i32
      %dma_start3A_1226 = tpu.memref_slice %arg6[%dma_start3A_1221, %dma_start3A_1225] : memref<12x128xi32, #tpu.memory_space<vmem>> -> memref<1x128xi32, #tpu.memory_space<vmem>>
      %dma_start3A_1227 = tpu.memref_squeeze %dma_start3A_1226 : memref<1x128xi32, #tpu.memory_space<vmem>> -> memref<128xi32, #tpu.memory_space<vmem>>
      %dma_start3A_1228 = arith.constant 0 : i32
      %dma_start3A_1229 = tpu.memref_slice %arg9[%dma_start3A_1228] : memref<524304xf32, #tpu.memory_space<vmem_shared>> -> memref<524304xf32, #tpu.memory_space<vmem_shared>>
      tpu.enqueue_indirect_dma source(%dma_start3A_1224 : memref<128xf32, #tpu.memory_space<vmem>>) target(%dma_start3A_1229 : memref<524304xf32, #tpu.memory_space<vmem_shared>>) offsets(%dma_start3A_1227 : memref<128xi32, #tpu.memory_space<vmem>>) semaphore(%arg10 : memref<!tpu.dma_semaphore, #tpu.memory_space<semaphore_mem>>)
      %dma_start3A_1230 = arith.constant 11 : i32
      %dma_start3A_1231 = arith.constant 11 : i32
      %dma_start3A_1232 = arith.constant 0 : i32
      %dma_start3A_1233 = tpu.memref_slice %arg7[%dma_start3A_1230, %dma_start3A_1232] : memref<12x128xf32, #tpu.memory_space<vmem>> -> memref<1x128xf32, #tpu.memory_space<vmem>>
      %dma_start3A_1234 = tpu.memref_squeeze %dma_start3A_1233 : memref<1x128xf32, #tpu.memory_space<vmem>> -> memref<128xf32, #tpu.memory_space<vmem>>
      %dma_start3A_1235 = arith.constant 0 : i32
      %dma_start3A_1236 = tpu.memref_slice %arg6[%dma_start3A_1231, %dma_start3A_1235] : memref<12x128xi32, #tpu.memory_space<vmem>> -> memref<1x128xi32, #tpu.memory_space<vmem>>
      %dma_start3A_1237 = tpu.memref_squeeze %dma_start3A_1236 : memref<1x128xi32, #tpu.memory_space<vmem>> -> memref<128xi32, #tpu.memory_space<vmem>>
      %dma_start3A_1238 = arith.constant 0 : i32
      %dma_start3A_1239 = tpu.memref_slice %arg9[%dma_start3A_1238] : memref<524304xf32, #tpu.memory_space<vmem_shared>> -> memref<524304xf32, #tpu.memory_space<vmem_shared>>
      tpu.enqueue_indirect_dma source(%dma_start3A_1234 : memref<128xf32, #tpu.memory_space<vmem>>) target(%dma_start3A_1239 : memref<524304xf32, #tpu.memory_space<vmem_shared>>) offsets(%dma_start3A_1237 : memref<128xi32, #tpu.memory_space<vmem>>) semaphore(%arg10 : memref<!tpu.dma_semaphore, #tpu.memory_space<semaphore_mem>>)
      %dma_wait3A_1240 = arith.constant 0 : i32
      %dma_wait3A_1241 = arith.constant 0 : i32
      %dma_wait3A_1242 = arith.constant 0 : i32
      %dma_wait3A_1243 = tpu.memref_slice %arg7[%dma_wait3A_1240, %dma_wait3A_1242] : memref<12x128xf32, #tpu.memory_space<vmem>> -> memref<1x128xf32, #tpu.memory_space<vmem>>
      %dma_wait3A_1244 = tpu.memref_squeeze %dma_wait3A_1243 : memref<1x128xf32, #tpu.memory_space<vmem>> -> memref<128xf32, #tpu.memory_space<vmem>>
      %dma_wait3A_1245 = arith.constant 0 : i32
      %dma_wait3A_1246 = tpu.memref_slice %arg6[%dma_wait3A_1241, %dma_wait3A_1245] : memref<12x128xi32, #tpu.memory_space<vmem>> -> memref<1x128xi32, #tpu.memory_space<vmem>>
      %dma_wait3A_1247 = tpu.memref_squeeze %dma_wait3A_1246 : memref<1x128xi32, #tpu.memory_space<vmem>> -> memref<128xi32, #tpu.memory_space<vmem>>
      %dma_wait3A_1248 = arith.constant 0 : i32
      %dma_wait3A_1249 = tpu.memref_slice %arg9[%dma_wait3A_1248] : memref<524304xf32, #tpu.memory_space<vmem_shared>> -> memref<524304xf32, #tpu.memory_space<vmem_shared>>
      tpu.wait_indirect_dma semaphore(%arg10 : memref<!tpu.dma_semaphore, #tpu.memory_space<semaphore_mem>>) src(%dma_wait3A_1244 : memref<128xf32, #tpu.memory_space<vmem>>) dst(%dma_wait3A_1249 : memref<524304xf32, #tpu.memory_space<vmem_shared>>)
      %dma_wait3A_1250 = arith.constant 1 : i32
      %dma_wait3A_1251 = arith.constant 1 : i32
      %dma_wait3A_1252 = arith.constant 0 : i32
      %dma_wait3A_1253 = tpu.memref_slice %arg7[%dma_wait3A_1250, %dma_wait3A_1252] : memref<12x128xf32, #tpu.memory_space<vmem>> -> memref<1x128xf32, #tpu.memory_space<vmem>>
      %dma_wait3A_1254 = tpu.memref_squeeze %dma_wait3A_1253 : memref<1x128xf32, #tpu.memory_space<vmem>> -> memref<128xf32, #tpu.memory_space<vmem>>
      %dma_wait3A_1255 = arith.constant 0 : i32
      %dma_wait3A_1256 = tpu.memref_slice %arg6[%dma_wait3A_1251, %dma_wait3A_1255] : memref<12x128xi32, #tpu.memory_space<vmem>> -> memref<1x128xi32, #tpu.memory_space<vmem>>
      %dma_wait3A_1257 = tpu.memref_squeeze %dma_wait3A_1256 : memref<1x128xi32, #tpu.memory_space<vmem>> -> memref<128xi32, #tpu.memory_space<vmem>>
      %dma_wait3A_1258 = arith.constant 0 : i32
      %dma_wait3A_1259 = tpu.memref_slice %arg9[%dma_wait3A_1258] : memref<524304xf32, #tpu.memory_space<vmem_shared>> -> memref<524304xf32, #tpu.memory_space<vmem_shared>>
      tpu.wait_indirect_dma semaphore(%arg10 : memref<!tpu.dma_semaphore, #tpu.memory_space<semaphore_mem>>) src(%dma_wait3A_1254 : memref<128xf32, #tpu.memory_space<vmem>>) dst(%dma_wait3A_1259 : memref<524304xf32, #tpu.memory_space<vmem_shared>>)
      %dma_wait3A_1260 = arith.constant 2 : i32
      %dma_wait3A_1261 = arith.constant 2 : i32
      %dma_wait3A_1262 = arith.constant 0 : i32
      %dma_wait3A_1263 = tpu.memref_slice %arg7[%dma_wait3A_1260, %dma_wait3A_1262] : memref<12x128xf32, #tpu.memory_space<vmem>> -> memref<1x128xf32, #tpu.memory_space<vmem>>
      %dma_wait3A_1264 = tpu.memref_squeeze %dma_wait3A_1263 : memref<1x128xf32, #tpu.memory_space<vmem>> -> memref<128xf32, #tpu.memory_space<vmem>>
      %dma_wait3A_1265 = arith.constant 0 : i32
      %dma_wait3A_1266 = tpu.memref_slice %arg6[%dma_wait3A_1261, %dma_wait3A_1265] : memref<12x128xi32, #tpu.memory_space<vmem>> -> memref<1x128xi32, #tpu.memory_space<vmem>>
      %dma_wait3A_1267 = tpu.memref_squeeze %dma_wait3A_1266 : memref<1x128xi32, #tpu.memory_space<vmem>> -> memref<128xi32, #tpu.memory_space<vmem>>
      %dma_wait3A_1268 = arith.constant 0 : i32
      %dma_wait3A_1269 = tpu.memref_slice %arg9[%dma_wait3A_1268] : memref<524304xf32, #tpu.memory_space<vmem_shared>> -> memref<524304xf32, #tpu.memory_space<vmem_shared>>
      tpu.wait_indirect_dma semaphore(%arg10 : memref<!tpu.dma_semaphore, #tpu.memory_space<semaphore_mem>>) src(%dma_wait3A_1264 : memref<128xf32, #tpu.memory_space<vmem>>) dst(%dma_wait3A_1269 : memref<524304xf32, #tpu.memory_space<vmem_shared>>)
      %dma_wait3A_1270 = arith.constant 3 : i32
      %dma_wait3A_1271 = arith.constant 3 : i32
      %dma_wait3A_1272 = arith.constant 0 : i32
      %dma_wait3A_1273 = tpu.memref_slice %arg7[%dma_wait3A_1270, %dma_wait3A_1272] : memref<12x128xf32, #tpu.memory_space<vmem>> -> memref<1x128xf32, #tpu.memory_space<vmem>>
      %dma_wait3A_1274 = tpu.memref_squeeze %dma_wait3A_1273 : memref<1x128xf32, #tpu.memory_space<vmem>> -> memref<128xf32, #tpu.memory_space<vmem>>
      %dma_wait3A_1275 = arith.constant 0 : i32
      %dma_wait3A_1276 = tpu.memref_slice %arg6[%dma_wait3A_1271, %dma_wait3A_1275] : memref<12x128xi32, #tpu.memory_space<vmem>> -> memref<1x128xi32, #tpu.memory_space<vmem>>
      %dma_wait3A_1277 = tpu.memref_squeeze %dma_wait3A_1276 : memref<1x128xi32, #tpu.memory_space<vmem>> -> memref<128xi32, #tpu.memory_space<vmem>>
      %dma_wait3A_1278 = arith.constant 0 : i32
      %dma_wait3A_1279 = tpu.memref_slice %arg9[%dma_wait3A_1278] : memref<524304xf32, #tpu.memory_space<vmem_shared>> -> memref<524304xf32, #tpu.memory_space<vmem_shared>>
      tpu.wait_indirect_dma semaphore(%arg10 : memref<!tpu.dma_semaphore, #tpu.memory_space<semaphore_mem>>) src(%dma_wait3A_1274 : memref<128xf32, #tpu.memory_space<vmem>>) dst(%dma_wait3A_1279 : memref<524304xf32, #tpu.memory_space<vmem_shared>>)
      %dma_wait3A_1280 = arith.constant 4 : i32
      %dma_wait3A_1281 = arith.constant 4 : i32
      %dma_wait3A_1282 = arith.constant 0 : i32
      %dma_wait3A_1283 = tpu.memref_slice %arg7[%dma_wait3A_1280, %dma_wait3A_1282] : memref<12x128xf32, #tpu.memory_space<vmem>> -> memref<1x128xf32, #tpu.memory_space<vmem>>
      %dma_wait3A_1284 = tpu.memref_squeeze %dma_wait3A_1283 : memref<1x128xf32, #tpu.memory_space<vmem>> -> memref<128xf32, #tpu.memory_space<vmem>>
      %dma_wait3A_1285 = arith.constant 0 : i32
      %dma_wait3A_1286 = tpu.memref_slice %arg6[%dma_wait3A_1281, %dma_wait3A_1285] : memref<12x128xi32, #tpu.memory_space<vmem>> -> memref<1x128xi32, #tpu.memory_space<vmem>>
      %dma_wait3A_1287 = tpu.memref_squeeze %dma_wait3A_1286 : memref<1x128xi32, #tpu.memory_space<vmem>> -> memref<128xi32, #tpu.memory_space<vmem>>
      %dma_wait3A_1288 = arith.constant 0 : i32
      %dma_wait3A_1289 = tpu.memref_slice %arg9[%dma_wait3A_1288] : memref<524304xf32, #tpu.memory_space<vmem_shared>> -> memref<524304xf32, #tpu.memory_space<vmem_shared>>
      tpu.wait_indirect_dma semaphore(%arg10 : memref<!tpu.dma_semaphore, #tpu.memory_space<semaphore_mem>>) src(%dma_wait3A_1284 : memref<128xf32, #tpu.memory_space<vmem>>) dst(%dma_wait3A_1289 : memref<524304xf32, #tpu.memory_space<vmem_shared>>)
      %dma_wait3A_1290 = arith.constant 5 : i32
      %dma_wait3A_1291 = arith.constant 5 : i32
      %dma_wait3A_1292 = arith.constant 0 : i32
      %dma_wait3A_1293 = tpu.memref_slice %arg7[%dma_wait3A_1290, %dma_wait3A_1292] : memref<12x128xf32, #tpu.memory_space<vmem>> -> memref<1x128xf32, #tpu.memory_space<vmem>>
      %dma_wait3A_1294 = tpu.memref_squeeze %dma_wait3A_1293 : memref<1x128xf32, #tpu.memory_space<vmem>> -> memref<128xf32, #tpu.memory_space<vmem>>
      %dma_wait3A_1295 = arith.constant 0 : i32
      %dma_wait3A_1296 = tpu.memref_slice %arg6[%dma_wait3A_1291, %dma_wait3A_1295] : memref<12x128xi32, #tpu.memory_space<vmem>> -> memref<1x128xi32, #tpu.memory_space<vmem>>
      %dma_wait3A_1297 = tpu.memref_squeeze %dma_wait3A_1296 : memref<1x128xi32, #tpu.memory_space<vmem>> -> memref<128xi32, #tpu.memory_space<vmem>>
      %dma_wait3A_1298 = arith.constant 0 : i32
      %dma_wait3A_1299 = tpu.memref_slice %arg9[%dma_wait3A_1298] : memref<524304xf32, #tpu.memory_space<vmem_shared>> -> memref<524304xf32, #tpu.memory_space<vmem_shared>>
      tpu.wait_indirect_dma semaphore(%arg10 : memref<!tpu.dma_semaphore, #tpu.memory_space<semaphore_mem>>) src(%dma_wait3A_1294 : memref<128xf32, #tpu.memory_space<vmem>>) dst(%dma_wait3A_1299 : memref<524304xf32, #tpu.memory_space<vmem_shared>>)
      %dma_wait3A_1300 = arith.constant 6 : i32
      %dma_wait3A_1301 = arith.constant 6 : i32
      %dma_wait3A_1302 = arith.constant 0 : i32
      %dma_wait3A_1303 = tpu.memref_slice %arg7[%dma_wait3A_1300, %dma_wait3A_1302] : memref<12x128xf32, #tpu.memory_space<vmem>> -> memref<1x128xf32, #tpu.memory_space<vmem>>
      %dma_wait3A_1304 = tpu.memref_squeeze %dma_wait3A_1303 : memref<1x128xf32, #tpu.memory_space<vmem>> -> memref<128xf32, #tpu.memory_space<vmem>>
      %dma_wait3A_1305 = arith.constant 0 : i32
      %dma_wait3A_1306 = tpu.memref_slice %arg6[%dma_wait3A_1301, %dma_wait3A_1305] : memref<12x128xi32, #tpu.memory_space<vmem>> -> memref<1x128xi32, #tpu.memory_space<vmem>>
      %dma_wait3A_1307 = tpu.memref_squeeze %dma_wait3A_1306 : memref<1x128xi32, #tpu.memory_space<vmem>> -> memref<128xi32, #tpu.memory_space<vmem>>
      %dma_wait3A_1308 = arith.constant 0 : i32
      %dma_wait3A_1309 = tpu.memref_slice %arg9[%dma_wait3A_1308] : memref<524304xf32, #tpu.memory_space<vmem_shared>> -> memref<524304xf32, #tpu.memory_space<vmem_shared>>
      tpu.wait_indirect_dma semaphore(%arg10 : memref<!tpu.dma_semaphore, #tpu.memory_space<semaphore_mem>>) src(%dma_wait3A_1304 : memref<128xf32, #tpu.memory_space<vmem>>) dst(%dma_wait3A_1309 : memref<524304xf32, #tpu.memory_space<vmem_shared>>)
      %dma_wait3A_1310 = arith.constant 7 : i32
      %dma_wait3A_1311 = arith.constant 7 : i32
      %dma_wait3A_1312 = arith.constant 0 : i32
      %dma_wait3A_1313 = tpu.memref_slice %arg7[%dma_wait3A_1310, %dma_wait3A_1312] : memref<12x128xf32, #tpu.memory_space<vmem>> -> memref<1x128xf32, #tpu.memory_space<vmem>>
      %dma_wait3A_1314 = tpu.memref_squeeze %dma_wait3A_1313 : memref<1x128xf32, #tpu.memory_space<vmem>> -> memref<128xf32, #tpu.memory_space<vmem>>
      %dma_wait3A_1315 = arith.constant 0 : i32
      %dma_wait3A_1316 = tpu.memref_slice %arg6[%dma_wait3A_1311, %dma_wait3A_1315] : memref<12x128xi32, #tpu.memory_space<vmem>> -> memref<1x128xi32, #tpu.memory_space<vmem>>
      %dma_wait3A_1317 = tpu.memref_squeeze %dma_wait3A_1316 : memref<1x128xi32, #tpu.memory_space<vmem>> -> memref<128xi32, #tpu.memory_space<vmem>>
      %dma_wait3A_1318 = arith.constant 0 : i32
      %dma_wait3A_1319 = tpu.memref_slice %arg9[%dma_wait3A_1318] : memref<524304xf32, #tpu.memory_space<vmem_shared>> -> memref<524304xf32, #tpu.memory_space<vmem_shared>>
      tpu.wait_indirect_dma semaphore(%arg10 : memref<!tpu.dma_semaphore, #tpu.memory_space<semaphore_mem>>) src(%dma_wait3A_1314 : memref<128xf32, #tpu.memory_space<vmem>>) dst(%dma_wait3A_1319 : memref<524304xf32, #tpu.memory_space<vmem_shared>>)
      %dma_wait3A_1320 = arith.constant 8 : i32
      %dma_wait3A_1321 = arith.constant 8 : i32
      %dma_wait3A_1322 = arith.constant 0 : i32
      %dma_wait3A_1323 = tpu.memref_slice %arg7[%dma_wait3A_1320, %dma_wait3A_1322] : memref<12x128xf32, #tpu.memory_space<vmem>> -> memref<1x128xf32, #tpu.memory_space<vmem>>
      %dma_wait3A_1324 = tpu.memref_squeeze %dma_wait3A_1323 : memref<1x128xf32, #tpu.memory_space<vmem>> -> memref<128xf32, #tpu.memory_space<vmem>>
      %dma_wait3A_1325 = arith.constant 0 : i32
      %dma_wait3A_1326 = tpu.memref_slice %arg6[%dma_wait3A_1321, %dma_wait3A_1325] : memref<12x128xi32, #tpu.memory_space<vmem>> -> memref<1x128xi32, #tpu.memory_space<vmem>>
      %dma_wait3A_1327 = tpu.memref_squeeze %dma_wait3A_1326 : memref<1x128xi32, #tpu.memory_space<vmem>> -> memref<128xi32, #tpu.memory_space<vmem>>
      %dma_wait3A_1328 = arith.constant 0 : i32
      %dma_wait3A_1329 = tpu.memref_slice %arg9[%dma_wait3A_1328] : memref<524304xf32, #tpu.memory_space<vmem_shared>> -> memref<524304xf32, #tpu.memory_space<vmem_shared>>
      tpu.wait_indirect_dma semaphore(%arg10 : memref<!tpu.dma_semaphore, #tpu.memory_space<semaphore_mem>>) src(%dma_wait3A_1324 : memref<128xf32, #tpu.memory_space<vmem>>) dst(%dma_wait3A_1329 : memref<524304xf32, #tpu.memory_space<vmem_shared>>)
      %dma_wait3A_1330 = arith.constant 9 : i32
      %dma_wait3A_1331 = arith.constant 9 : i32
      %dma_wait3A_1332 = arith.constant 0 : i32
      %dma_wait3A_1333 = tpu.memref_slice %arg7[%dma_wait3A_1330, %dma_wait3A_1332] : memref<12x128xf32, #tpu.memory_space<vmem>> -> memref<1x128xf32, #tpu.memory_space<vmem>>
      %dma_wait3A_1334 = tpu.memref_squeeze %dma_wait3A_1333 : memref<1x128xf32, #tpu.memory_space<vmem>> -> memref<128xf32, #tpu.memory_space<vmem>>
      %dma_wait3A_1335 = arith.constant 0 : i32
      %dma_wait3A_1336 = tpu.memref_slice %arg6[%dma_wait3A_1331, %dma_wait3A_1335] : memref<12x128xi32, #tpu.memory_space<vmem>> -> memref<1x128xi32, #tpu.memory_space<vmem>>
      %dma_wait3A_1337 = tpu.memref_squeeze %dma_wait3A_1336 : memref<1x128xi32, #tpu.memory_space<vmem>> -> memref<128xi32, #tpu.memory_space<vmem>>
      %dma_wait3A_1338 = arith.constant 0 : i32
      %dma_wait3A_1339 = tpu.memref_slice %arg9[%dma_wait3A_1338] : memref<524304xf32, #tpu.memory_space<vmem_shared>> -> memref<524304xf32, #tpu.memory_space<vmem_shared>>
      tpu.wait_indirect_dma semaphore(%arg10 : memref<!tpu.dma_semaphore, #tpu.memory_space<semaphore_mem>>) src(%dma_wait3A_1334 : memref<128xf32, #tpu.memory_space<vmem>>) dst(%dma_wait3A_1339 : memref<524304xf32, #tpu.memory_space<vmem_shared>>)
      %dma_wait3A_1340 = arith.constant 10 : i32
      %dma_wait3A_1341 = arith.constant 10 : i32
      %dma_wait3A_1342 = arith.constant 0 : i32
      %dma_wait3A_1343 = tpu.memref_slice %arg7[%dma_wait3A_1340, %dma_wait3A_1342] : memref<12x128xf32, #tpu.memory_space<vmem>> -> memref<1x128xf32, #tpu.memory_space<vmem>>
      %dma_wait3A_1344 = tpu.memref_squeeze %dma_wait3A_1343 : memref<1x128xf32, #tpu.memory_space<vmem>> -> memref<128xf32, #tpu.memory_space<vmem>>
      %dma_wait3A_1345 = arith.constant 0 : i32
      %dma_wait3A_1346 = tpu.memref_slice %arg6[%dma_wait3A_1341, %dma_wait3A_1345] : memref<12x128xi32, #tpu.memory_space<vmem>> -> memref<1x128xi32, #tpu.memory_space<vmem>>
      %dma_wait3A_1347 = tpu.memref_squeeze %dma_wait3A_1346 : memref<1x128xi32, #tpu.memory_space<vmem>> -> memref<128xi32, #tpu.memory_space<vmem>>
      %dma_wait3A_1348 = arith.constant 0 : i32
      %dma_wait3A_1349 = tpu.memref_slice %arg9[%dma_wait3A_1348] : memref<524304xf32, #tpu.memory_space<vmem_shared>> -> memref<524304xf32, #tpu.memory_space<vmem_shared>>
      tpu.wait_indirect_dma semaphore(%arg10 : memref<!tpu.dma_semaphore, #tpu.memory_space<semaphore_mem>>) src(%dma_wait3A_1344 : memref<128xf32, #tpu.memory_space<vmem>>) dst(%dma_wait3A_1349 : memref<524304xf32, #tpu.memory_space<vmem_shared>>)
      %dma_wait3A_1350 = arith.constant 11 : i32
      %dma_wait3A_1351 = arith.constant 11 : i32
      %dma_wait3A_1352 = arith.constant 0 : i32
      %dma_wait3A_1353 = tpu.memref_slice %arg7[%dma_wait3A_1350, %dma_wait3A_1352] : memref<12x128xf32, #tpu.memory_space<vmem>> -> memref<1x128xf32, #tpu.memory_space<vmem>>
      %dma_wait3A_1354 = tpu.memref_squeeze %dma_wait3A_1353 : memref<1x128xf32, #tpu.memory_space<vmem>> -> memref<128xf32, #tpu.memory_space<vmem>>
      %dma_wait3A_1355 = arith.constant 0 : i32
      %dma_wait3A_1356 = tpu.memref_slice %arg6[%dma_wait3A_1351, %dma_wait3A_1355] : memref<12x128xi32, #tpu.memory_space<vmem>> -> memref<1x128xi32, #tpu.memory_space<vmem>>
      %dma_wait3A_1357 = tpu.memref_squeeze %dma_wait3A_1356 : memref<1x128xi32, #tpu.memory_space<vmem>> -> memref<128xi32, #tpu.memory_space<vmem>>
      %dma_wait3A_1358 = arith.constant 0 : i32
      %dma_wait3A_1359 = tpu.memref_slice %arg9[%dma_wait3A_1358] : memref<524304xf32, #tpu.memory_space<vmem_shared>> -> memref<524304xf32, #tpu.memory_space<vmem_shared>>
      tpu.wait_indirect_dma semaphore(%arg10 : memref<!tpu.dma_semaphore, #tpu.memory_space<semaphore_mem>>) src(%dma_wait3A_1354 : memref<128xf32, #tpu.memory_space<vmem>>) dst(%dma_wait3A_1359 : memref<524304xf32, #tpu.memory_space<vmem_shared>>)
      %barrier3A_1360 = arith.constant 0 : index
      tpu.barrier barrier_id(%barrier3A_1360)
      %mul3A_1361 = arith.constant 1048576 : i32
      %mul3A_1362 = arith.muli %add3A_835, %mul3A_1361 : i32
      %add3A_1363 = arith.constant 524288 : i32
      %add3A_1364 = arith.addi %mul3A_1362, %add3A_1363 : i32
      %mul3A_1365 = arith.constant 32768 : i32
      %mul3A_1366 = arith.muli %arg1, %mul3A_1365 : i32
      %mul3A_1367 = arith.constant 32768 : i32
      %mul3A_1368 = arith.muli %arg1, %mul3A_1367 : i32
      %add3A_1369 = arith.addi %add3A_1364, %mul3A_1368 : i32
      %dma_start3A_1370 = tpu.memref_slice %arg4[%add3A_1369] : memref<67108864xf32, #tpu.memory_space<hbm>> -> memref<32768xf32, #tpu.memory_space<hbm>>
      %dma_start3A_1371 = tpu.memref_slice %arg9[%mul3A_1366] : memref<524304xf32, #tpu.memory_space<vmem_shared>> -> memref<32768xf32, #tpu.memory_space<vmem_shared>>
      tpu.enqueue_dma source(%dma_start3A_1371 : memref<32768xf32, #tpu.memory_space<vmem_shared>>) target(%dma_start3A_1370 : memref<32768xf32, #tpu.memory_space<hbm>>) target_semaphore(%arg11 : memref<!tpu.dma_semaphore, #tpu.memory_space<semaphore_mem>>)
    }
    %scan3A_804 = arith.constant 32 : i32
    %mul3A_805 = arith.constant 32 : i32
    %mul3A_806 = arith.muli %arg0, %mul3A_805 : i32
    %add3A_807 = arith.constant 32 : i32
    %add3A_808 = arith.addi %mul3A_806, %add3A_807 : i32
    %sub3A = arith.constant 1 : i32
    %sub3A_809 = arith.subi %add3A_808, %sub3A : i32
    %mul3A_810 = arith.constant 1048576 : i32
    %mul3A_811 = arith.muli %sub3A_809, %mul3A_810 : i32
    %add3A_812 = arith.constant 0 : i32
    %add3A_813 = arith.addi %mul3A_811, %add3A_812 : i32
    %mul3A_814 = arith.constant 32768 : i32
    %mul3A_815 = arith.muli %arg1, %mul3A_814 : i32
    %mul3A_816 = arith.constant 32768 : i32
    %mul3A_817 = arith.muli %arg1, %mul3A_816 : i32
    %add3A_818 = arith.addi %add3A_813, %mul3A_817 : i32
    %dma_wait3A_819 = tpu.memref_slice %arg4[%add3A_818] : memref<67108864xf32, #tpu.memory_space<hbm>> -> memref<32768xf32, #tpu.memory_space<hbm>>
    %dma_wait3A_820 = tpu.memref_slice %arg8[%mul3A_815] : memref<524304xf32, #tpu.memory_space<vmem_shared>> -> memref<32768xf32, #tpu.memory_space<vmem_shared>>
    tpu.wait_dma2 semaphore(%arg11 : memref<!tpu.dma_semaphore, #tpu.memory_space<semaphore_mem>>) src(%dma_wait3A_820 : memref<32768xf32, #tpu.memory_space<vmem_shared>>) dst(%dma_wait3A_819 : memref<32768xf32, #tpu.memory_space<hbm>>)
    %mul3A_821 = arith.constant 1048576 : i32
    %mul3A_822 = arith.muli %sub3A_809, %mul3A_821 : i32
    %add3A_823 = arith.constant 524288 : i32
    %add3A_824 = arith.addi %mul3A_822, %add3A_823 : i32
    %mul3A_825 = arith.constant 32768 : i32
    %mul3A_826 = arith.muli %arg1, %mul3A_825 : i32
    %mul3A_827 = arith.constant 32768 : i32
    %mul3A_828 = arith.muli %arg1, %mul3A_827 : i32
    %add3A_829 = arith.addi %add3A_824, %mul3A_828 : i32
    %dma_wait3A_830 = tpu.memref_slice %arg4[%add3A_829] : memref<67108864xf32, #tpu.memory_space<hbm>> -> memref<32768xf32, #tpu.memory_space<hbm>>
    %dma_wait3A_831 = tpu.memref_slice %arg9[%mul3A_826] : memref<524304xf32, #tpu.memory_space<vmem_shared>> -> memref<32768xf32, #tpu.memory_space<vmem_shared>>
    tpu.wait_dma2 semaphore(%arg11 : memref<!tpu.dma_semaphore, #tpu.memory_space<semaphore_mem>>) src(%dma_wait3A_831 : memref<32768xf32, #tpu.memory_space<vmem_shared>>) dst(%dma_wait3A_830 : memref<32768xf32, #tpu.memory_space<hbm>>)
    return
  }
}

module attributes {stable_mosaic.version = 14 : i64} {
  func.func @_route_body(%arg0: memref<64x1024xf32, #tpu.memory_space<vmem>>, %arg1: memref<16x1024xf32, #tpu.memory_space<vmem>>, %arg2: memref<16xf32, #tpu.memory_space<vmem>>, %arg3: memref<16x3000xi32, #tpu.memory_space<vmem>>, %arg4: memref<64x24064xi32, #tpu.memory_space<vmem>>) attributes {dimension_semantics = [], scalar_prefetch = 0 : i64, scratch_operands = 0 : i64, tpu.core_type = #tpu.core_type<tc>} {
    %get3A = arith.constant 0 : index
    %get3A_0 = arith.constant 0 : index
    %get3A_1 = vector.load %arg0[%get3A, %get3A_0] : memref<64x1024xf32, #tpu.memory_space<vmem>>, vector<64x1024xf32>
    %get3A_2 = arith.constant 0 : index
    %get3A_3 = arith.constant 0 : index
    %get3A_4 = vector.load %arg1[%get3A_2, %get3A_3] : memref<16x1024xf32, #tpu.memory_space<vmem>>, vector<16x1024xf32>
    %dot_general3A = arith.constant dense<0.000000e+00> : vector<64x16xf32>
    %dot_general3A_5 = tpu.matmul %get3A_1, %get3A_4, %dot_general3A {dimension_numbers = #tpu.dot_dimension_numbers<[1], [1], [0], [0], [0, 0, 1, 0], [], []>, transpose_lhs_hint = false} : vector<64x1024xf32>, vector<16x1024xf32>, vector<64x16xf32> -> vector<64x16xf32>
    %get3A_6 = arith.constant 0 : index
    %get3A_7 = vector.load %arg2[%get3A_6] : memref<16xf32, #tpu.memory_space<vmem>>, vector<16xf32>
    %broadcast_in_dim3A = vector.shape_cast %get3A_7 : vector<16xf32> to vector<1x16xf32>
    %add3A = vector.broadcast %broadcast_in_dim3A : vector<1x16xf32> to vector<64x16xf32>
    %add3A_8 = arith.addf %dot_general3A_5, %add3A : vector<64x16xf32>
    %reduce_max3A = arith.constant dense<0xFF800000> : vector<64xf32>
    %reduce_max3A_9 = vector.multi_reduction <maximumf>, %add3A_8, %reduce_max3A [1] : vector<64x16xf32> to vector<64xf32>
    %broadcast_in_dim3A_10 = vector.shape_cast %reduce_max3A_9 : vector<64xf32> to vector<64x1xf32>
    %sub3A = vector.broadcast %broadcast_in_dim3A_10 : vector<64x1xf32> to vector<64x16xf32>
    %sub3A_11 = arith.subf %add3A_8, %sub3A : vector<64x16xf32>
    %exp3A = math.exp %sub3A_11 : vector<64x16xf32>
    %reduce_sum3A = arith.constant dense<0.000000e+00> : vector<64xf32>
    %reduce_sum3A_12 = vector.multi_reduction <add>, %exp3A, %reduce_sum3A [1] : vector<64x16xf32> to vector<64xf32>
    %broadcast_in_dim3A_13 = vector.shape_cast %reduce_sum3A_12 : vector<64xf32> to vector<64x1xf32>
    %div3A = vector.broadcast %broadcast_in_dim3A_13 : vector<64x1xf32> to vector<64x16xf32>
    %div3A_14 = arith.divf %exp3A, %div3A : vector<64x16xf32>
    %iota3A = tpu.iota {dimensions = array<i32: 1>} : vector<64x16xi32>
    %reduce_max3A_15 = arith.constant dense<0xFF800000> : vector<64xf32>
    %reduce_max3A_16 = vector.multi_reduction <maximumf>, %div3A_14, %reduce_max3A_15 [1] : vector<64x16xf32> to vector<64xf32>
    %broadcast_in_dim3A_17 = vector.shape_cast %reduce_max3A_16 : vector<64xf32> to vector<64x1xf32>
    %eq3A = vector.broadcast %broadcast_in_dim3A_17 : vector<64x1xf32> to vector<64x16xf32>
    %eq3A_18 = arith.cmpf oeq, %div3A_14, %eq3A : vector<64x16xf32>
    %jit3A = arith.constant 16 : i32
    %broadcast_in_dim3A_19 = vector.broadcast %jit3A : i32 to vector<64x16xi32>
    %select_n3A = arith.select %eq3A_18, %iota3A, %broadcast_in_dim3A_19 : vector<64x16xi1>, vector<64x16xi32>
    %reduce_min3A = arith.constant dense<2147483647> : vector<64xi32>
    %reduce_min3A_20 = vector.multi_reduction <minsi>, %select_n3A, %reduce_min3A [1] : vector<64x16xi32> to vector<64xi32>
    %broadcast_in_dim3A_21 = vector.shape_cast %reduce_min3A_20 : vector<64xi32> to vector<64x1xi32>
    %eq3A_22 = vector.broadcast %broadcast_in_dim3A_21 : vector<64x1xi32> to vector<64x16xi32>
    %eq3A_23 = arith.cmpi eq, %iota3A, %eq3A_22 : vector<64x16xi32>
    %jit3A_24 = arith.constant 0xFF800000 : f32
    %broadcast_in_dim3A_25 = vector.broadcast %jit3A_24 : f32 to vector<64x16xf32>
    %select_n3A_26 = arith.select %eq3A_23, %broadcast_in_dim3A_25, %div3A_14 : vector<64x16xi1>, vector<64x16xf32>
    %reduce_max3A_27 = arith.constant dense<0xFF800000> : vector<64xf32>
    %reduce_max3A_28 = vector.multi_reduction <maximumf>, %select_n3A_26, %reduce_max3A_27 [1] : vector<64x16xf32> to vector<64xf32>
    %broadcast_in_dim3A_29 = vector.shape_cast %reduce_max3A_28 : vector<64xf32> to vector<64x1xf32>
    %eq3A_30 = vector.broadcast %broadcast_in_dim3A_29 : vector<64x1xf32> to vector<64x16xf32>
    %eq3A_31 = arith.cmpf oeq, %select_n3A_26, %eq3A_30 : vector<64x16xf32>
    %jit3A_32 = arith.constant 16 : i32
    %broadcast_in_dim3A_33 = vector.broadcast %jit3A_32 : i32 to vector<64x16xi32>
    %select_n3A_34 = arith.select %eq3A_31, %iota3A, %broadcast_in_dim3A_33 : vector<64x16xi1>, vector<64x16xi32>
    %reduce_min3A_35 = arith.constant dense<2147483647> : vector<64xi32>
    %reduce_min3A_36 = vector.multi_reduction <minsi>, %select_n3A_34, %reduce_min3A_35 [1] : vector<64x16xi32> to vector<64xi32>
    %broadcast_in_dim3A_37 = vector.shape_cast %reduce_min3A_36 : vector<64xi32> to vector<64x1xi32>
    %eq3A_38 = vector.broadcast %broadcast_in_dim3A_37 : vector<64x1xi32> to vector<64x16xi32>
    %eq3A_39 = arith.cmpi eq, %iota3A, %eq3A_38 : vector<64x16xi32>
    %jit3A_40 = arith.constant 0xFF800000 : f32
    %broadcast_in_dim3A_41 = vector.broadcast %jit3A_40 : f32 to vector<64x16xf32>
    %select_n3A_42 = arith.select %eq3A_39, %broadcast_in_dim3A_41, %select_n3A_26 : vector<64x16xi1>, vector<64x16xf32>
    %reduce_max3A_43 = arith.constant dense<0xFF800000> : vector<64xf32>
    %reduce_max3A_44 = vector.multi_reduction <maximumf>, %select_n3A_42, %reduce_max3A_43 [1] : vector<64x16xf32> to vector<64xf32>
    %broadcast_in_dim3A_45 = vector.shape_cast %reduce_max3A_44 : vector<64xf32> to vector<64x1xf32>
    %eq3A_46 = vector.broadcast %broadcast_in_dim3A_45 : vector<64x1xf32> to vector<64x16xf32>
    %eq3A_47 = arith.cmpf oeq, %select_n3A_42, %eq3A_46 : vector<64x16xf32>
    %jit3A_48 = arith.constant 16 : i32
    %broadcast_in_dim3A_49 = vector.broadcast %jit3A_48 : i32 to vector<64x16xi32>
    %select_n3A_50 = arith.select %eq3A_47, %iota3A, %broadcast_in_dim3A_49 : vector<64x16xi1>, vector<64x16xi32>
    %reduce_min3A_51 = arith.constant dense<2147483647> : vector<64xi32>
    %reduce_min3A_52 = vector.multi_reduction <minsi>, %select_n3A_50, %reduce_min3A_51 [1] : vector<64x16xi32> to vector<64xi32>
    %broadcast_in_dim3A_53 = vector.shape_cast %reduce_min3A_52 : vector<64xi32> to vector<64x1xi32>
    %eq3A_54 = vector.broadcast %broadcast_in_dim3A_53 : vector<64x1xi32> to vector<64x16xi32>
    %eq3A_55 = arith.cmpi eq, %iota3A, %eq3A_54 : vector<64x16xi32>
    %jit3A_56 = arith.constant 0xFF800000 : f32
    %broadcast_in_dim3A_57 = vector.broadcast %jit3A_56 : f32 to vector<64x16xf32>
    %select_n3A_58 = arith.select %eq3A_55, %broadcast_in_dim3A_57, %select_n3A_42 : vector<64x16xi1>, vector<64x16xf32>
    %reduce_max3A_59 = arith.constant dense<0xFF800000> : vector<64xf32>
    %reduce_max3A_60 = vector.multi_reduction <maximumf>, %select_n3A_58, %reduce_max3A_59 [1] : vector<64x16xf32> to vector<64xf32>
    %broadcast_in_dim3A_61 = vector.shape_cast %reduce_max3A_60 : vector<64xf32> to vector<64x1xf32>
    %eq3A_62 = vector.broadcast %broadcast_in_dim3A_61 : vector<64x1xf32> to vector<64x16xf32>
    %eq3A_63 = arith.cmpf oeq, %select_n3A_58, %eq3A_62 : vector<64x16xf32>
    %jit3A_64 = arith.constant 16 : i32
    %broadcast_in_dim3A_65 = vector.broadcast %jit3A_64 : i32 to vector<64x16xi32>
    %select_n3A_66 = arith.select %eq3A_63, %iota3A, %broadcast_in_dim3A_65 : vector<64x16xi1>, vector<64x16xi32>
    %reduce_min3A_67 = arith.constant dense<2147483647> : vector<64xi32>
    %reduce_min3A_68 = vector.multi_reduction <minsi>, %select_n3A_66, %reduce_min3A_67 [1] : vector<64x16xi32> to vector<64xi32>
    %broadcast_in_dim3A_69 = vector.shape_cast %reduce_min3A_68 : vector<64xi32> to vector<64x1xi32>
    %eq3A_70 = vector.broadcast %broadcast_in_dim3A_69 : vector<64x1xi32> to vector<64x16xi32>
    %eq3A_71 = arith.cmpi eq, %iota3A, %eq3A_70 : vector<64x16xi32>
    %jit3A_72 = arith.constant 0xFF800000 : f32
    %broadcast_in_dim3A_73 = vector.broadcast %jit3A_72 : f32 to vector<64x16xf32>
    %select_n3A_74 = arith.select %eq3A_71, %broadcast_in_dim3A_73, %select_n3A_58 : vector<64x16xi1>, vector<64x16xf32>
    %reduce_max3A_75 = arith.constant dense<0xFF800000> : vector<64xf32>
    %reduce_max3A_76 = vector.multi_reduction <maximumf>, %select_n3A_74, %reduce_max3A_75 [1] : vector<64x16xf32> to vector<64xf32>
    %broadcast_in_dim3A_77 = vector.shape_cast %reduce_max3A_76 : vector<64xf32> to vector<64x1xf32>
    %eq3A_78 = vector.broadcast %broadcast_in_dim3A_77 : vector<64x1xf32> to vector<64x16xf32>
    %eq3A_79 = arith.cmpf oeq, %select_n3A_74, %eq3A_78 : vector<64x16xf32>
    %jit3A_80 = arith.constant 16 : i32
    %broadcast_in_dim3A_81 = vector.broadcast %jit3A_80 : i32 to vector<64x16xi32>
    %select_n3A_82 = arith.select %eq3A_79, %iota3A, %broadcast_in_dim3A_81 : vector<64x16xi1>, vector<64x16xi32>
    %reduce_min3A_83 = arith.constant dense<2147483647> : vector<64xi32>
    %reduce_min3A_84 = vector.multi_reduction <minsi>, %select_n3A_82, %reduce_min3A_83 [1] : vector<64x16xi32> to vector<64xi32>
    %broadcast_in_dim3A_85 = vector.shape_cast %reduce_min3A_84 : vector<64xi32> to vector<64x1xi32>
    %eq3A_86 = vector.broadcast %broadcast_in_dim3A_85 : vector<64x1xi32> to vector<64x16xi32>
    %eq3A_87 = arith.cmpi eq, %iota3A, %eq3A_86 : vector<64x16xi32>
    %jit3A_88 = arith.constant 0xFF800000 : f32
    %broadcast_in_dim3A_89 = vector.broadcast %jit3A_88 : f32 to vector<64x16xf32>
    %select_n3A_90 = arith.select %eq3A_87, %broadcast_in_dim3A_89, %select_n3A_74 : vector<64x16xi1>, vector<64x16xf32>
    %reduce_max3A_91 = arith.constant dense<0xFF800000> : vector<64xf32>
    %reduce_max3A_92 = vector.multi_reduction <maximumf>, %select_n3A_90, %reduce_max3A_91 [1] : vector<64x16xf32> to vector<64xf32>
    %broadcast_in_dim3A_93 = vector.shape_cast %reduce_max3A_92 : vector<64xf32> to vector<64x1xf32>
    %eq3A_94 = vector.broadcast %broadcast_in_dim3A_93 : vector<64x1xf32> to vector<64x16xf32>
    %eq3A_95 = arith.cmpf oeq, %select_n3A_90, %eq3A_94 : vector<64x16xf32>
    %jit3A_96 = arith.constant 16 : i32
    %broadcast_in_dim3A_97 = vector.broadcast %jit3A_96 : i32 to vector<64x16xi32>
    %select_n3A_98 = arith.select %eq3A_95, %iota3A, %broadcast_in_dim3A_97 : vector<64x16xi1>, vector<64x16xi32>
    %reduce_min3A_99 = arith.constant dense<2147483647> : vector<64xi32>
    %reduce_min3A_100 = vector.multi_reduction <minsi>, %select_n3A_98, %reduce_min3A_99 [1] : vector<64x16xi32> to vector<64xi32>
    %broadcast_in_dim3A_101 = vector.shape_cast %reduce_min3A_100 : vector<64xi32> to vector<64x1xi32>
    %eq3A_102 = vector.broadcast %broadcast_in_dim3A_101 : vector<64x1xi32> to vector<64x16xi32>
    %eq3A_103 = arith.cmpi eq, %iota3A, %eq3A_102 : vector<64x16xi32>
    %jit3A_104 = arith.constant 0xFF800000 : f32
    %broadcast_in_dim3A_105 = vector.broadcast %jit3A_104 : f32 to vector<64x16xf32>
    %select_n3A_106 = arith.select %eq3A_103, %broadcast_in_dim3A_105, %select_n3A_90 : vector<64x16xi1>, vector<64x16xf32>
    %reduce_max3A_107 = arith.constant dense<0xFF800000> : vector<64xf32>
    %reduce_max3A_108 = vector.multi_reduction <maximumf>, %select_n3A_106, %reduce_max3A_107 [1] : vector<64x16xf32> to vector<64xf32>
    %broadcast_in_dim3A_109 = vector.shape_cast %reduce_max3A_108 : vector<64xf32> to vector<64x1xf32>
    %eq3A_110 = vector.broadcast %broadcast_in_dim3A_109 : vector<64x1xf32> to vector<64x16xf32>
    %eq3A_111 = arith.cmpf oeq, %select_n3A_106, %eq3A_110 : vector<64x16xf32>
    %jit3A_112 = arith.constant 16 : i32
    %broadcast_in_dim3A_113 = vector.broadcast %jit3A_112 : i32 to vector<64x16xi32>
    %select_n3A_114 = arith.select %eq3A_111, %iota3A, %broadcast_in_dim3A_113 : vector<64x16xi1>, vector<64x16xi32>
    %reduce_min3A_115 = arith.constant dense<2147483647> : vector<64xi32>
    %reduce_min3A_116 = vector.multi_reduction <minsi>, %select_n3A_114, %reduce_min3A_115 [1] : vector<64x16xi32> to vector<64xi32>
    %broadcast_in_dim3A_117 = vector.shape_cast %reduce_min3A_116 : vector<64xi32> to vector<64x1xi32>
    %eq3A_118 = vector.broadcast %broadcast_in_dim3A_117 : vector<64x1xi32> to vector<64x16xi32>
    %eq3A_119 = arith.cmpi eq, %iota3A, %eq3A_118 : vector<64x16xi32>
    %jit3A_120 = arith.constant 0xFF800000 : f32
    %broadcast_in_dim3A_121 = vector.broadcast %jit3A_120 : f32 to vector<64x16xf32>
    %select_n3A_122 = arith.select %eq3A_119, %broadcast_in_dim3A_121, %select_n3A_106 : vector<64x16xi1>, vector<64x16xf32>
    %reduce_max3A_123 = arith.constant dense<0xFF800000> : vector<64xf32>
    %reduce_max3A_124 = vector.multi_reduction <maximumf>, %select_n3A_122, %reduce_max3A_123 [1] : vector<64x16xf32> to vector<64xf32>
    %broadcast_in_dim3A_125 = vector.shape_cast %reduce_max3A_124 : vector<64xf32> to vector<64x1xf32>
    %eq3A_126 = vector.broadcast %broadcast_in_dim3A_125 : vector<64x1xf32> to vector<64x16xf32>
    %eq3A_127 = arith.cmpf oeq, %select_n3A_122, %eq3A_126 : vector<64x16xf32>
    %jit3A_128 = arith.constant 16 : i32
    %broadcast_in_dim3A_129 = vector.broadcast %jit3A_128 : i32 to vector<64x16xi32>
    %select_n3A_130 = arith.select %eq3A_127, %iota3A, %broadcast_in_dim3A_129 : vector<64x16xi1>, vector<64x16xi32>
    %reduce_min3A_131 = arith.constant dense<2147483647> : vector<64xi32>
    %reduce_min3A_132 = vector.multi_reduction <minsi>, %select_n3A_130, %reduce_min3A_131 [1] : vector<64x16xi32> to vector<64xi32>
    %broadcast_in_dim3A_133 = vector.shape_cast %reduce_min3A_132 : vector<64xi32> to vector<64x1xi32>
    %concatenate3A = tpu.concatenate %broadcast_in_dim3A_21, %broadcast_in_dim3A_37, %broadcast_in_dim3A_53, %broadcast_in_dim3A_69, %broadcast_in_dim3A_85, %broadcast_in_dim3A_101, %broadcast_in_dim3A_117, %broadcast_in_dim3A_133 in 1 : vector<64x1xi32>, vector<64x1xi32>, vector<64x1xi32>, vector<64x1xi32>, vector<64x1xi32>, vector<64x1xi32>, vector<64x1xi32>, vector<64x1xi32> -> vector<64x8xi32>
    %broadcast_in_dim3A_134 = arith.constant 1048576 : i32
    %broadcast_in_dim3A_135 = vector.broadcast %broadcast_in_dim3A_134 : i32 to vector<64x24064xi32>
    %swap3A = arith.constant 0 : index
    %swap3A_136 = arith.constant 0 : index
    %swap3A_137 = vector.load %arg4[%swap3A, %swap3A_136] : memref<64x24064xi32, #tpu.memory_space<vmem>>, vector<64x24064xi32>
    tpu.vector_store %arg4[%swap3A, %swap3A_136], %broadcast_in_dim3A_135 {strides = array<i32>} : memref<64x24064xi32, #tpu.memory_space<vmem>>, vector<64x24064xi32>,
    %get3A_138 = arith.constant 0 : index
    %get3A_139 = arith.constant 0 : index
    %get3A_140 = vector.load %arg3[%get3A_138, %get3A_139] : memref<16x3000xi32, #tpu.memory_space<vmem>>, vector<16x3000xi32>
    %convert_element_type3A = arith.sitofp %get3A_140 : vector<16x3000xi32> to vector<16x3000xf32>
    %iota3A_141 = tpu.iota {dimensions = array<i32: 1>} : vector<64x16xi32>
    %slice3A = vector.extract_strided_slice %concatenate3A {offsets = [0, 0], sizes = [64, 1], strides = [1, 1]} : vector<64x8xi32> to vector<64x1xi32>
    %eq3A_142 = vector.broadcast %slice3A : vector<64x1xi32> to vector<64x16xi32>
    %eq3A_143 = arith.cmpi eq, %iota3A_141, %eq3A_142 : vector<64x16xi32>
    %convert_element_type3A_144 = arith.extui %eq3A_143 : vector<64x16xi1> to vector<64x16xi32>
    %convert_element_type3A_145 = arith.sitofp %convert_element_type3A_144 : vector<64x16xi32> to vector<64x16xf32>
    %dot_general3A_146 = arith.constant dense<0.000000e+00> : vector<64x3000xf32>
    %dot_general3A_147 = tpu.matmul %convert_element_type3A_145, %convert_element_type3A, %dot_general3A_146 {dimension_numbers = #tpu.dot_dimension_numbers<[1], [0], [0], [1], [0, 0, 1, 1], [], []>, precision = #tpu.contract_precision<fp32>, transpose_lhs_hint = false} : vector<64x16xf32>, vector<16x3000xf32>, vector<64x3000xf32> -> vector<64x3000xf32>
    %convert_element_type3A_148 = arith.fptosi %dot_general3A_147 : vector<64x3000xf32> to vector<64x3000xi32>
    %slice3A_149 = vector.extract_strided_slice %convert_element_type3A_148 {offsets = [0, 0], sizes = [64, 1500], strides = [1, 1]} : vector<64x3000xi32> to vector<64x1500xi32>
    %swap3A_150 = arith.constant 0 : index
    %swap3A_151 = arith.constant 0 : index
    %swap3A_152 = vector.load %arg4[%swap3A_150, %swap3A_151] : memref<64x24064xi32, #tpu.memory_space<vmem>>, vector<64x1500xi32>
    tpu.vector_store %arg4[%swap3A_150, %swap3A_151], %slice3A_149 {strides = array<i32>} : memref<64x24064xi32, #tpu.memory_space<vmem>>, vector<64x1500xi32>,
    %slice3A_153 = vector.extract_strided_slice %convert_element_type3A_148 {offsets = [0, 1500], sizes = [64, 1500], strides = [1, 1]} : vector<64x3000xi32> to vector<64x1500xi32>
    %swap3A_154 = arith.constant 0 : index
    %swap3A_155 = arith.constant 1504 : index
    %swap3A_156 = vector.load %arg4[%swap3A_154, %swap3A_155] : memref<64x24064xi32, #tpu.memory_space<vmem>>, vector<64x1500xi32>
    tpu.vector_store %arg4[%swap3A_154, %swap3A_155], %slice3A_153 {strides = array<i32>} : memref<64x24064xi32, #tpu.memory_space<vmem>>, vector<64x1500xi32>,
    %slice3A_157 = vector.extract_strided_slice %concatenate3A {offsets = [0, 1], sizes = [64, 1], strides = [1, 1]} : vector<64x8xi32> to vector<64x1xi32>
    %eq3A_158 = vector.broadcast %slice3A_157 : vector<64x1xi32> to vector<64x16xi32>
    %eq3A_159 = arith.cmpi eq, %iota3A_141, %eq3A_158 : vector<64x16xi32>
    %convert_element_type3A_160 = arith.extui %eq3A_159 : vector<64x16xi1> to vector<64x16xi32>
    %convert_element_type3A_161 = arith.sitofp %convert_element_type3A_160 : vector<64x16xi32> to vector<64x16xf32>
    %dot_general3A_162 = arith.constant dense<0.000000e+00> : vector<64x3000xf32>
    %dot_general3A_163 = tpu.matmul %convert_element_type3A_161, %convert_element_type3A, %dot_general3A_162 {dimension_numbers = #tpu.dot_dimension_numbers<[1], [0], [0], [1], [0, 0, 1, 1], [], []>, precision = #tpu.contract_precision<fp32>, transpose_lhs_hint = false} : vector<64x16xf32>, vector<16x3000xf32>, vector<64x3000xf32> -> vector<64x3000xf32>
    %convert_element_type3A_164 = arith.fptosi %dot_general3A_163 : vector<64x3000xf32> to vector<64x3000xi32>
    %slice3A_165 = vector.extract_strided_slice %convert_element_type3A_164 {offsets = [0, 0], sizes = [64, 1500], strides = [1, 1]} : vector<64x3000xi32> to vector<64x1500xi32>
    %swap3A_166 = arith.constant 0 : index
    %swap3A_167 = arith.constant 3008 : index
    %swap3A_168 = vector.load %arg4[%swap3A_166, %swap3A_167] : memref<64x24064xi32, #tpu.memory_space<vmem>>, vector<64x1500xi32>
    tpu.vector_store %arg4[%swap3A_166, %swap3A_167], %slice3A_165 {strides = array<i32>} : memref<64x24064xi32, #tpu.memory_space<vmem>>, vector<64x1500xi32>,
    %slice3A_169 = vector.extract_strided_slice %convert_element_type3A_164 {offsets = [0, 1500], sizes = [64, 1500], strides = [1, 1]} : vector<64x3000xi32> to vector<64x1500xi32>
    %swap3A_170 = arith.constant 0 : index
    %swap3A_171 = arith.constant 4512 : index
    %swap3A_172 = vector.load %arg4[%swap3A_170, %swap3A_171] : memref<64x24064xi32, #tpu.memory_space<vmem>>, vector<64x1500xi32>
    tpu.vector_store %arg4[%swap3A_170, %swap3A_171], %slice3A_169 {strides = array<i32>} : memref<64x24064xi32, #tpu.memory_space<vmem>>, vector<64x1500xi32>,
    %slice3A_173 = vector.extract_strided_slice %concatenate3A {offsets = [0, 2], sizes = [64, 1], strides = [1, 1]} : vector<64x8xi32> to vector<64x1xi32>
    %eq3A_174 = vector.broadcast %slice3A_173 : vector<64x1xi32> to vector<64x16xi32>
    %eq3A_175 = arith.cmpi eq, %iota3A_141, %eq3A_174 : vector<64x16xi32>
    %convert_element_type3A_176 = arith.extui %eq3A_175 : vector<64x16xi1> to vector<64x16xi32>
    %convert_element_type3A_177 = arith.sitofp %convert_element_type3A_176 : vector<64x16xi32> to vector<64x16xf32>
    %dot_general3A_178 = arith.constant dense<0.000000e+00> : vector<64x3000xf32>
    %dot_general3A_179 = tpu.matmul %convert_element_type3A_177, %convert_element_type3A, %dot_general3A_178 {dimension_numbers = #tpu.dot_dimension_numbers<[1], [0], [0], [1], [0, 0, 1, 1], [], []>, precision = #tpu.contract_precision<fp32>, transpose_lhs_hint = false} : vector<64x16xf32>, vector<16x3000xf32>, vector<64x3000xf32> -> vector<64x3000xf32>
    %convert_element_type3A_180 = arith.fptosi %dot_general3A_179 : vector<64x3000xf32> to vector<64x3000xi32>
    %slice3A_181 = vector.extract_strided_slice %convert_element_type3A_180 {offsets = [0, 0], sizes = [64, 1500], strides = [1, 1]} : vector<64x3000xi32> to vector<64x1500xi32>
    %swap3A_182 = arith.constant 0 : index
    %swap3A_183 = arith.constant 6016 : index
    %swap3A_184 = vector.load %arg4[%swap3A_182, %swap3A_183] : memref<64x24064xi32, #tpu.memory_space<vmem>>, vector<64x1500xi32>
    tpu.vector_store %arg4[%swap3A_182, %swap3A_183], %slice3A_181 {strides = array<i32>} : memref<64x24064xi32, #tpu.memory_space<vmem>>, vector<64x1500xi32>,
    %slice3A_185 = vector.extract_strided_slice %convert_element_type3A_180 {offsets = [0, 1500], sizes = [64, 1500], strides = [1, 1]} : vector<64x3000xi32> to vector<64x1500xi32>
    %swap3A_186 = arith.constant 0 : index
    %swap3A_187 = arith.constant 7520 : index
    %swap3A_188 = vector.load %arg4[%swap3A_186, %swap3A_187] : memref<64x24064xi32, #tpu.memory_space<vmem>>, vector<64x1500xi32>
    tpu.vector_store %arg4[%swap3A_186, %swap3A_187], %slice3A_185 {strides = array<i32>} : memref<64x24064xi32, #tpu.memory_space<vmem>>, vector<64x1500xi32>,
    %slice3A_189 = vector.extract_strided_slice %concatenate3A {offsets = [0, 3], sizes = [64, 1], strides = [1, 1]} : vector<64x8xi32> to vector<64x1xi32>
    %eq3A_190 = vector.broadcast %slice3A_189 : vector<64x1xi32> to vector<64x16xi32>
    %eq3A_191 = arith.cmpi eq, %iota3A_141, %eq3A_190 : vector<64x16xi32>
    %convert_element_type3A_192 = arith.extui %eq3A_191 : vector<64x16xi1> to vector<64x16xi32>
    %convert_element_type3A_193 = arith.sitofp %convert_element_type3A_192 : vector<64x16xi32> to vector<64x16xf32>
    %dot_general3A_194 = arith.constant dense<0.000000e+00> : vector<64x3000xf32>
    %dot_general3A_195 = tpu.matmul %convert_element_type3A_193, %convert_element_type3A, %dot_general3A_194 {dimension_numbers = #tpu.dot_dimension_numbers<[1], [0], [0], [1], [0, 0, 1, 1], [], []>, precision = #tpu.contract_precision<fp32>, transpose_lhs_hint = false} : vector<64x16xf32>, vector<16x3000xf32>, vector<64x3000xf32> -> vector<64x3000xf32>
    %convert_element_type3A_196 = arith.fptosi %dot_general3A_195 : vector<64x3000xf32> to vector<64x3000xi32>
    %slice3A_197 = vector.extract_strided_slice %convert_element_type3A_196 {offsets = [0, 0], sizes = [64, 1500], strides = [1, 1]} : vector<64x3000xi32> to vector<64x1500xi32>
    %swap3A_198 = arith.constant 0 : index
    %swap3A_199 = arith.constant 9024 : index
    %swap3A_200 = vector.load %arg4[%swap3A_198, %swap3A_199] : memref<64x24064xi32, #tpu.memory_space<vmem>>, vector<64x1500xi32>
    tpu.vector_store %arg4[%swap3A_198, %swap3A_199], %slice3A_197 {strides = array<i32>} : memref<64x24064xi32, #tpu.memory_space<vmem>>, vector<64x1500xi32>,
    %slice3A_201 = vector.extract_strided_slice %convert_element_type3A_196 {offsets = [0, 1500], sizes = [64, 1500], strides = [1, 1]} : vector<64x3000xi32> to vector<64x1500xi32>
    %swap3A_202 = arith.constant 0 : index
    %swap3A_203 = arith.constant 10528 : index
    %swap3A_204 = vector.load %arg4[%swap3A_202, %swap3A_203] : memref<64x24064xi32, #tpu.memory_space<vmem>>, vector<64x1500xi32>
    tpu.vector_store %arg4[%swap3A_202, %swap3A_203], %slice3A_201 {strides = array<i32>} : memref<64x24064xi32, #tpu.memory_space<vmem>>, vector<64x1500xi32>,
    %slice3A_205 = vector.extract_strided_slice %concatenate3A {offsets = [0, 4], sizes = [64, 1], strides = [1, 1]} : vector<64x8xi32> to vector<64x1xi32>
    %eq3A_206 = vector.broadcast %slice3A_205 : vector<64x1xi32> to vector<64x16xi32>
    %eq3A_207 = arith.cmpi eq, %iota3A_141, %eq3A_206 : vector<64x16xi32>
    %convert_element_type3A_208 = arith.extui %eq3A_207 : vector<64x16xi1> to vector<64x16xi32>
    %convert_element_type3A_209 = arith.sitofp %convert_element_type3A_208 : vector<64x16xi32> to vector<64x16xf32>
    %dot_general3A_210 = arith.constant dense<0.000000e+00> : vector<64x3000xf32>
    %dot_general3A_211 = tpu.matmul %convert_element_type3A_209, %convert_element_type3A, %dot_general3A_210 {dimension_numbers = #tpu.dot_dimension_numbers<[1], [0], [0], [1], [0, 0, 1, 1], [], []>, precision = #tpu.contract_precision<fp32>, transpose_lhs_hint = false} : vector<64x16xf32>, vector<16x3000xf32>, vector<64x3000xf32> -> vector<64x3000xf32>
    %convert_element_type3A_212 = arith.fptosi %dot_general3A_211 : vector<64x3000xf32> to vector<64x3000xi32>
    %slice3A_213 = vector.extract_strided_slice %convert_element_type3A_212 {offsets = [0, 0], sizes = [64, 1500], strides = [1, 1]} : vector<64x3000xi32> to vector<64x1500xi32>
    %swap3A_214 = arith.constant 0 : index
    %swap3A_215 = arith.constant 12032 : index
    %swap3A_216 = vector.load %arg4[%swap3A_214, %swap3A_215] : memref<64x24064xi32, #tpu.memory_space<vmem>>, vector<64x1500xi32>
    tpu.vector_store %arg4[%swap3A_214, %swap3A_215], %slice3A_213 {strides = array<i32>} : memref<64x24064xi32, #tpu.memory_space<vmem>>, vector<64x1500xi32>,
    %slice3A_217 = vector.extract_strided_slice %convert_element_type3A_212 {offsets = [0, 1500], sizes = [64, 1500], strides = [1, 1]} : vector<64x3000xi32> to vector<64x1500xi32>
    %swap3A_218 = arith.constant 0 : index
    %swap3A_219 = arith.constant 13536 : index
    %swap3A_220 = vector.load %arg4[%swap3A_218, %swap3A_219] : memref<64x24064xi32, #tpu.memory_space<vmem>>, vector<64x1500xi32>
    tpu.vector_store %arg4[%swap3A_218, %swap3A_219], %slice3A_217 {strides = array<i32>} : memref<64x24064xi32, #tpu.memory_space<vmem>>, vector<64x1500xi32>,
    %slice3A_221 = vector.extract_strided_slice %concatenate3A {offsets = [0, 5], sizes = [64, 1], strides = [1, 1]} : vector<64x8xi32> to vector<64x1xi32>
    %eq3A_222 = vector.broadcast %slice3A_221 : vector<64x1xi32> to vector<64x16xi32>
    %eq3A_223 = arith.cmpi eq, %iota3A_141, %eq3A_222 : vector<64x16xi32>
    %convert_element_type3A_224 = arith.extui %eq3A_223 : vector<64x16xi1> to vector<64x16xi32>
    %convert_element_type3A_225 = arith.sitofp %convert_element_type3A_224 : vector<64x16xi32> to vector<64x16xf32>
    %dot_general3A_226 = arith.constant dense<0.000000e+00> : vector<64x3000xf32>
    %dot_general3A_227 = tpu.matmul %convert_element_type3A_225, %convert_element_type3A, %dot_general3A_226 {dimension_numbers = #tpu.dot_dimension_numbers<[1], [0], [0], [1], [0, 0, 1, 1], [], []>, precision = #tpu.contract_precision<fp32>, transpose_lhs_hint = false} : vector<64x16xf32>, vector<16x3000xf32>, vector<64x3000xf32> -> vector<64x3000xf32>
    %convert_element_type3A_228 = arith.fptosi %dot_general3A_227 : vector<64x3000xf32> to vector<64x3000xi32>
    %slice3A_229 = vector.extract_strided_slice %convert_element_type3A_228 {offsets = [0, 0], sizes = [64, 1500], strides = [1, 1]} : vector<64x3000xi32> to vector<64x1500xi32>
    %swap3A_230 = arith.constant 0 : index
    %swap3A_231 = arith.constant 15040 : index
    %swap3A_232 = vector.load %arg4[%swap3A_230, %swap3A_231] : memref<64x24064xi32, #tpu.memory_space<vmem>>, vector<64x1500xi32>
    tpu.vector_store %arg4[%swap3A_230, %swap3A_231], %slice3A_229 {strides = array<i32>} : memref<64x24064xi32, #tpu.memory_space<vmem>>, vector<64x1500xi32>,
    %slice3A_233 = vector.extract_strided_slice %convert_element_type3A_228 {offsets = [0, 1500], sizes = [64, 1500], strides = [1, 1]} : vector<64x3000xi32> to vector<64x1500xi32>
    %swap3A_234 = arith.constant 0 : index
    %swap3A_235 = arith.constant 16544 : index
    %swap3A_236 = vector.load %arg4[%swap3A_234, %swap3A_235] : memref<64x24064xi32, #tpu.memory_space<vmem>>, vector<64x1500xi32>
    tpu.vector_store %arg4[%swap3A_234, %swap3A_235], %slice3A_233 {strides = array<i32>} : memref<64x24064xi32, #tpu.memory_space<vmem>>, vector<64x1500xi32>,
    %slice3A_237 = vector.extract_strided_slice %concatenate3A {offsets = [0, 6], sizes = [64, 1], strides = [1, 1]} : vector<64x8xi32> to vector<64x1xi32>
    %eq3A_238 = vector.broadcast %slice3A_237 : vector<64x1xi32> to vector<64x16xi32>
    %eq3A_239 = arith.cmpi eq, %iota3A_141, %eq3A_238 : vector<64x16xi32>
    %convert_element_type3A_240 = arith.extui %eq3A_239 : vector<64x16xi1> to vector<64x16xi32>
    %convert_element_type3A_241 = arith.sitofp %convert_element_type3A_240 : vector<64x16xi32> to vector<64x16xf32>
    %dot_general3A_242 = arith.constant dense<0.000000e+00> : vector<64x3000xf32>
    %dot_general3A_243 = tpu.matmul %convert_element_type3A_241, %convert_element_type3A, %dot_general3A_242 {dimension_numbers = #tpu.dot_dimension_numbers<[1], [0], [0], [1], [0, 0, 1, 1], [], []>, precision = #tpu.contract_precision<fp32>, transpose_lhs_hint = false} : vector<64x16xf32>, vector<16x3000xf32>, vector<64x3000xf32> -> vector<64x3000xf32>
    %convert_element_type3A_244 = arith.fptosi %dot_general3A_243 : vector<64x3000xf32> to vector<64x3000xi32>
    %slice3A_245 = vector.extract_strided_slice %convert_element_type3A_244 {offsets = [0, 0], sizes = [64, 1500], strides = [1, 1]} : vector<64x3000xi32> to vector<64x1500xi32>
    %swap3A_246 = arith.constant 0 : index
    %swap3A_247 = arith.constant 18048 : index
    %swap3A_248 = vector.load %arg4[%swap3A_246, %swap3A_247] : memref<64x24064xi32, #tpu.memory_space<vmem>>, vector<64x1500xi32>
    tpu.vector_store %arg4[%swap3A_246, %swap3A_247], %slice3A_245 {strides = array<i32>} : memref<64x24064xi32, #tpu.memory_space<vmem>>, vector<64x1500xi32>,
    %slice3A_249 = vector.extract_strided_slice %convert_element_type3A_244 {offsets = [0, 1500], sizes = [64, 1500], strides = [1, 1]} : vector<64x3000xi32> to vector<64x1500xi32>
    %swap3A_250 = arith.constant 0 : index
    %swap3A_251 = arith.constant 19552 : index
    %swap3A_252 = vector.load %arg4[%swap3A_250, %swap3A_251] : memref<64x24064xi32, #tpu.memory_space<vmem>>, vector<64x1500xi32>
    tpu.vector_store %arg4[%swap3A_250, %swap3A_251], %slice3A_249 {strides = array<i32>} : memref<64x24064xi32, #tpu.memory_space<vmem>>, vector<64x1500xi32>,
    %slice3A_253 = vector.extract_strided_slice %concatenate3A {offsets = [0, 7], sizes = [64, 1], strides = [1, 1]} : vector<64x8xi32> to vector<64x1xi32>
    %eq3A_254 = vector.broadcast %slice3A_253 : vector<64x1xi32> to vector<64x16xi32>
    %eq3A_255 = arith.cmpi eq, %iota3A_141, %eq3A_254 : vector<64x16xi32>
    %convert_element_type3A_256 = arith.extui %eq3A_255 : vector<64x16xi1> to vector<64x16xi32>
    %convert_element_type3A_257 = arith.sitofp %convert_element_type3A_256 : vector<64x16xi32> to vector<64x16xf32>
    %dot_general3A_258 = arith.constant dense<0.000000e+00> : vector<64x3000xf32>
    %dot_general3A_259 = tpu.matmul %convert_element_type3A_257, %convert_element_type3A, %dot_general3A_258 {dimension_numbers = #tpu.dot_dimension_numbers<[1], [0], [0], [1], [0, 0, 1, 1], [], []>, precision = #tpu.contract_precision<fp32>, transpose_lhs_hint = false} : vector<64x16xf32>, vector<16x3000xf32>, vector<64x3000xf32> -> vector<64x3000xf32>
    %convert_element_type3A_260 = arith.fptosi %dot_general3A_259 : vector<64x3000xf32> to vector<64x3000xi32>
    %slice3A_261 = vector.extract_strided_slice %convert_element_type3A_260 {offsets = [0, 0], sizes = [64, 1500], strides = [1, 1]} : vector<64x3000xi32> to vector<64x1500xi32>
    %swap3A_262 = arith.constant 0 : index
    %swap3A_263 = arith.constant 21056 : index
    %swap3A_264 = vector.load %arg4[%swap3A_262, %swap3A_263] : memref<64x24064xi32, #tpu.memory_space<vmem>>, vector<64x1500xi32>
    tpu.vector_store %arg4[%swap3A_262, %swap3A_263], %slice3A_261 {strides = array<i32>} : memref<64x24064xi32, #tpu.memory_space<vmem>>, vector<64x1500xi32>,
    %slice3A_265 = vector.extract_strided_slice %convert_element_type3A_260 {offsets = [0, 1500], sizes = [64, 1500], strides = [1, 1]} : vector<64x3000xi32> to vector<64x1500xi32>
    %swap3A_266 = arith.constant 0 : index
    %swap3A_267 = arith.constant 22560 : index
    %swap3A_268 = vector.load %arg4[%swap3A_266, %swap3A_267] : memref<64x24064xi32, #tpu.memory_space<vmem>>, vector<64x1500xi32>
    tpu.vector_store %arg4[%swap3A_266, %swap3A_267], %slice3A_265 {strides = array<i32>} : memref<64x24064xi32, #tpu.memory_space<vmem>>, vector<64x1500xi32>,
    return
  }
}

</mosaic_0001>

<sc_bundles>
// kernel: kernel.4.cloned.1.call-start
scs
__scs_entry_jumppad:
0x0: {  	(pc) =	sbr.rel $0x88, $3  }
0x1: {  	(tag) =	ssettag $0x0;
	lr =	simm.s32 $0x1  }
0x2: {  	[smem:$0x3F9D] =	sst lr;
	_ =	strace $0xD0000000  }
0x3: {  	_ = 	snop  }
0x4: {  	_ = 	snop  }
0x5: {  	_ = 	snop  }
0x6: {  	_ = 	snop  }
0x7: {  	_ = 	snop  }
__scs_overlays_trampoline_lowered:
0x8: {  	[smem:$0x3FAC] =	sst s0  }
0x9: {  	[smem:$0x3FAD] =	sst s1  }
0xa: {  	[smem:$0x3FAE] =	sst s2  }
0xb: {  	[smem:$0x3FAF] =	sst s3  }
0xc: {  	[smem:$0x3FB0] =	sst s4  }
0xd: {  	[smem:$0x3FB1] =	sst s5  }
0xe: {  	[smem:$0x3FB2] =	sst s6  }
0xf: {  	[smem:$0x3FB3] =	sst s7  }
0x10: {  	[smem:$0x3FB4] =	sst s8  }
0x11: {  	[smem:$0x3FB5] =	sst s9;
	s0 =	simm.s32 @!p0 $0x0  }
0x12: {  	s1 =	sld [smem:$0x3F9B];
	s0 =	simm.s32 @p0 $0x1  }
0x13: {  	[smem:$0x3FB6] =	sst s0;
	s0 =	simm.s32 @!p1 $0x0  }
0x14: {  	s2 =	sld [smem:$0x3F9A];
	s0 =	simm.s32 @p1 $0x1  }
0x15: {  	[smem:$0x3FB7] =	sst s0;
	s0 =	simm.s32 @!p2 $0x0  }
0x16: {  	s3 =	sld [smem:$0x3FDB];
	s0 =	simm.s32 @p2 $0x1  }
0x17: {  	s4 =	simm.s32 $0x1BF5;
	[smem:$0x3FB9] =	sst s0  }
0x18: {  	s0 =	sld [smem:$0x3F9C];
	_ =	swait.ge [sflag:s4], $0x0  }
0x19: {  	s7 =	sld [smem:$0x3F9D]  }
0x1a: {  	s8 =	sadd.s32 $0xFFFFE003, lr  }
0x1b: {  	s9 =	sadd.s32 $0xFFFFFEF7, lr;
	s5 =	simm.s32 $0xFFFFFFFF;
	p2 =	slt.u32 s8, $0xFFFFF086  }
0x1c: {  	p1 =	slt.u32 s9, $0xF7A;
	s5 =	simm.s32 @!p2 $0x0  }
0x1d: {  	s5 =	simm.s32 @p1 $0x1;
	p0 =	seq.s32 s7, s2  }
0x1e: {  	s7 =	smul.u32 @!p0 $0xF7A, s2;
	p2 =	seq.s32 @!p0 s5, $0x0  }
0x1f: {  	s9 =	smul.u32 $0xF7A, s1;
	s8 =	simm.s32 @!p0 $0x1BF5;
	p2 =	por !p2, p0  }
0x20: {  	[sflag:s8] =	ssyncset.s32 @!p0 $0xFFFFF086;
	s6 =	sadd.s32 @!p0 s3, s7;
	s7 =	simm.s32 @!p0 $0x108  }
0x21: {  	s3 =	sadd.s32 s3, s9;
	s6 =	sadd.s32 @!p0 $0x88, s6;
	s7 =	simm.s32 @p2 $0x1082  }
0x22: {  	[simem:s7], [sflag:s8] =	dma.local @!p0 [hbm:s6], $0xF7A  }
0x23: {  	s9 =	sor.u32 $0xD0000000, s2;
	s6 =	simm.s32 $0x108;
	_ =	swait.ge @!p0 [sflag:s8], $0x0  }
0x24: {  	s3 =	sadd.s32 $0x88, s3;
	s6 =	simm.s32 @!p1 $0x1082;
	[sflag:s4] =	ssyncset.s32 $0xFFFFF086  }
0x25: {  	[simem:s6], [sflag:s4] =	dma.local [hbm:s3], $0xF7A  }
0x26: {  	[smem:$0x3F9D] =	sst s1;
	(tag) =	ssettag s2;
	_ =	strace s9  }
0x27: {  	s1 =	sld [smem:$0x3FAD]  }
0x28: {  	s2 =	sld [smem:$0x3FAE]  }
0x29: {  	s4 =	sld [smem:$0x3FB0]  }
0x2a: {  	p0 =	seq.s32 s5, $0x0;
	s5 =	sld [smem:$0x3FB1]  }
0x2b: {  	s6 =	sld [smem:$0x3FB2]  }
0x2c: {  	s7 =	sld [smem:$0x3FB3]  }
0x2d: {  	s3 =	simm.s32 $0x108;
	s8 =	sld [smem:$0x3FB4]  }
0x2e: {  	s3 =	simm.s32 @!p0 $0x1082;
	s9 =	sld [smem:$0x3FB5]  }
0x2f: {  	lr =	sadd.s32 s0, s3;
	s0 =	sld [smem:$0x3FAC]  }
0x30: {  	s3 =	sld [smem:$0x3FAF]  }
0x31: {  	[smem:$0x3FB8] =	sst s10  }
0x32: {  	s10 =	sld [smem:$0x3FB6];
	_ =	sdelay $0x3  }
0x33: {  	p0 =	seq.s32 s10, $0x1;
	s10 =	sld [smem:$0x3FB8];
	_ =	sdelay $0x3  }
0x34: {  	[smem:$0x3FB8] =	sst s10  }
0x35: {  	s10 =	sld [smem:$0x3FB7];
	_ =	sdelay $0x3  }
0x36: {  	p1 =	seq.s32 s10, $0x1;
	s10 =	sld [smem:$0x3FB8];
	_ =	sdelay $0x3  }
0x37: {  	[smem:$0x3FB8] =	sst s10  }
0x38: {  	s10 =	sld [smem:$0x3FB9]  }
0x39: {  	_ = 	snop;
	(pc) =	sbr.ind lr, $3  }
0x3a: {  	_ = 	snop  }
0x3b: {  	_ = 	snop  }
0x3c: {  	p2 =	seq.s32 s10, $0x1;
	s10 =	sld [smem:$0x3FB8]  }
0x3d: {  	_ =	shalt  }
0x3e: {  	_ =	shalt  }
0x3f: {  	_ =	shalt  }
0x40: {  	_ =	shalt  }
0x41: {  	_ =	shalt  }
0x42: {  	_ =	shalt  }
0x43: {  	_ =	shalt  }
0x44: {  	_ =	shalt  }
0x45: {  	_ =	shalt  }
0x46: {  	_ =	shalt  }
0x47: {  	_ =	shalt  }
0x48: {  	_ =	shalt  }
0x49: {  	_ =	shalt  }
0x4a: {  	_ =	shalt  }
0x4b: {  	_ =	shalt  }
0x4c: {  	_ =	shalt  }
0x4d: {  	_ =	shalt  }
0x4e: {  	_ =	shalt  }
0x4f: {  	_ =	shalt  }
0x50: {  	_ =	shalt  }
0x51: {  	_ =	shalt  }
0x52: {  	_ =	shalt  }
0x53: {  	_ =	shalt  }
0x54: {  	_ =	shalt  }
0x55: {  	_ =	shalt  }
0x56: {  	_ =	shalt  }
0x57: {  	_ =	shalt  }
0x58: {  	_ =	shalt  }
0x59: {  	_ =	shalt  }
0x5a: {  	_ =	shalt  }
0x5b: {  	_ =	shalt  }
0x5c: {  	_ =	shalt  }
0x5d: {  	_ =	shalt  }
0x5e: {  	_ =	shalt  }
0x5f: {  	_ =	shalt  }
0x60: {  	_ =	shalt  }
0x61: {  	_ =	shalt  }
0x62: {  	_ =	shalt  }
0x63: {  	_ =	shalt  }
0x64: {  	_ =	shalt  }
0x65: {  	_ =	shalt  }
0x66: {  	_ =	shalt  }
0x67: {  	_ =	shalt  }
0x68: {  	_ =	shalt  }
0x69: {  	_ =	shalt  }
0x6a: {  	_ =	shalt  }
0x6b: {  	_ =	shalt  }
0x6c: {  	_ =	shalt  }
0x6d: {  	_ =	shalt  }
0x6e: {  	_ =	shalt  }
0x6f: {  	_ =	shalt  }
0x70: {  	_ =	shalt  }
0x71: {  	_ =	shalt  }
0x72: {  	_ =	shalt  }
0x73: {  	_ =	shalt  }
0x74: {  	_ =	shalt  }
0x75: {  	_ =	shalt  }
0x76: {  	_ =	shalt  }
0x77: {  	_ =	shalt  }
0x78: {  	_ =	shalt  }
0x79: {  	_ =	shalt  }
0x7a: {  	_ =	shalt  }
0x7b: {  	_ =	shalt  }
0x7c: {  	_ =	shalt  }
0x7d: {  	_ =	shalt  }
0x7e: {  	_ =	shalt  }
0x7f: {  	_ =	shalt  }
0x80: {  	_ =	shalt  }
0x81: {  	_ =	shalt  }
0x82: {  	_ =	shalt  }
0x83: {  	_ =	shalt  }
0x84: {  	_ =	shalt  }
0x85: {  	_ =	shalt  }
0x86: {  	_ =	shalt  }
0x87: {  	_ =	shalt  }
.Lfunc_end0:
.L_simem_size_0:
called_computation_lowered:
.L_overlay_start_0:
0x88: {  	s2 =	sld [smem:$0x3FD9]  }
0x89: {  	s3 =	sld [smem:$0x3FFE];
	_ =	sdelay $0x1  }
0x8a: {  	s1 =	srdreg.scid  }
0x8b: {  	s0 =	sand.u32 $0x1, s1  }
0x8c: {  	s17 =	sshll.u32 s0, $0xA;
	s2 =	sadd.s32 s3, s2  }
0x8d: {  	s2 =	sadd.s32 s2, s17  }
0x8e: {  	[smem:$0x3FC4] =	sst s2  }
0x8f: {  	_ = 	snop  }
0x90: {  	s2 =	sld [smem:$0x3FD0];
	(tm) =	ssettm $0x1  }
0x91: {  	s18 =	sld [smem:$0x3FFB];
	_ =	sdelay $0x3  }
0x92: {  	_ =	strace s18  }
0x93: {  	s3 =	sld [smem:$0x3FFC];
	_ =	sdelay $0x3  }
0x94: {  	_ =	strace s3  }
0x95: {  	s3 =	sld [smem:$0x3FFD];
	_ =	sdelay $0x3  }
0x96: {  	_ =	strace s3  }
0x97: {  	_ =	strace $0x8FFFFFFF  }
0x98: {  	s19 =	sld [smem:$0x3FDB];
	_ =	sdelay $0x1  }
0x99: {  	s4 =	simm.s32 $_scs_section_size  }
0x9a: {  	s5 =	simm.s32 $_size__tile_overlayer_lowered;
	s6 =	simm.s32 $_tile_overlayer_lowered  }
0x9b: {  	s22 =	simm.s32 $0x1BFF;
	s21 =	sshll.u32 s6, $0x1;
	s3 =	sadd.s32 s4, s19  }
0x9c: {  	s7 =	simm.s32 $0x0;
	s20 =	sshll.u32 s5, $0x1;
	s5 =	sadd.s32 s21, s3  }
0x9d: {  	[timem:s7], [sflag:s22] =	dma.local [hbm:s5], s20  }
0x9e: {  	_ =	swait.ge [sflag:s22], s20  }
0x9f: {  	s4 =	ssub.s32 $0x0, s20;
	[sflag:s22] =	ssyncset.done $0x0  }
0xa0: {  	[sflag:s22] =	ssyncadd.s32 s4;
	_ =	sdelay $0x1  }
0xa1: {  	s23 =	simm.s32 $0x1B8B  }
0xa2: {  	_ =	swait.ge [sflag:s23], $0x1  }
0xa3: {  	[sflag:s23] =	ssyncset.done $0x0  }
0xa4: {  	s25 =	simm.s32 $0x1B8E;
	s24 =	sld [smem:$0x3FFE];
	[sflag:s23] =	ssyncadd.s32 $0xFFFFFFFF  }
0xa5: {  	s26 =	simm.s32 $execute0_lowered;
	[smem:$0x3FD2] =	sst s25  }
0xa6: {  	s5 =	sshll.u32 s26, $0x1;
	_ =	strace $0x80000046;
	[dreg:$0x1] =	wrdreg $0xFFFFFFFF  }
0xa7: {  	s28 =	simm.s32 $_size_execute0_lowered;
	s3 =	sadd.s32 s3, s5;
	[dreg:$0x0] =	wrdreg $0x0  }
0xa8: {  	s5 =	sshll.u32 s28, $0x1;
	[dreg:$0x2] =	wrdreg s3  }
0xa9: {  	[dreg:$0x3] =	wrdreg s5  }
0xaa: {  	[dreg:$0x4] =	wrdreg $0xC0  }
0xab: {  	_ =	task [dreg:s7], $0x5FFFF  }
0xac: {  	[dreg:$0x1] =	wrdreg $0xFFFFFFFF  }
0xad: {  	[dreg:$0x0] =	wrdreg $0x60  }
0xae: {  	[dreg:$0x2] =	wrdreg s2  }
0xaf: {  	[dreg:$0x3] =	wrdreg s24  }
0xb0: {  	[dreg:$0x4] =	wrdreg $0x16000  }
0xb1: {  	[dreg:$0x5] =	wrdreg $0x96080  }
0xb2: {  	[dreg:$0x6] =	wrdreg $0x9  }
0xb3: {  	_ =	task.clear_ibuf [dreg:s7], $0x7FFFF;
	_ =	strace $0x90000046  }
0xb4: {  	s29 =	simm.s32 $0x9;
	_ =	strace $0x80000048  }
0xb5: {  	_ =	swait.ge [sflag:s29], $0x1  }
0xb6: {  	[sflag:s29] =	ssyncadd.s32 $0xFFFFFFFF  }
0xb7: {  	_ =	strace $0x90000048  }
0xb8: {  	_ =	sfence  }
0xb9: {  	s30 =	sld [smem:$0x0];
	_ =	sdelay $0x2  }
0xba: {  	s31 =	sshll.u32 s1, $0xD;
	s1 =	sshrl.u32 s1, $0x2  }
0xbb: {  	s3 =	sand.u32 $0x4000, s31;
	s1 =	sadd.s32 s1, s30  }
0xbc: {  	s0 =	sor.u32 s3, s0;
	s1 =	sshll.u32 s1, $0x11  }
0xbd: {  	s0 =	sor.u32 s1, s0  }
0xbe: {  	s0 =	sadd.s32 $0x8F2B, s0  }
0xbf: {  	[sflag:s0] =	ssyncadd.remote.s32 $0x1  }
0xc0: {  	_ =	sfence.sel $0xFFFF  }
0xc1: {  	[dreg:$0x0] =	wrdreg $0xFFFFFFFF;
	(pc) =	sbr.abs _section_cstart, $3  }
0xc2: {  	[dreg:$0x1] =	wrdreg $0xFFFFFFFF  }
0xc3: {  	_ =	task.clear_ibuf [dreg:s7], $0x2FFFF;
	_ =	strace $0x9FFFFFFF  }
0xc4: {  	(tm) =	ssettm $0x7FFFFFFF  }
0xc5: {  	_ =	shalt  }
tec
execute0_lowered:
.L_overlay_start_1:
0x0: {  	(tag) =	ssettag $0x1  }
0x1: {  	s0 =	rddreg [dreg:$0x1]  }
0x2: {  	s2 =	rddreg [dreg:$0x2]  }
0x3: {  	s3 =	rddreg [dreg:$0x3];
	s4 =	simm.s32 $0x0;
	s1 =	srdreg.scid  }
0x4: {  	s7 =	stileid.u32;
	s20 =	simm.s32 $0x80;
	s22 =	simm.s32 $0x4  }
0x5: {  	s16 =	simm.s32 $0x1000;
	s19 =	simm.s32 $0x880;
	s21 =	simm.s32 $0x980  }
0x6: {  	s12 =	simm.s32 $0x1280;
	s13 =	simm.s32 $0xB00;
	s14 =	simm.s32 $0x1300  }
0x7: {  	s15 =	simm.s32 $0xB80;
	[smem:$0x7FF] =	sst s4;
	s1 =	sand.u32 $0x1, s1  }
0x8: {  	s23 =	sshll.u32 s7, $0xC;
	s6 =	sadd.s32 $0x10C00, s0;
	s25 =	sshll.u32 s7, $0xF  }
0x9: {  	s8 =	sshll.u32 s7, $0x6;
	s28 =	sshll.u32 s7, $0x7;
	s7 =	simm.s32 $0xA00  }
0xa: {  	_ =	strace $0x80000047;
	s5 =	ssub.s32 $0x2, s1;
	[dreg:$0x5] =	wrdreg s6  }
0xb: {  	s4 =	sadd.s32 s23, s0;
	s9 =	sadd.s32 s25, s2;
	[dreg:$0x7] =	wrdreg s8  }
0xc: {  	s11 =	sor.u32 $0x1C03, s8;
	[dreg:$0x6] =	wrdreg s25;
	s26 =	sadd.s32 s25, s3  }
0xd: {  	s1 =	sshll.u32 s1, $0x5;
	s0 =	sadd.s32 $0x20C00, s0;
	s6 =	simm.s32 $0x1180  }
0xe: {  	s8 =	simm.s32 $0x1200;
	s23 =	simm.s32 $0x1380;
	[dreg:$0xa] =	wrdreg s1  }
0xf: {  	s25 =	simm.s32 $0x0;
	s24 =	sshrl.u32 s5, $0x1;
	[dreg:$0xc] =	wrdreg s0  }
0x10: {  	s10 =	sadd.s32 $0xC00, s4;
	s1 =	sand.u32 $0x380, s28;
	[dreg:$0x8] =	wrdreg s9  }
0x11: {  	s30 =	sshrl.u32 s9, $0x3;
	[dreg:$0x9] =	wrdreg s26;
	s31 =	sshrl.u32 s26, $0x3  }
0x12: {  	s0 =	simm.s32 $0x800;
	s4 =	simm.s32 $0x1100;
	[dreg:$0xb] =	wrdreg s1  }
0x13: {  	s9 =	simm.s32 $0xA80;
	s5 =	ssub.s32 s5, s24;
	[dreg:$0xe] =	wrdreg s30  }
0x14: {  	v1 =	vlaneseq.u32;
	[dreg:$0xf] =	wrdreg s31;
	s1 =	simm.s32 $0x1080;
	s29 =	smax.u32 s5, $0x1  }
0x15: {  	v0 =	vimm.f32 $1.000000000e+00;
	v1 =	vor.u32 $0x80000, v1;
	s24 =	simm.s32 $0x1;
	s5 =	simm.s32 $0x900;
	[dreg:$0xd] =	wrdreg s29  }
.LBB2_1:
0x16: {  	[tilespmem:$0xE00] =	vst v0  }
0x17: {  	[tilespmem:$0xE10] =	vst v0  }
0x18: {  	[tilespmem:$0xE20] =	vst v0  }
0x19: {  	[tilespmem:$0xE30] =	vst v0  }
0x1a: {  	[tilespmem:$0xE40] =	vst v0  }
0x1b: {  	[tilespmem:$0xE50] =	vst v0  }
0x1c: {  	[tilespmem:$0xE60] =	vst v0  }
0x1d: {  	[tilespmem:$0xE70] =	vst v0  }
0x1e: {  	[tilespmem:$0xE80] =	vst v0  }
0x1f: {  	[tilespmem:$0xE90] =	vst v0  }
0x20: {  	[tilespmem:$0xEA0] =	vst v0  }
0x21: {  	[tilespmem:$0xEB0] =	vst v0  }
0x22: {  	[tilespmem:$0xEC0] =	vst v0  }
0x23: {  	[tilespmem:$0xED0] =	vst v0  }
0x24: {  	[tilespmem:$0xEE0] =	vst v0  }
0x25: {  	[tilespmem:$0xEF0] =	vst v0  }
0x26: {  	[tilespmem:$0xF00] =	vst v0  }
0x27: {  	[tilespmem:$0xF10] =	vst v0  }
0x28: {  	[tilespmem:$0xF20] =	vst v0  }
0x29: {  	[tilespmem:$0xF30] =	vst v0  }
0x2a: {  	[tilespmem:$0xF40] =	vst v0  }
0x2b: {  	[tilespmem:$0xF50] =	vst v0  }
0x2c: {  	[tilespmem:$0xF60] =	vst v0  }
0x2d: {  	[tilespmem:$0xF70] =	vst v0  }
0x2e: {  	[tilespmem:$0xF80] =	vst v0  }
0x2f: {  	[tilespmem:$0xF90] =	vst v0  }
0x30: {  	[tilespmem:$0xFA0] =	vst v0  }
0x31: {  	[tilespmem:$0xFB0] =	vst v0  }
0x32: {  	[tilespmem:$0xFC0] =	vst v0  }
0x33: {  	[tilespmem:$0xFD0] =	vst v0  }
0x34: {  	[tilespmem:$0xFE0] =	vst v0  }
0x35: {  	[tilespmem:$0xFF0] =	vst v0  }
0x36: {  	[tilespmem:$0x1000] =	vst v0  }
0x37: {  	[tilespmem:$0x1010] =	vst v0  }
0x38: {  	[tilespmem:$0x1020] =	vst v0  }
0x39: {  	[tilespmem:$0x1030] =	vst v0  }
0x3a: {  	[tilespmem:$0x1040] =	vst v0  }
0x3b: {  	[tilespmem:$0x1050] =	vst v0  }
0x3c: {  	[tilespmem:$0x1060] =	vst v0  }
0x3d: {  	[tilespmem:$0x1070] =	vst v0  }
0x3e: {  	[tilespmem:$0x1080] =	vst v0  }
0x3f: {  	[tilespmem:$0x1090] =	vst v0  }
0x40: {  	[tilespmem:$0x10A0] =	vst v0  }
0x41: {  	[tilespmem:$0x10B0] =	vst v0  }
0x42: {  	[tilespmem:$0x10C0] =	vst v0  }
0x43: {  	[tilespmem:$0x10D0] =	vst v0  }
0x44: {  	[tilespmem:$0x10E0] =	vst v0  }
0x45: {  	[tilespmem:$0x10F0] =	vst v0  }
0x46: {  	[tilespmem:$0x1100] =	vst v0  }
0x47: {  	[tilespmem:$0x1110] =	vst v0  }
0x48: {  	[tilespmem:$0x1120] =	vst v0  }
0x49: {  	[tilespmem:$0x1130] =	vst v0  }
0x4a: {  	[tilespmem:$0x1140] =	vst v0  }
0x4b: {  	[tilespmem:$0x1150] =	vst v0  }
0x4c: {  	[tilespmem:$0x1160] =	vst v0  }
0x4d: {  	[tilespmem:$0x1170] =	vst v0  }
0x4e: {  	[tilespmem:$0x1180] =	vst v0  }
0x4f: {  	[tilespmem:$0x1190] =	vst v0  }
0x50: {  	[tilespmem:$0x11A0] =	vst v0  }
0x51: {  	[tilespmem:$0x11B0] =	vst v0  }
0x52: {  	[tilespmem:$0x11C0] =	vst v0  }
0x53: {  	[tilespmem:$0x11D0] =	vst v0  }
0x54: {  	[tilespmem:$0x11E0] =	vst v0  }
0x55: {  	[tilespmem:$0x11F0] =	vst v0  }
0x56: {  	[tilespmem:$0x1200] =	vst v0  }
0x57: {  	[tilespmem:$0x1210] =	vst v0  }
0x58: {  	[tilespmem:$0x1220] =	vst v0  }
0x59: {  	[tilespmem:$0x1230] =	vst v0  }
0x5a: {  	[tilespmem:$0x1240] =	vst v0  }
0x5b: {  	[tilespmem:$0x1250] =	vst v0  }
0x5c: {  	[tilespmem:$0x1260] =	vst v0  }
0x5d: {  	[tilespmem:$0x1270] =	vst v0  }
0x5e: {  	[tilespmem:$0x1280] =	vst v0  }
0x5f: {  	[tilespmem:$0x1290] =	vst v0  }
0x60: {  	[tilespmem:$0x12A0] =	vst v0  }
0x61: {  	[tilespmem:$0x12B0] =	vst v0  }
0x62: {  	[tilespmem:$0x12C0] =	vst v0  }
0x63: {  	[tilespmem:$0x12D0] =	vst v0  }
0x64: {  	[tilespmem:$0x12E0] =	vst v0  }
0x65: {  	[tilespmem:$0x12F0] =	vst v0  }
0x66: {  	[tilespmem:$0x1300] =	vst v0  }
0x67: {  	[tilespmem:$0x1310] =	vst v0  }
0x68: {  	[tilespmem:$0x1320] =	vst v0  }
0x69: {  	[tilespmem:$0x1330] =	vst v0  }
0x6a: {  	[tilespmem:$0x1340] =	vst v0  }
0x6b: {  	[tilespmem:$0x1350] =	vst v0  }
0x6c: {  	[tilespmem:$0x1360] =	vst v0  }
0x6d: {  	[tilespmem:$0x1370] =	vst v0  }
0x6e: {  	[tilespmem:$0x1380] =	vst v0  }
0x6f: {  	[tilespmem:$0x1390] =	vst v0  }
0x70: {  	[tilespmem:$0x13A0] =	vst v0  }
0x71: {  	[tilespmem:$0x13B0] =	vst v0  }
0x72: {  	[tilespmem:$0x13C0] =	vst v0  }
0x73: {  	[tilespmem:$0x13D0] =	vst v0  }
0x74: {  	[tilespmem:$0x13E0] =	vst v0  }
0x75: {  	[tilespmem:$0x13F0] =	vst v0  }
0x76: {  	[dreg:$0x10] =	wrdreg s25;
	[tilespmem:$0xBE0] =	vst v1  }
0x77: {  	[tilespmem:$0xBF0] =	vst v1;
	s17 =	rddreg [dreg:$0xe]  }
0x78: {  	[spmem:s17], [sflag:s11] =	dma.local [hbm:s10], $0x1000  }
0x79: {  	s31 =	simm.s32 $0x3;
	s17 =	rddreg [dreg:$0xf]  }
0x7a: {  	[spmem:s17], [sflag:s11] =	dma.local [hbm:s10], $0x1000  }
0x7b: {  	_ =	swait.ge [sflag:s31], $0x1000  }
0x7c: {  	[sflag:s31] =	ssyncset.done $0x0  }
0x7d: {  	[sflag:s31] =	ssyncadd.s32 $0xFFFFF000  }
0x7e: {  	_ =	swait.ge [sflag:s31], $0x1000  }
0x7f: {  	[sflag:s31] =	ssyncset.done $0x0  }
0x80: {  	[sflag:s31] =	ssyncadd.s32 $0xFFFFF000  }
0x81: {  	s25 =	simm.s32 $0x0;
	[bflag:$0x0] =	sbarrier.arrive $0xFFFF  }
.LBB2_2:
0x82: {  	s17 =	rddreg [dreg:$0xa]  }
0x83: {  	s26 =	sadd.s32 s17, s25  }
0x84: {  	s18 =	stileid.u32;
	s17 =	sshll.u32 s26, $0x4  }
0x85: {  	s17 =	sor.u32 s18, s17  }
0x86: {  	s17 =	sshrl.u32 s17, $0x3  }
0x87: {  	s17 =	smul.u32 $0x3000, s17  }
0x88: {  	s31 =	rddreg [dreg:$0xb]  }
0x89: {  	s17 =	sor.u32 s31, s17  }
0x8a: {  	s31 =	rddreg [dreg:$0x0];
	s17 =	sshrl.u32 s17, $0x3  }
0x8b: {  	s28 =	simm.s32 $0x400;
	s17 =	sadd.s32 s31, s17;
	s31 =	simm.s32 $0x0  }
0x8c: {  	[tilespmem:s31], [sflag:$0x4] =	stream.strided.gather [hbm4b:s17+s20], $0x600, s28, s20, $0x38;
	[tilespmem:$0x11610] =	vst v63  }
0x8d: {  	_ =	swait.ge [sflag:s22], $0x600  }
0x8e: {  	p0 =	seq.s32 s25, $0x0;
	[sflag:s22] =	ssyncset.done $0x0  }
0x8f: {  	s17 =	simm.s32 @!p0 $0x2;
	[sflag:s22] =	ssyncadd.s32 $0xFFFFFA00  }
0x90: {  	_ =	swait.ge @!p0 [sflag:s17], $0x1000  }
0x91: {  	[sflag:s17] =	ssyncset.done @!p0 $0x0  }
0x92: {  	[sflag:s17] =	ssyncadd.s32 @!p0 $0xFFFFF000;
	s17 =	rddreg [dreg:$0x8]  }
0x93: {  	s30 =	simm.s32 $0x0;
	s17 =	sshrl.u32 @!p0 s17, $0x3  }
0x94: {  	[spmem:s17], [sflag:s11] =	dma.local @!p0 [hbm:s10], $0x1000  }
0x95: {  	s29 =	simm.s32 $0x10;
	s28 =	simm.s32 $0x0;
	s17 =	simm.s32 $0x0  }
.LBB2_3:
0x96: {  	p1 =	sne.s32 s29, $0x5D0;
	v2 =	vld [tilespmem:s30+$0x0];
	_ =	sdelay $0x2  }
.Ltmp0:
0x97: {  	(pc) =	sbr.rel @p1 .LBB2_3-.Ltmp0, $4  }
0x98: {  	s30 =	sand.u32 $0x1E00, s28  }
0x99: {  	s31 =	sand.u32 $0x70, s17;
	s17 =	smov.u32 s29;
	s30 =	sshrl.u32 s30, $0x2;
	vm0 =	vlt.u32 v2, $0x80000  }
0x9a: {  	s28 =	sadd.s32 $0x40, s28;
	s31 =	sor.u32 s31, s30;
	v2 =	vsel vm0, v2, v1  }
0x9b: {  	s29 =	sadd.s32 $0x10, s29;
	s30 =	sshra.s32 s28, $0x2;
	[tilespmem:s31+$0x600] =	vst v2  }
0x9c: {  	v2 =	vld [tilespmem:s30+$0x0];
	_ =	sdelay $0x3  }
0x9d: {  	s28 =	sand.u32 $0x1E00, s28  }
0x9e: {  	s17 =	sand.u32 $0x70, s17;
	s28 =	sshrl.u32 s28, $0x2;
	vm0 =	vlt.u32 v2, $0x80000  }
0x9f: {  	s17 =	sor.u32 s17, s28;
	v2 =	vsel vm0, v2, v1  }
0xa0: {  	[tilespmem:s17+$0x600] =	vst v2;
	s17 =	simm.s32 @!p0 $0x3  }
0xa1: {  	_ =	swait.ge @!p0 [sflag:s17], $0x1000  }
0xa2: {  	[sflag:s17] =	ssyncset.done @!p0 $0x0  }
0xa3: {  	[sflag:s17] =	ssyncadd.s32 @!p0 $0xFFFFF000  }
0xa4: {  	s18 =	simm.s32 $0xE00;
	s17 =	simm.s32 $0x600;
	[bflag:$0x0] =	sbarrier.arrive $0xFFFF  }
0xa5: {  	[spmem:s2] =	stream.indirect.scatter [tilespmem:s18], [sflag:$0x1], $0x1, s17, s20, $0xb8;
	[tilespmem:$0x11610] =	vst v63  }
0xa6: {  	s17 =	simm.s32 $0x680;
	s18 =	simm.s32 $0xE80  }
0xa7: {  	[spmem:s2] =	stream.indirect.scatter [tilespmem:s18], [sflag:$0x1], $0x1, s17, s20, $0xb8;
	[tilespmem:$0x11610] =	vst v63  }
0xa8: {  	s17 =	simm.s32 $0x700;
	s18 =	simm.s32 $0xF00  }
0xa9: {  	[spmem:s2] =	stream.indirect.scatter [tilespmem:s18], [sflag:$0x1], $0x1, s17, s20, $0xb8;
	[tilespmem:$0x11610] =	vst v63  }
0xaa: {  	s17 =	simm.s32 $0x780;
	s18 =	simm.s32 $0xF80  }
0xab: {  	[spmem:s2] =	stream.indirect.scatter [tilespmem:s18], [sflag:$0x1], $0x1, s17, s20, $0xb8;
	[tilespmem:$0x11610] =	vst v63  }
0xac: {  	_ = 	snop  }
0xad: {  	[spmem:s2] =	stream.indirect.scatter [tilespmem:s16], [sflag:$0x1], $0x1, s0, s20, $0xb8;
	[tilespmem:$0x11610] =	vst v63  }
0xae: {  	_ = 	snop  }
0xaf: {  	[spmem:s2] =	stream.indirect.scatter [tilespmem:s1], [sflag:$0x1], $0x1, s19, s20, $0xb8;
	[tilespmem:$0x11610] =	vst v63  }
0xb0: {  	_ = 	snop  }
0xb1: {  	[spmem:s2] =	stream.indirect.scatter [tilespmem:s4], [sflag:$0x1], $0x1, s5, s20, $0xb8;
	[tilespmem:$0x11610] =	vst v63  }
0xb2: {  	_ = 	snop  }
0xb3: {  	[spmem:s2] =	stream.indirect.scatter [tilespmem:s6], [sflag:$0x1], $0x1, s21, s20, $0xb8;
	[tilespmem:$0x11610] =	vst v63  }
0xb4: {  	_ = 	snop  }
0xb5: {  	[spmem:s2] =	stream.indirect.scatter [tilespmem:s8], [sflag:$0x1], $0x1, s7, s20, $0xb8;
	[tilespmem:$0x11610] =	vst v63  }
0xb6: {  	_ = 	snop  }
0xb7: {  	[spmem:s2] =	stream.indirect.scatter [tilespmem:s12], [sflag:$0x1], $0x1, s9, s20, $0xb8;
	[tilespmem:$0x11610] =	vst v63  }
0xb8: {  	_ = 	snop  }
0xb9: {  	[spmem:s2] =	stream.indirect.scatter [tilespmem:s14], [sflag:$0x1], $0x1, s13, s20, $0xb8;
	[tilespmem:$0x11610] =	vst v63  }
0xba: {  	_ = 	snop  }
0xbb: {  	[spmem:s2] =	stream.indirect.scatter [tilespmem:s23], [sflag:$0x1], $0x1, s15, s20, $0xb8;
	[tilespmem:$0x11610] =	vst v63  }
0xbc: {  	_ =	swait.ge [sflag:s24], $0x80  }
0xbd: {  	[sflag:s24] =	ssyncset.done $0x0  }
0xbe: {  	[sflag:s24] =	ssyncadd.s32 $0xFFFFFF80  }
0xbf: {  	_ =	swait.ge [sflag:s24], $0x80  }
0xc0: {  	[sflag:s24] =	ssyncset.done $0x0  }
0xc1: {  	[sflag:s24] =	ssyncadd.s32 $0xFFFFFF80  }
0xc2: {  	_ =	swait.ge [sflag:s24], $0x80  }
0xc3: {  	[sflag:s24] =	ssyncset.done $0x0  }
0xc4: {  	[sflag:s24] =	ssyncadd.s32 $0xFFFFFF80  }
0xc5: {  	_ =	swait.ge [sflag:s24], $0x80  }
0xc6: {  	[sflag:s24] =	ssyncset.done $0x0  }
0xc7: {  	[sflag:s24] =	ssyncadd.s32 $0xFFFFFF80  }
0xc8: {  	_ =	swait.ge [sflag:s24], $0x80  }
0xc9: {  	[sflag:s24] =	ssyncset.done $0x0  }
0xca: {  	[sflag:s24] =	ssyncadd.s32 $0xFFFFFF80  }
0xcb: {  	_ =	swait.ge [sflag:s24], $0x80  }
0xcc: {  	[sflag:s24] =	ssyncset.done $0x0  }
0xcd: {  	[sflag:s24] =	ssyncadd.s32 $0xFFFFFF80  }
0xce: {  	_ =	swait.ge [sflag:s24], $0x80  }
0xcf: {  	[sflag:s24] =	ssyncset.done $0x0  }
0xd0: {  	[sflag:s24] =	ssyncadd.s32 $0xFFFFFF80  }
0xd1: {  	_ =	swait.ge [sflag:s24], $0x80  }
0xd2: {  	[sflag:s24] =	ssyncset.done $0x0  }
0xd3: {  	[sflag:s24] =	ssyncadd.s32 $0xFFFFFF80  }
0xd4: {  	_ =	swait.ge [sflag:s24], $0x80  }
0xd5: {  	[sflag:s24] =	ssyncset.done $0x0  }
0xd6: {  	[sflag:s24] =	ssyncadd.s32 $0xFFFFFF80  }
0xd7: {  	_ =	swait.ge [sflag:s24], $0x80  }
0xd8: {  	[sflag:s24] =	ssyncset.done $0x0  }
0xd9: {  	[sflag:s24] =	ssyncadd.s32 $0xFFFFFF80  }
0xda: {  	_ =	swait.ge [sflag:s24], $0x80  }
0xdb: {  	[sflag:s24] =	ssyncset.done $0x0  }
0xdc: {  	[sflag:s24] =	ssyncadd.s32 $0xFFFFFF80  }
0xdd: {  	_ =	swait.ge [sflag:s24], $0x80  }
0xde: {  	[sflag:s24] =	ssyncset.done $0x0  }
0xdf: {  	s18 =	sshll.u32 s26, $0x14;
	s26 =	rddreg [dreg:$0x6];
	[sflag:s24] =	ssyncadd.s32 $0xFFFFFF80  }
0xe0: {  	s17 =	sor.u32 s26, s18;
	[bflag:$0x0] =	sbarrier.arrive $0xFFFF  }
0xe1: {  	s26 =	sshrl.u32 s17, $0x3;
	s18 =	rddreg [dreg:$0x5]  }
0xe2: {  	s17 =	sadd.s32 s18, s26;
	s18 =	rddreg [dreg:$0x7]  }
0xe3: {  	s28 =	sor.u32 $0x1C02, s18;
	s18 =	rddreg [dreg:$0xe]  }
0xe4: {  	[hbm:s17], [sflag:s28] =	dma.local [spmem:s18], $0x1000  }
0xe5: {  	s17 =	simm.s32 @!p0 $0x2  }
0xe6: {  	_ =	swait.ge @!p0 [sflag:s17], $0x1000  }
0xe7: {  	[sflag:s17] =	ssyncset.done @!p0 $0x0  }
0xe8: {  	[sflag:s17] =	ssyncadd.s32 @!p0 $0xFFFFF000;
	s17 =	rddreg [dreg:$0x9]  }
0xe9: {  	s29 =	simm.s32 $0x0;
	s17 =	sshrl.u32 @!p0 s17, $0x3  }
0xea: {  	[spmem:s17], [sflag:s11] =	dma.local @!p0 [hbm:s10], $0x1000  }
0xeb: {  	s31 =	simm.s32 $0x0;
	s30 =	simm.s32 $0x0;
	s17 =	simm.s32 $0x10  }
.LBB2_5:
0xec: {  	p1 =	sne.s32 s17, $0x5D0;
	v2 =	vld [tilespmem:s31+$0x0];
	_ =	sdelay $0x3  }
.Ltmp1:
0xed: {  	(pc) =	sbr.rel @p1 .LBB2_5-.Ltmp1, $4  }
0xee: {  	s31 =	sand.u32 $0x1E00, s29;
	v3 =	vand.u32 $0xFFF80000, v2  }
0xef: {  	s18 =	sand.u32 $0x70, s30;
	s30 =	smov.u32 s17;
	s31 =	sshrl.u32 s31, $0x2;
	v2 =	vadd.s32 $0xFFF80000, v2;
	vm0 =	veq.s32 v3, $0x80000  }
0xf0: {  	s29 =	sadd.s32 $0x40, s29;
	s18 =	sor.u32 s18, s31;
	v2 =	vsel vm0, v2, v1  }
0xf1: {  	s17 =	sadd.s32 $0x10, s17;
	s31 =	sshra.s32 s29, $0x2;
	[tilespmem:s18+$0x600] =	vst v2  }
0xf2: {  	v2 =	vld [tilespmem:s31+$0x0];
	_ =	sdelay $0x4  }
0xf3: {  	s17 =	sand.u32 $0x1E00, s29;
	v3 =	vand.u32 $0xFFF80000, v2  }
0xf4: {  	s18 =	sand.u32 $0x70, s30;
	s17 =	sshrl.u32 s17, $0x2;
	v2 =	vadd.s32 $0xFFF80000, v2;
	vm0 =	veq.s32 v3, $0x80000  }
0xf5: {  	s17 =	sor.u32 s18, s17;
	v2 =	vsel vm0, v2, v1  }
0xf6: {  	[tilespmem:s17+$0x600] =	vst v2;
	s17 =	simm.s32 @!p0 $0x3  }
0xf7: {  	_ =	swait.ge @!p0 [sflag:s17], $0x1000  }
0xf8: {  	[sflag:s17] =	ssyncset.done @!p0 $0x0  }
0xf9: {  	[sflag:s17] =	ssyncadd.s32 @!p0 $0xFFFFF000  }
0xfa: {  	s30 =	simm.s32 $0x600;
	s31 =	simm.s32 $0xE00;
	[bflag:$0x0] =	sbarrier.arrive $0xFFFF  }
0xfb: {  	[spmem:s3] =	stream.indirect.scatter [tilespmem:s31], [sflag:$0x1], $0x1, s30, s20, $0xb8;
	[tilespmem:$0x11610] =	vst v63  }
0xfc: {  	s29 =	simm.s32 $0xE80;
	s18 =	simm.s32 $0x680  }
0xfd: {  	[spmem:s3] =	stream.indirect.scatter [tilespmem:s29], [sflag:$0x1], $0x1, s18, s20, $0xb8;
	[tilespmem:$0x11610] =	vst v63  }
0xfe: {  	s30 =	simm.s32 $0x700;
	s31 =	simm.s32 $0xF00  }
0xff: {  	[spmem:s3] =	stream.indirect.scatter [tilespmem:s31], [sflag:$0x1], $0x1, s30, s20, $0xb8;
	[tilespmem:$0x11610] =	vst v63  }
0x100: {  	s18 =	simm.s32 $0x780;
	s29 =	simm.s32 $0xF80  }
0x101: {  	[spmem:s3] =	stream.indirect.scatter [tilespmem:s29], [sflag:$0x1], $0x1, s18, s20, $0xb8;
	[tilespmem:$0x11610] =	vst v63  }
0x102: {  	_ = 	snop  }
0x103: {  	[spmem:s3] =	stream.indirect.scatter [tilespmem:s16], [sflag:$0x1], $0x1, s0, s20, $0xb8;
	[tilespmem:$0x11610] =	vst v63  }
0x104: {  	_ = 	snop  }
0x105: {  	[spmem:s3] =	stream.indirect.scatter [tilespmem:s1], [sflag:$0x1], $0x1, s19, s20, $0xb8;
	[tilespmem:$0x11610] =	vst v63  }
0x106: {  	_ = 	snop  }
0x107: {  	[spmem:s3] =	stream.indirect.scatter [tilespmem:s4], [sflag:$0x1], $0x1, s5, s20, $0xb8;
	[tilespmem:$0x11610] =	vst v63  }
0x108: {  	_ = 	snop  }
0x109: {  	[spmem:s3] =	stream.indirect.scatter [tilespmem:s6], [sflag:$0x1], $0x1, s21, s20, $0xb8;
	[tilespmem:$0x11610] =	vst v63  }
0x10a: {  	_ = 	snop  }
0x10b: {  	[spmem:s3] =	stream.indirect.scatter [tilespmem:s8], [sflag:$0x1], $0x1, s7, s20, $0xb8;
	[tilespmem:$0x11610] =	vst v63  }
0x10c: {  	_ = 	snop  }
0x10d: {  	[spmem:s3] =	stream.indirect.scatter [tilespmem:s12], [sflag:$0x1], $0x1, s9, s20, $0xb8;
	[tilespmem:$0x11610] =	vst v63  }
0x10e: {  	_ = 	snop  }
0x10f: {  	[spmem:s3] =	stream.indirect.scatter [tilespmem:s14], [sflag:$0x1], $0x1, s13, s20, $0xb8;
	[tilespmem:$0x11610] =	vst v63  }
0x110: {  	_ = 	snop  }
0x111: {  	[spmem:s3] =	stream.indirect.scatter [tilespmem:s23], [sflag:$0x1], $0x1, s15, s20, $0xb8;
	[tilespmem:$0x11610] =	vst v63  }
0x112: {  	_ =	swait.ge [sflag:s24], $0x80  }
0x113: {  	[sflag:s24] =	ssyncset.done $0x0  }
0x114: {  	[sflag:s24] =	ssyncadd.s32 $0xFFFFFF80  }
0x115: {  	_ =	swait.ge [sflag:s24], $0x80  }
0x116: {  	[sflag:s24] =	ssyncset.done $0x0  }
0x117: {  	[sflag:s24] =	ssyncadd.s32 $0xFFFFFF80  }
0x118: {  	_ =	swait.ge [sflag:s24], $0x80  }
0x119: {  	[sflag:s24] =	ssyncset.done $0x0  }
0x11a: {  	[sflag:s24] =	ssyncadd.s32 $0xFFFFFF80  }
0x11b: {  	_ =	swait.ge [sflag:s24], $0x80  }
0x11c: {  	[sflag:s24] =	ssyncset.done $0x0  }
0x11d: {  	[sflag:s24] =	ssyncadd.s32 $0xFFFFFF80  }
0x11e: {  	_ =	swait.ge [sflag:s24], $0x80  }
0x11f: {  	[sflag:s24] =	ssyncset.done $0x0  }
0x120: {  	[sflag:s24] =	ssyncadd.s32 $0xFFFFFF80  }
0x121: {  	_ =	swait.ge [sflag:s24], $0x80  }
0x122: {  	[sflag:s24] =	ssyncset.done $0x0  }
0x123: {  	[sflag:s24] =	ssyncadd.s32 $0xFFFFFF80  }
0x124: {  	_ =	swait.ge [sflag:s24], $0x80  }
0x125: {  	[sflag:s24] =	ssyncset.done $0x0  }
0x126: {  	[sflag:s24] =	ssyncadd.s32 $0xFFFFFF80  }
0x127: {  	_ =	swait.ge [sflag:s24], $0x80  }
0x128: {  	[sflag:s24] =	ssyncset.done $0x0  }
0x129: {  	[sflag:s24] =	ssyncadd.s32 $0xFFFFFF80  }
0x12a: {  	_ =	swait.ge [sflag:s24], $0x80  }
0x12b: {  	[sflag:s24] =	ssyncset.done $0x0  }
0x12c: {  	[sflag:s24] =	ssyncadd.s32 $0xFFFFFF80  }
0x12d: {  	_ =	swait.ge [sflag:s24], $0x80  }
0x12e: {  	[sflag:s24] =	ssyncset.done $0x0  }
0x12f: {  	[sflag:s24] =	ssyncadd.s32 $0xFFFFFF80  }
0x130: {  	_ =	swait.ge [sflag:s24], $0x80  }
0x131: {  	[sflag:s24] =	ssyncset.done $0x0  }
0x132: {  	[sflag:s24] =	ssyncadd.s32 $0xFFFFFF80  }
0x133: {  	s25 =	sadd.s32 $0x1, s25;
	_ =	swait.ge [sflag:s24], $0x80  }
0x134: {  	p0 =	sne.s32 s25, $0x20;
	[sflag:s24] =	ssyncset.done $0x0  }
.Ltmp2:
0x135: {  	[sflag:s24] =	ssyncadd.s32 $0xFFFFFF80;
	(pc) =	sbr.rel @p0 .LBB2_2-.Ltmp2, $4  }
0x136: {  	[bflag:$0x0] =	sbarrier.arrive $0xFFFF  }
0x137: {  	s30 =	rddreg [dreg:$0xc]  }
0x138: {  	s31 =	rddreg [dreg:$0xf];
	s17 =	sadd.s32 s26, s30  }
0x139: {  	[hbm:s17], [sflag:s28] =	dma.local [spmem:s31], $0x1000  }
0x13a: {  	s18 =	simm.s32 $0x2  }
0x13b: {  	_ =	swait.ge [sflag:s18], $0x1000  }
0x13c: {  	[sflag:s18] =	ssyncset.done $0x0  }
0x13d: {  	[sflag:s18] =	ssyncadd.s32 $0xFFFFF000  }
0x13e: {  	_ =	swait.ge [sflag:s18], $0x1000  }
0x13f: {  	s25 =	rddreg [dreg:$0x10]  }
0x140: {  	s17 =	rddreg [dreg:$0xd];
	s25 =	sadd.s32 $0x1, s25  }
0x141: {  	p0 =	sne.s32 s25, s17  }
.Ltmp3:
0x142: {  	_ = 	snop;
	(pc) =	sbr.rel @p0 .LBB2_1-.Ltmp3, $3  }
0x143: {  	_ =	sdelay $0x1  }
0x144: {  	[sflag:s18] =	ssyncset.done $0x0  }
0x145: {  	[sflag:s18] =	ssyncadd.s32 $0xFFFFF000  }
0x146: {  	_ =	sfence.sel $0x180000  }
0x147: {  	[bflag:$0x0] =	sbarrier.arrive $0xFFFF  }
0x148: {  	_ =	strace $0x90000047  }
0x149: {  	s0 =	stileid.u32;
	[bflag:$0x2] =	sbarrier.arrive $0xFFFF  }
0x14a: {  	p0 =	sne.s32 s0, $0x0;
	s0 =	rddreg [dreg:$0x4]  }
0x14b: {  	s0 =	sadd.s32 @!p0 $0x100000, s0  }
0x14c: {  	[sflag:s0] =	ssyncadd.tile.s32 @!p0 $0x1;
	_ =	shalt  }
.Lfunc_end2:
_tile_overlayer_lowered:
.L_overlay_start_2:
0x14d: {  	(tag) =	ssettag $0x2  }
0x14e: {  	s0 =	rddreg [dreg:$0x0];
	s2 =	stileid.u32  }
0x14f: {  	s1 =	rddreg [dreg:$0x1];
	p0 =	sne.s32 s2, $0x0  }
0x150: {  	s3 =	rddreg [dreg:$0x2];
	[bflag:$0x3] =	sbarrier.arrive $0xFFFF;
	s2 =	simm.s32 @!p0 $0x1C04  }
0x151: {  	[timem:s3], [sflag:s2] =	dma.local @!p0 [hbm:s0], s1  }
0x152: {  	s0 =	simm.s32 @!p0 $0x4  }
0x153: {  	_ =	swait.ge @!p0 [sflag:s0], s1  }
0x154: {  	s1 =	ssub.s32 @!p0 $0x0, s1;
	[sflag:s0] =	ssyncset.done @!p0 $0x0  }
0x155: {  	[sflag:s0] =	ssyncadd.s32 @!p0 s1  }
0x156: {  	[bflag:$0x3] =	sbarrier.arrive $0xFFFF  }
0x157: {  	_ =	shalt  }

</sc_bundles>
